<compile_context>
chip_gen: v7x
topology: tpu7x:2x2x1
jax: 0.10.2.dev20260603
libtpu: 0.0.44.dev20260713+nightly
codegen_flags: <defaults>
</compile_context>

<pallas_src>
import functools

import jax
import jax.numpy as jnp
from jax import lax
from jax.experimental import pallas as pl
from jax.experimental.pallas import tpu as pltpu
from jax.experimental.pallas import tpu_sc as plsc

N = 10000
E = 320000
G = 512
D_IN = 128
D_HID = 128
D_OUT = 64
N_EXP = 16

NC = 2
NS = 16
NPAD = 10240


def _zero_vmem_1d(ref, n):
    def body(i, _):
        ref[pl.ds(i * 16, 16)] = jnp.zeros((16,), jnp.float32)
        return 0
    lax.fori_loop(0, n // 16, body, 0)


def _zero_vmem_2d(ref, rows, cols):
    per_row = cols // 16
    def body(i, _):
        r = i // per_row
        c = (i % per_row) * 16
        ref[r, pl.ds(c, 16)] = jnp.zeros((16,), jnp.float32)
        return 0
    lax.fori_loop(0, rows * per_row, body, 0)


def _make_hist_kernel():
    ept = E // (NC * NS)
    k = 1000
    rt = NPAD // NS
    mesh = plsc.VectorSubcoreMesh(core_axis_name="c", subcore_axis_name="s")

    @functools.partial(
        pl.kernel, mesh=mesh,
        out_type=jax.ShapeDtypeStruct((NC, NS, rt), jnp.float32),
        scratch_types=[
            pltpu.VMEM((k,), jnp.int32),
            pltpu.VMEM((k,), jnp.float32),
            pltpu.VMEM((rt,), jnp.float32),
            pltpu.VMEM_SHARED((NPAD,), jnp.float32),
        ],
    )
    def hist_kernel(dst_hbm, out_hbm, idx_v, ones_v, zer_v, hist_sh):
        c = lax.axis_index("c")
        s = lax.axis_index("s")
        _zero_vmem_1d(zer_v, rt)
        def ones_body(i, _):
            ones_v[pl.ds(i * 16, 16)] = jnp.ones((16,), jnp.float32)
            return 0
        lax.fori_loop(0, k // 16, ones_body, 0)
        pltpu.sync_copy(zer_v, hist_sh.at[pl.ds(s * rt, rt)])
        plsc.subcore_barrier()
        base = (c * NS + s) * ept
        def body(i, _):
            pltpu.sync_copy(dst_hbm.at[pl.ds(base + i * k, k)], idx_v)
            pltpu.sync_copy(ones_v, hist_sh.at[idx_v], add=True)
            return 0
        lax.fori_loop(0, ept // k, body, 0)
        plsc.subcore_barrier()
        pltpu.sync_copy(hist_sh.at[pl.ds(s * rt, rt)], out_hbm.at[c, s])

    return hist_kernel


def _make_scatter_kernel(d, k):
    ept = E // (NC * NS)
    nch = ept // k
    tail = ept - nch * k
    rt = NPAD // NS
    zr = 128
    mesh = plsc.VectorSubcoreMesh(core_axis_name="c", subcore_axis_name="s")

    @functools.partial(
        pl.kernel, mesh=mesh,
        out_type=jax.ShapeDtypeStruct((NC, NPAD, d), jnp.float32),
        scratch_types=[
            pltpu.VMEM((k,), jnp.int32),
            pltpu.VMEM((k,), jnp.int32),
            pltpu.VMEM((k,), jnp.int32),
            pltpu.VMEM((k,), jnp.int32),
            pltpu.VMEM((k, d), jnp.float32),
            pltpu.VMEM((k, d), jnp.float32),
            pltpu.VMEM((64,), jnp.int32),
            pltpu.VMEM((64,), jnp.int32),
            pltpu.VMEM_SHARED((NPAD, d), jnp.float32),
            pltpu.SemaphoreType.DMA,
            pltpu.SemaphoreType.DMA,
            pltpu.SemaphoreType.DMA,
            pltpu.SemaphoreType.DMA,
        ],
    )
    def scatter_kernel(y_hbm, src_hbm, dst_hbm, out_hbm,
                       si0_v, si1_v, di0_v, di1_v, rows0_v, rows1_v,
                       st_v, dt_v,
                       acc_sh, semg0, semg1, semi0, semi1):
        c = lax.axis_index("c")
        s = lax.axis_index("s")
        si = (si0_v, si1_v)
        di = (di0_v, di1_v)
        rows = (rows0_v, rows1_v)
        semg = (semg0, semg1)
        semi = (semi0, semi1)
        base = (c * NS + s) * ept

        def issue_idx(b, j):
            pltpu.async_copy(src_hbm.at[pl.ds(base + j * k, k)], si[b], semi[b])
            pltpu.async_copy(dst_hbm.at[pl.ds(base + j * k, k)], di[b], semi[b])

        def wait_idx(b):
            pltpu.make_async_copy(src_hbm.at[pl.ds(0, k)], si[b],
                                  semi[b]).wait()
            pltpu.make_async_copy(src_hbm.at[pl.ds(0, k)], di[b],
                                  semi[b]).wait()

        issue_idx(0, 0)
        issue_idx(1, 1)
        _zero_vmem_2d(rows0_v, zr, d)
        for j in range(rt // zr):
            pltpu.sync_copy(rows0_v.at[pl.ds(0, zr)],
                            acc_sh.at[pl.ds(s * rt + j * zr, zr)])
        plsc.subcore_barrier()
        if tail:
            pltpu.sync_copy(src_hbm.at[pl.ds(base + nch * k, tail)], st_v)
            pltpu.sync_copy(dst_hbm.at[pl.ds(base + nch * k, tail)], dt_v)
            pltpu.async_copy(y_hbm.at[st_v], rows0_v.at[pl.ds(0, tail)],
                             semg0).wait()
            pltpu.sync_copy(rows0_v.at[pl.ds(0, tail)], acc_sh.at[dt_v],
                            add=True)
        wait_idx(0)
        pltpu.async_copy(y_hbm.at[si0_v], rows0_v, semg0)

        def body(i, _):
            j0 = i * 2
            for b in range(2):
                j = j0 + b
                o = 1 - b

                @pl.when(j + 1 < nch)
                def _():
                    wait_idx(o)
                    pltpu.async_copy(y_hbm.at[si[o]], rows[o], semg[o])
                pltpu.make_async_copy(y_hbm.at[pl.ds(0, k)],
                                      rows[b], semg[b]).wait()
                pltpu.sync_copy(rows[b], acc_sh.at[di[b]], add=True)

                @pl.when(j + 2 < nch)
                def _():
                    issue_idx(b, j + 2)
            return 0
        lax.fori_loop(0, nch // 2, body, 0)
        plsc.subcore_barrier()
        pltpu.sync_copy(acc_sh.at[pl.ds(s * rt, rt)],
                        out_hbm.at[c, pl.ds(s * rt, rt)])

    return scatter_kernel


KCH = 184
_hist_call = _make_hist_kernel()
_scatter128 = _make_scatter_kernel(128, KCH)


def _tc_stage0(x, w1):
    def body(x_ref, w_ref, xw_ref):
        xw_ref[...] = jnp.dot(x_ref[...], w_ref[...],
                              preferred_element_type=jnp.float32)

    return pl.pallas_call(
        body,
        out_shape=jax.ShapeDtypeStruct((N, D_HID), jnp.float32),
    )(x, w1)


def _tc_stage1(xw1, b1row, histcol):
    def body(xw_ref, b_ref, h_ref, y_ref, t_ref, dinv_ref):
        xw = xw_ref[...]
        dinv = lax.rsqrt(h_ref[...] + 1.0)
        y_ref[...] = xw * dinv
        t_ref[...] = xw * (dinv * dinv) + b_ref[...]
        dinv_ref[...] = dinv

    return pl.pallas_call(
        body,
        out_shape=[
            jax.ShapeDtypeStruct((N, D_HID), jnp.float32),
            jax.ShapeDtypeStruct((N, D_HID), jnp.float32),
            jax.ShapeDtypeStruct((N, 1), jnp.float32),
        ],
    )(xw1, b1row, histcol)


def _tc_stage2(s1p, t1, dinv, w2, b2row):
    def body(sp_ref, t1_ref, dinv_ref, w_ref, b_ref, yt_ref):
        h = dinv_ref[...] * (sp_ref[0, :N] + sp_ref[1, :N]) + t1_ref[...]
        xw = jnp.dot(h, w_ref[...], preferred_element_type=jnp.float32)
        dinv = dinv_ref[...]
        yt_ref[...] = jnp.concatenate(
            [xw * dinv, xw * (dinv * dinv) + b_ref[...]], axis=1)

    return pl.pallas_call(
        body,
        out_shape=jax.ShapeDtypeStruct((N, 2 * D_OUT), jnp.float32),
    )(s1p, t1, dinv, w2, b2row)


def _tc_stage3(s2p, yt2, dinv, batchrow, wc, bcrow):
    blk = 2000
    grid = N // blk

    def body(sp_ref, yt_ref, dinv_ref, b_ref, wc_ref, bc_ref, out_ref,
             pool_acc, cnt_acc):
        i = pl.program_id(0)

        @pl.when(i == 0)
        def _():
            pool_acc[...] = jnp.zeros_like(pool_acc)
            cnt_acc[...] = jnp.zeros_like(cnt_acc)

        out2 = (dinv_ref[...] * (sp_ref[0, :, :D_OUT] + sp_ref[1, :, :D_OUT])
                + yt_ref[:, D_OUT:])
        gids = lax.broadcasted_iota(jnp.int32, (G, blk), 0)
        mask = (b_ref[0] == gids).astype(jnp.float32)
        pool_acc[...] += jnp.dot(mask, out2,
                                 preferred_element_type=jnp.float32)
        cnt_acc[...] += jnp.sum(mask, axis=1, keepdims=True)

        @pl.when(i == pl.num_programs(0) - 1)
        def _():
            pooled = pool_acc[...] / jnp.maximum(cnt_acc[...], 1.0)
            logits = jnp.dot(pooled, wc_ref[...],
                             preferred_element_type=jnp.float32) + bc_ref[...]
            m = jnp.max(logits, axis=1, keepdims=True)
            e = jnp.exp(logits - m)
            out_ref[...] = e / jnp.sum(e, axis=1, keepdims=True)

    return pl.pallas_call(
        body,
        grid=(grid,),
        in_specs=[
            pl.BlockSpec((2, blk, 2 * D_OUT), lambda i: (0, i, 0)),
            pl.BlockSpec((blk, 2 * D_OUT), lambda i: (i, 0)),
            pl.BlockSpec((blk, 1), lambda i: (i, 0)),
            pl.BlockSpec((1, 1, blk), lambda i: (i, 0, 0)),
            pl.BlockSpec((D_OUT, N_EXP), lambda i: (0, 0)),
            pl.BlockSpec((1, N_EXP), lambda i: (0, 0)),
        ],
        out_specs=pl.BlockSpec((G, N_EXP), lambda i: (0, 0)),
        out_shape=jax.ShapeDtypeStruct((G, N_EXP), jnp.float32),
        scratch_shapes=[
            pltpu.VMEM((G, D_OUT), jnp.float32),
            pltpu.VMEM((G, 1), jnp.float32),
        ],
    )(s2p, yt2, dinv, batchrow, wc, bcrow)


def kernel(subgraph_x, subgraph_edge_index, subgraph_batch,
           W1, b1, W2, b2, Wc, bc):
    src = subgraph_edge_index[0]
    dst = subgraph_edge_index[1]

    xw1 = _tc_stage0(subgraph_x, W1)
    hist_parts = _hist_call(dst)
    histcol = (hist_parts.reshape(NC, NPAD).sum(axis=0)[:N]
               .reshape(N, 1))

    y1, t1, dinv = _tc_stage1(xw1, b1.reshape(1, D_HID), histcol)
    s1p = _scatter128(y1, src, dst)
    yt2 = _tc_stage2(s1p, t1, dinv, W2, b2.reshape(1, D_OUT))
    s2p = _scatter128(yt2, src, dst)
    return _tc_stage3(s2p, yt2, dinv, subgraph_batch.reshape(N // 2000, 1, 2000),
                      Wc, bc.reshape(1, N_EXP))

# --- scband reference (transcript-rebuilt; emitter-appended) ---
"""Pipeline reference for scband-gating-10952166605135 (READ-ONLY COPY).

The authoritative reference and input builder live on the scoring server;
editing this copy changes nothing except your own understanding.
"""

import jax, jax.numpy as jnp
import numpy as np

N_NODES = 10000
N_EDGES = 320000
NUM_GRAPHS = 512
IN_DIM = 128
HIDDEN_DIM = 128
OUT_DIM = 64
NUM_EXPERTS = 16


def gcn_conv(x, edge_index, W, b):
    n = x.shape[0]
    xw = x @ W
    loop = jnp.arange(n, dtype=edge_index.dtype)
    src = jnp.concatenate([edge_index[0], loop])
    dst = jnp.concatenate([edge_index[1], loop])
    deg = jax.ops.segment_sum(jnp.ones(src.shape[0], dtype=xw.dtype), dst, num_segments=n)
    dinv = jnp.where(deg > 0, deg ** -0.5, 0.0)
    norm = dinv[src] * dinv[dst]
    msgs = xw[src] * norm[:, None]
    out = jax.ops.segment_sum(msgs, dst, num_segments=n)
    return out + b


def global_mean_pool(x, batch, num_graphs):
    sums = jax.ops.segment_sum(x, batch, num_segments=num_graphs)
    cnt = jax.ops.segment_sum(jnp.ones((x.shape[0],), x.dtype), batch, num_segments=num_graphs)
    return sums / jnp.clip(cnt, 1.0)[:, None]


def setup_inputs(seed: int = 0) -> dict:
    key = jax.random.key(seed)
    ks = jax.random.split(key, 8)
    subgraph_x = jax.random.normal(ks[0], (N_NODES, IN_DIM), dtype=jnp.float32)
    subgraph_edge_index = jax.random.randint(ks[1], (2, N_EDGES), 0, N_NODES, dtype=jnp.int32)
    subgraph_batch = jnp.sort(jax.random.randint(ks[2], (N_NODES,), 0, NUM_GRAPHS, dtype=jnp.int32))
    W1 = jax.random.normal(ks[3], (IN_DIM, HIDDEN_DIM), dtype=jnp.float32) * 0.05
    b1 = jnp.zeros((HIDDEN_DIM,), dtype=jnp.float32)
    W2 = jax.random.normal(ks[4], (HIDDEN_DIM, OUT_DIM), dtype=jnp.float32) * 0.05
    b2 = jnp.zeros((OUT_DIM,), dtype=jnp.float32)
    Wc = jax.random.normal(ks[5], (OUT_DIM, NUM_EXPERTS), dtype=jnp.float32) * 0.05
    bc = jnp.zeros((NUM_EXPERTS,), dtype=jnp.float32)
    return {"subgraph_x": subgraph_x, "subgraph_edge_index": subgraph_edge_index,
            "subgraph_batch": subgraph_batch, "W1": W1, "b1": b1, "W2": W2,
            "b2": b2, "Wc": Wc, "bc": bc}


def reference(subgraph_x, subgraph_edge_index, subgraph_batch, W1, b1, W2, b2, Wc, bc):
    # configs.sample_hop = [1] -> single scale; lists of length 1 in the torch module
    xs = [subgraph_x]
    eis = [subgraph_edge_index]
    bs = [subgraph_batch]
    pooled = []
    for i in range(len(xs)):
        h = gcn_conv(xs[i], eis[i], W1, b1)
        h = gcn_conv(h, eis[i], W2, b2)
        pooled.append(global_mean_pool(h, bs[i], NUM_GRAPHS))
    x = jnp.concatenate(pooled, axis=-1)
    out = x @ Wc + bc
    temperature = 1.0
    return jax.nn.softmax(out / temperature, axis=-1)

if __name__ == "__main__":
    import jax
    _d = setup_inputs()
    print(jax.jit(kernel)(*tuple(_d.values())))

</pallas_src>

<mosaic_0001>
#map = affine_map<(d0, d1) -> (0, 0)>
#map1 = affine_map<(d0, d1) -> (0)>
#map2 = affine_map<(d0, d1) -> (0, 0, 0)>
module attributes {stable_mosaic.version = 14 : i64} {
  func.func @scatter_kernel(%arg0: i32, %arg1: i32, %arg2: memref<10000x128xf32, #tpu.memory_space<hbm>>, %arg3: memref<320000xi32, #tpu.memory_space<hbm>>, %arg4: memref<320000xi32, #tpu.memory_space<hbm>>, %arg5: memref<2x10240x128xf32, #tpu.memory_space<hbm>>, %arg6: memref<184xi32, #tpu.memory_space<vmem>>, %arg7: memref<184xi32, #tpu.memory_space<vmem>>, %arg8: memref<184xi32, #tpu.memory_space<vmem>>, %arg9: memref<184xi32, #tpu.memory_space<vmem>>, %arg10: memref<184x128xf32, #tpu.memory_space<vmem>>, %arg11: memref<184x128xf32, #tpu.memory_space<vmem>>, %arg12: memref<64xi32, #tpu.memory_space<vmem>>, %arg13: memref<64xi32, #tpu.memory_space<vmem>>, %arg14: memref<10240x128xf32, #tpu.memory_space<vmem_shared>>, %arg15: memref<!tpu.dma_semaphore, #tpu.memory_space<semaphore_mem>>, %arg16: memref<!tpu.dma_semaphore, #tpu.memory_space<semaphore_mem>>, %arg17: memref<!tpu.dma_semaphore, #tpu.memory_space<semaphore_mem>>, %arg18: memref<!tpu.dma_semaphore, #tpu.memory_space<semaphore_mem>>) attributes {dimension_semantics = [#tpu.dimension_semantics<core_parallel>, #tpu.dimension_semantics<subcore_parallel>], iteration_bounds = array<i64: 2, 16>, scalar_prefetch = 0 : i64, scratch_operands = 13 : i64, tpu.core_type = #tpu.core_type<sc_vector_subcore>, window_params = [{transform_indices = #map}, {transform_indices = #map1}, {transform_indices = #map1}, {transform_indices = #map2}]} {
    %mul3A = arith.constant 16 : i32
    %mul3A_0 = arith.muli %arg0, %mul3A : i32
    %add3A = arith.addi %mul3A_0, %arg1 : i32
    %mul3A_1 = arith.constant 10000 : i32
    %mul3A_2 = arith.muli %add3A, %mul3A_1 : i32
    %add3A_3 = arith.constant 0 : i32
    %add3A_4 = arith.addi %mul3A_2, %add3A_3 : i32
    %dma_start3A = tpu.memref_slice %arg3[%add3A_4] : memref<320000xi32, #tpu.memory_space<hbm>> -> memref<184xi32, #tpu.memory_space<hbm>>
    %dma_start3A_5 = tpu.memref_slice %arg3[%add3A_4] : memref<320000xi32, #tpu.memory_space<hbm>> -> memref<184xi32, #tpu.memory_space<hbm>>
    tpu.enqueue_dma source(%dma_start3A_5 : memref<184xi32, #tpu.memory_space<hbm>>) target(%arg6 : memref<184xi32, #tpu.memory_space<vmem>>) target_semaphore(%arg17 : memref<!tpu.dma_semaphore, #tpu.memory_space<semaphore_mem>>)
    %add3A_6 = arith.constant 0 : i32
    %add3A_7 = arith.addi %mul3A_2, %add3A_6 : i32
    %dma_start3A_8 = tpu.memref_slice %arg4[%add3A_7] : memref<320000xi32, #tpu.memory_space<hbm>> -> memref<184xi32, #tpu.memory_space<hbm>>
    %dma_start3A_9 = tpu.memref_slice %arg4[%add3A_7] : memref<320000xi32, #tpu.memory_space<hbm>> -> memref<184xi32, #tpu.memory_space<hbm>>
    tpu.enqueue_dma source(%dma_start3A_9 : memref<184xi32, #tpu.memory_space<hbm>>) target(%arg8 : memref<184xi32, #tpu.memory_space<vmem>>) target_semaphore(%arg17 : memref<!tpu.dma_semaphore, #tpu.memory_space<semaphore_mem>>)
    %add3A_10 = arith.constant 184 : i32
    %add3A_11 = arith.addi %mul3A_2, %add3A_10 : i32
    %dma_start3A_12 = tpu.memref_slice %arg3[%add3A_11] : memref<320000xi32, #tpu.memory_space<hbm>> -> memref<184xi32, #tpu.memory_space<hbm>>
    %dma_start3A_13 = tpu.memref_slice %arg3[%add3A_11] : memref<320000xi32, #tpu.memory_space<hbm>> -> memref<184xi32, #tpu.memory_space<hbm>>
    tpu.enqueue_dma source(%dma_start3A_13 : memref<184xi32, #tpu.memory_space<hbm>>) target(%arg7 : memref<184xi32, #tpu.memory_space<vmem>>) target_semaphore(%arg18 : memref<!tpu.dma_semaphore, #tpu.memory_space<semaphore_mem>>)
    %add3A_14 = arith.constant 184 : i32
    %add3A_15 = arith.addi %mul3A_2, %add3A_14 : i32
    %dma_start3A_16 = tpu.memref_slice %arg4[%add3A_15] : memref<320000xi32, #tpu.memory_space<hbm>> -> memref<184xi32, #tpu.memory_space<hbm>>
    %dma_start3A_17 = tpu.memref_slice %arg4[%add3A_15] : memref<320000xi32, #tpu.memory_space<hbm>> -> memref<184xi32, #tpu.memory_space<hbm>>
    tpu.enqueue_dma source(%dma_start3A_17 : memref<184xi32, #tpu.memory_space<hbm>>) target(%arg9 : memref<184xi32, #tpu.memory_space<vmem>>) target_semaphore(%arg18 : memref<!tpu.dma_semaphore, #tpu.memory_space<semaphore_mem>>)
    %scan3A = arith.constant 0 : i32
    %scan3A_18 = arith.constant 0 : i32
    %scan3A_19 = arith.constant 1024 : i32
    %scan3A_20 = arith.addi %scan3A_18, %scan3A_19 : i32
    %scan3A_21 = arith.constant 1 : i32
    %scan3A_22 = scf.for %scan3A_82 = %scan3A_18 to %scan3A_20 step %scan3A_21 iter_args(%scan3A_83 = %scan3A) -> (i32)  : i32 {
      %jit3A = arith.constant 8 : i32
      %div3A = arith.divsi %scan3A_82, %jit3A : i32
      %sign3A = arith.constant 0 : i32
      %sign3A_84 = arith.cmpi sgt, %scan3A_82, %sign3A : i32
      %sign3A_85 = arith.extui %sign3A_84 : i1 to i32
      %sign3A_86 = arith.constant 0 : i32
      %sign3A_87 = arith.cmpi slt, %scan3A_82, %sign3A_86 : i32
      %sign3A_88 = arith.extui %sign3A_87 : i1 to i32
      %sign3A_89 = arith.subi %sign3A_85, %sign3A_88 : i32
      %sign3A_90 = arith.constant 0 : i32
      %sign3A_91 = arith.cmpi sgt, %jit3A, %sign3A_90 : i32
      %sign3A_92 = arith.extui %sign3A_91 : i1 to i32
      %sign3A_93 = arith.constant 0 : i32
      %sign3A_94 = arith.cmpi slt, %jit3A, %sign3A_93 : i32
      %sign3A_95 = arith.extui %sign3A_94 : i1 to i32
      %sign3A_96 = arith.subi %sign3A_92, %sign3A_95 : i32
      %ne3A = arith.cmpi ne, %sign3A_89, %sign3A_96 : i32
      %rem3A = arith.remsi %scan3A_82, %jit3A : i32
      %ne3A_97 = arith.constant 0 : i32
      %ne3A_98 = arith.cmpi ne, %rem3A, %ne3A_97 : i32
      %and3A = arith.andi %ne3A, %ne3A_98 : i1
      %sub3A = arith.constant 1 : i32
      %sub3A_99 = arith.subi %div3A, %sub3A : i32
      %select_n3A = arith.select %and3A, %sub3A_99, %div3A : i32
      %jit3A_100 = arith.constant 8 : i32
      %eq3A = arith.constant 0 : i32
      %eq3A_101 = arith.cmpi eq, %jit3A_100, %eq3A : i32
      %jit3A_102 = arith.constant 1 : i32
      %select_n3A_103 = arith.select %eq3A_101, %jit3A_102, %jit3A_100 : i32
      %rem3A_104 = arith.remsi %scan3A_82, %select_n3A_103 : i32
      %ne3A_105 = arith.constant 0 : i32
      %ne3A_106 = arith.cmpi ne, %rem3A_104, %ne3A_105 : i32
      %lt3A = arith.constant 0 : i32
      %lt3A_107 = arith.cmpi slt, %rem3A_104, %lt3A : i32
      %lt3A_108 = arith.constant 0 : i32
      %lt3A_109 = arith.cmpi slt, %select_n3A_103, %lt3A_108 : i32
      %ne3A_110 = arith.xori %lt3A_107, %lt3A_109 : i1
      %and3A_111 = arith.andi %ne3A_110, %ne3A_106 : i1
      %add3A_112 = arith.addi %rem3A_104, %select_n3A_103 : i32
      %select_n3A_113 = arith.select %and3A_111, %add3A_112, %rem3A_104 : i32
      %mul3A_114 = arith.constant 16 : i32
      %mul3A_115 = arith.muli %select_n3A_113, %mul3A_114 : i32
      %broadcast_in_dim3A = arith.constant 0.000000e+00 : f32
      %broadcast_in_dim3A_116 = vector.broadcast %broadcast_in_dim3A : f32 to vector<16xf32>
      %swap3A = arith.index_cast %select_n3A : i32 to index
      %swap3A_117 = arith.index_cast %mul3A_115 : i32 to index
      %swap3A_118 = tpu.vector_load %arg10[%swap3A, %swap3A_117] {strides = array<i32>} : memref<184x128xf32, #tpu.memory_space<vmem>>, vector<1x16xf32>,
      %swap3A_119 = vector.shape_cast %swap3A_118 : vector<1x16xf32> to vector<16xf32>
      %swap3A_120 = vector.shape_cast %broadcast_in_dim3A_116 : vector<16xf32> to vector<1x16xf32>
      tpu.vector_store %arg10[%swap3A, %swap3A_117], %swap3A_120 {strides = array<i32>} : memref<184x128xf32, #tpu.memory_space<vmem>>, vector<1x16xf32>,
      %scan3A_121 = arith.constant 0 : i32
      scf.yield %scan3A_121 : i32
    }
    %scan3A_23 = arith.constant 1024 : i32
    %mul3A_24 = arith.constant 640 : i32
    %mul3A_25 = arith.muli %arg1, %mul3A_24 : i32
    %add3A_26 = arith.constant 0 : i32
    %add3A_27 = arith.addi %mul3A_25, %add3A_26 : i32
    "tpu.region"() ({
      %run_scoped3A = tpu.sem_alloc : memref<!tpu.dma_semaphore, #tpu.memory_space<semaphore_mem>>
      %dma_start3A_82 = arith.constant 0 : i32
      %dma_start3A_83 = arith.constant 0 : i32
      %dma_start3A_84 = tpu.memref_slice %arg10[%dma_start3A_82, %dma_start3A_83] : memref<184x128xf32, #tpu.memory_space<vmem>> -> memref<128x128xf32, #tpu.memory_space<vmem>>
      %dma_start3A_85 = arith.constant 0 : i32
      %dma_start3A_86 = tpu.memref_slice %arg14[%add3A_27, %dma_start3A_85] : memref<10240x128xf32, #tpu.memory_space<vmem_shared>> -> memref<128x128xf32, #tpu.memory_space<vmem_shared>>
      %dma_start3A_87 = arith.constant 0 : i32
      %dma_start3A_88 = tpu.memref_slice %arg14[%add3A_27, %dma_start3A_87] : memref<10240x128xf32, #tpu.memory_space<vmem_shared>> -> memref<128x128xf32, #tpu.memory_space<vmem_shared>>
      %dma_start3A_89 = arith.constant 0 : i32
      %dma_start3A_90 = arith.constant 0 : i32
      %dma_start3A_91 = tpu.memref_slice %arg10[%dma_start3A_89, %dma_start3A_90] : memref<184x128xf32, #tpu.memory_space<vmem>> -> memref<128x128xf32, #tpu.memory_space<vmem>>
      tpu.enqueue_dma source(%dma_start3A_91 : memref<128x128xf32, #tpu.memory_space<vmem>>) target(%dma_start3A_88 : memref<128x128xf32, #tpu.memory_space<vmem_shared>>) target_semaphore(%run_scoped3A : memref<!tpu.dma_semaphore, #tpu.memory_space<semaphore_mem>>)
      %dma_wait3A_92 = arith.constant 0 : i32
      %dma_wait3A_93 = arith.constant 0 : i32
      %dma_wait3A_94 = tpu.memref_slice %arg10[%dma_wait3A_92, %dma_wait3A_93] : memref<184x128xf32, #tpu.memory_space<vmem>> -> memref<128x128xf32, #tpu.memory_space<vmem>>
      %dma_wait3A_95 = arith.constant 0 : i32
      %dma_wait3A_96 = tpu.memref_slice %arg14[%add3A_27, %dma_wait3A_95] : memref<10240x128xf32, #tpu.memory_space<vmem_shared>> -> memref<128x128xf32, #tpu.memory_space<vmem_shared>>
      %dma_wait3A_97 = arith.constant 0 : i32
      %dma_wait3A_98 = tpu.memref_slice %arg14[%add3A_27, %dma_wait3A_97] : memref<10240x128xf32, #tpu.memory_space<vmem_shared>> -> memref<128x128xf32, #tpu.memory_space<vmem_shared>>
      %dma_wait3A_99 = arith.constant 0 : i32
      %dma_wait3A_100 = arith.constant 0 : i32
      %dma_wait3A_101 = tpu.memref_slice %arg10[%dma_wait3A_99, %dma_wait3A_100] : memref<184x128xf32, #tpu.memory_space<vmem>> -> memref<128x128xf32, #tpu.memory_space<vmem>>
      tpu.wait_dma2 semaphore(%run_scoped3A : memref<!tpu.dma_semaphore, #tpu.memory_space<semaphore_mem>>) src(%dma_wait3A_101 : memref<128x128xf32, #tpu.memory_space<vmem>>) dst(%dma_wait3A_98 : memref<128x128xf32, #tpu.memory_space<vmem_shared>>)
      tpu.yield
    }) : () -> ()
    %mul3A_28 = arith.constant 640 : i32
    %mul3A_29 = arith.muli %arg1, %mul3A_28 : i32
    %add3A_30 = arith.constant 128 : i32
    %add3A_31 = arith.addi %mul3A_29, %add3A_30 : i32
    "tpu.region"() ({
      %run_scoped3A = tpu.sem_alloc : memref<!tpu.dma_semaphore, #tpu.memory_space<semaphore_mem>>
      %dma_start3A_82 = arith.constant 0 : i32
      %dma_start3A_83 = arith.constant 0 : i32
      %dma_start3A_84 = tpu.memref_slice %arg10[%dma_start3A_82, %dma_start3A_83] : memref<184x128xf32, #tpu.memory_space<vmem>> -> memref<128x128xf32, #tpu.memory_space<vmem>>
      %dma_start3A_85 = arith.constant 0 : i32
      %dma_start3A_86 = tpu.memref_slice %arg14[%add3A_31, %dma_start3A_85] : memref<10240x128xf32, #tpu.memory_space<vmem_shared>> -> memref<128x128xf32, #tpu.memory_space<vmem_shared>>
      %dma_start3A_87 = arith.constant 0 : i32
      %dma_start3A_88 = tpu.memref_slice %arg14[%add3A_31, %dma_start3A_87] : memref<10240x128xf32, #tpu.memory_space<vmem_shared>> -> memref<128x128xf32, #tpu.memory_space<vmem_shared>>
      %dma_start3A_89 = arith.constant 0 : i32
      %dma_start3A_90 = arith.constant 0 : i32
      %dma_start3A_91 = tpu.memref_slice %arg10[%dma_start3A_89, %dma_start3A_90] : memref<184x128xf32, #tpu.memory_space<vmem>> -> memref<128x128xf32, #tpu.memory_space<vmem>>
      tpu.enqueue_dma source(%dma_start3A_91 : memref<128x128xf32, #tpu.memory_space<vmem>>) target(%dma_start3A_88 : memref<128x128xf32, #tpu.memory_space<vmem_shared>>) target_semaphore(%run_scoped3A : memref<!tpu.dma_semaphore, #tpu.memory_space<semaphore_mem>>)
      %dma_wait3A_92 = arith.constant 0 : i32
      %dma_wait3A_93 = arith.constant 0 : i32
      %dma_wait3A_94 = tpu.memref_slice %arg10[%dma_wait3A_92, %dma_wait3A_93] : memref<184x128xf32, #tpu.memory_space<vmem>> -> memref<128x128xf32, #tpu.memory_space<vmem>>
      %dma_wait3A_95 = arith.constant 0 : i32
      %dma_wait3A_96 = tpu.memref_slice %arg14[%add3A_31, %dma_wait3A_95] : memref<10240x128xf32, #tpu.memory_space<vmem_shared>> -> memref<128x128xf32, #tpu.memory_space<vmem_shared>>
      %dma_wait3A_97 = arith.constant 0 : i32
      %dma_wait3A_98 = tpu.memref_slice %arg14[%add3A_31, %dma_wait3A_97] : memref<10240x128xf32, #tpu.memory_space<vmem_shared>> -> memref<128x128xf32, #tpu.memory_space<vmem_shared>>
      %dma_wait3A_99 = arith.constant 0 : i32
      %dma_wait3A_100 = arith.constant 0 : i32
      %dma_wait3A_101 = tpu.memref_slice %arg10[%dma_wait3A_99, %dma_wait3A_100] : memref<184x128xf32, #tpu.memory_space<vmem>> -> memref<128x128xf32, #tpu.memory_space<vmem>>
      tpu.wait_dma2 semaphore(%run_scoped3A : memref<!tpu.dma_semaphore, #tpu.memory_space<semaphore_mem>>) src(%dma_wait3A_101 : memref<128x128xf32, #tpu.memory_space<vmem>>) dst(%dma_wait3A_98 : memref<128x128xf32, #tpu.memory_space<vmem_shared>>)
      tpu.yield
    }) : () -> ()
    %mul3A_32 = arith.constant 640 : i32
    %mul3A_33 = arith.muli %arg1, %mul3A_32 : i32
    %add3A_34 = arith.constant 256 : i32
    %add3A_35 = arith.addi %mul3A_33, %add3A_34 : i32
    "tpu.region"() ({
      %run_scoped3A = tpu.sem_alloc : memref<!tpu.dma_semaphore, #tpu.memory_space<semaphore_mem>>
      %dma_start3A_82 = arith.constant 0 : i32
      %dma_start3A_83 = arith.constant 0 : i32
      %dma_start3A_84 = tpu.memref_slice %arg10[%dma_start3A_82, %dma_start3A_83] : memref<184x128xf32, #tpu.memory_space<vmem>> -> memref<128x128xf32, #tpu.memory_space<vmem>>
      %dma_start3A_85 = arith.constant 0 : i32
      %dma_start3A_86 = tpu.memref_slice %arg14[%add3A_35, %dma_start3A_85] : memref<10240x128xf32, #tpu.memory_space<vmem_shared>> -> memref<128x128xf32, #tpu.memory_space<vmem_shared>>
      %dma_start3A_87 = arith.constant 0 : i32
      %dma_start3A_88 = tpu.memref_slice %arg14[%add3A_35, %dma_start3A_87] : memref<10240x128xf32, #tpu.memory_space<vmem_shared>> -> memref<128x128xf32, #tpu.memory_space<vmem_shared>>
      %dma_start3A_89 = arith.constant 0 : i32
      %dma_start3A_90 = arith.constant 0 : i32
      %dma_start3A_91 = tpu.memref_slice %arg10[%dma_start3A_89, %dma_start3A_90] : memref<184x128xf32, #tpu.memory_space<vmem>> -> memref<128x128xf32, #tpu.memory_space<vmem>>
      tpu.enqueue_dma source(%dma_start3A_91 : memref<128x128xf32, #tpu.memory_space<vmem>>) target(%dma_start3A_88 : memref<128x128xf32, #tpu.memory_space<vmem_shared>>) target_semaphore(%run_scoped3A : memref<!tpu.dma_semaphore, #tpu.memory_space<semaphore_mem>>)
      %dma_wait3A_92 = arith.constant 0 : i32
      %dma_wait3A_93 = arith.constant 0 : i32
      %dma_wait3A_94 = tpu.memref_slice %arg10[%dma_wait3A_92, %dma_wait3A_93] : memref<184x128xf32, #tpu.memory_space<vmem>> -> memref<128x128xf32, #tpu.memory_space<vmem>>
      %dma_wait3A_95 = arith.constant 0 : i32
      %dma_wait3A_96 = tpu.memref_slice %arg14[%add3A_35, %dma_wait3A_95] : memref<10240x128xf32, #tpu.memory_space<vmem_shared>> -> memref<128x128xf32, #tpu.memory_space<vmem_shared>>
      %dma_wait3A_97 = arith.constant 0 : i32
      %dma_wait3A_98 = tpu.memref_slice %arg14[%add3A_35, %dma_wait3A_97] : memref<10240x128xf32, #tpu.memory_space<vmem_shared>> -> memref<128x128xf32, #tpu.memory_space<vmem_shared>>
      %dma_wait3A_99 = arith.constant 0 : i32
      %dma_wait3A_100 = arith.constant 0 : i32
      %dma_wait3A_101 = tpu.memref_slice %arg10[%dma_wait3A_99, %dma_wait3A_100] : memref<184x128xf32, #tpu.memory_space<vmem>> -> memref<128x128xf32, #tpu.memory_space<vmem>>
      tpu.wait_dma2 semaphore(%run_scoped3A : memref<!tpu.dma_semaphore, #tpu.memory_space<semaphore_mem>>) src(%dma_wait3A_101 : memref<128x128xf32, #tpu.memory_space<vmem>>) dst(%dma_wait3A_98 : memref<128x128xf32, #tpu.memory_space<vmem_shared>>)
      tpu.yield
    }) : () -> ()
    %mul3A_36 = arith.constant 640 : i32
    %mul3A_37 = arith.muli %arg1, %mul3A_36 : i32
    %add3A_38 = arith.constant 384 : i32
    %add3A_39 = arith.addi %mul3A_37, %add3A_38 : i32
    "tpu.region"() ({
      %run_scoped3A = tpu.sem_alloc : memref<!tpu.dma_semaphore, #tpu.memory_space<semaphore_mem>>
      %dma_start3A_82 = arith.constant 0 : i32
      %dma_start3A_83 = arith.constant 0 : i32
      %dma_start3A_84 = tpu.memref_slice %arg10[%dma_start3A_82, %dma_start3A_83] : memref<184x128xf32, #tpu.memory_space<vmem>> -> memref<128x128xf32, #tpu.memory_space<vmem>>
      %dma_start3A_85 = arith.constant 0 : i32
      %dma_start3A_86 = tpu.memref_slice %arg14[%add3A_39, %dma_start3A_85] : memref<10240x128xf32, #tpu.memory_space<vmem_shared>> -> memref<128x128xf32, #tpu.memory_space<vmem_shared>>
      %dma_start3A_87 = arith.constant 0 : i32
      %dma_start3A_88 = tpu.memref_slice %arg14[%add3A_39, %dma_start3A_87] : memref<10240x128xf32, #tpu.memory_space<vmem_shared>> -> memref<128x128xf32, #tpu.memory_space<vmem_shared>>
      %dma_start3A_89 = arith.constant 0 : i32
      %dma_start3A_90 = arith.constant 0 : i32
      %dma_start3A_91 = tpu.memref_slice %arg10[%dma_start3A_89, %dma_start3A_90] : memref<184x128xf32, #tpu.memory_space<vmem>> -> memref<128x128xf32, #tpu.memory_space<vmem>>
      tpu.enqueue_dma source(%dma_start3A_91 : memref<128x128xf32, #tpu.memory_space<vmem>>) target(%dma_start3A_88 : memref<128x128xf32, #tpu.memory_space<vmem_shared>>) target_semaphore(%run_scoped3A : memref<!tpu.dma_semaphore, #tpu.memory_space<semaphore_mem>>)
      %dma_wait3A_92 = arith.constant 0 : i32
      %dma_wait3A_93 = arith.constant 0 : i32
      %dma_wait3A_94 = tpu.memref_slice %arg10[%dma_wait3A_92, %dma_wait3A_93] : memref<184x128xf32, #tpu.memory_space<vmem>> -> memref<128x128xf32, #tpu.memory_space<vmem>>
      %dma_wait3A_95 = arith.constant 0 : i32
      %dma_wait3A_96 = tpu.memref_slice %arg14[%add3A_39, %dma_wait3A_95] : memref<10240x128xf32, #tpu.memory_space<vmem_shared>> -> memref<128x128xf32, #tpu.memory_space<vmem_shared>>
      %dma_wait3A_97 = arith.constant 0 : i32
      %dma_wait3A_98 = tpu.memref_slice %arg14[%add3A_39, %dma_wait3A_97] : memref<10240x128xf32, #tpu.memory_space<vmem_shared>> -> memref<128x128xf32, #tpu.memory_space<vmem_shared>>
      %dma_wait3A_99 = arith.constant 0 : i32
      %dma_wait3A_100 = arith.constant 0 : i32
      %dma_wait3A_101 = tpu.memref_slice %arg10[%dma_wait3A_99, %dma_wait3A_100] : memref<184x128xf32, #tpu.memory_space<vmem>> -> memref<128x128xf32, #tpu.memory_space<vmem>>
      tpu.wait_dma2 semaphore(%run_scoped3A : memref<!tpu.dma_semaphore, #tpu.memory_space<semaphore_mem>>) src(%dma_wait3A_101 : memref<128x128xf32, #tpu.memory_space<vmem>>) dst(%dma_wait3A_98 : memref<128x128xf32, #tpu.memory_space<vmem_shared>>)
      tpu.yield
    }) : () -> ()
    %mul3A_40 = arith.constant 640 : i32
    %mul3A_41 = arith.muli %arg1, %mul3A_40 : i32
    %add3A_42 = arith.constant 512 : i32
    %add3A_43 = arith.addi %mul3A_41, %add3A_42 : i32
    "tpu.region"() ({
      %run_scoped3A = tpu.sem_alloc : memref<!tpu.dma_semaphore, #tpu.memory_space<semaphore_mem>>
      %dma_start3A_82 = arith.constant 0 : i32
      %dma_start3A_83 = arith.constant 0 : i32
      %dma_start3A_84 = tpu.memref_slice %arg10[%dma_start3A_82, %dma_start3A_83] : memref<184x128xf32, #tpu.memory_space<vmem>> -> memref<128x128xf32, #tpu.memory_space<vmem>>
      %dma_start3A_85 = arith.constant 0 : i32
      %dma_start3A_86 = tpu.memref_slice %arg14[%add3A_43, %dma_start3A_85] : memref<10240x128xf32, #tpu.memory_space<vmem_shared>> -> memref<128x128xf32, #tpu.memory_space<vmem_shared>>
      %dma_start3A_87 = arith.constant 0 : i32
      %dma_start3A_88 = tpu.memref_slice %arg14[%add3A_43, %dma_start3A_87] : memref<10240x128xf32, #tpu.memory_space<vmem_shared>> -> memref<128x128xf32, #tpu.memory_space<vmem_shared>>
      %dma_start3A_89 = arith.constant 0 : i32
      %dma_start3A_90 = arith.constant 0 : i32
      %dma_start3A_91 = tpu.memref_slice %arg10[%dma_start3A_89, %dma_start3A_90] : memref<184x128xf32, #tpu.memory_space<vmem>> -> memref<128x128xf32, #tpu.memory_space<vmem>>
      tpu.enqueue_dma source(%dma_start3A_91 : memref<128x128xf32, #tpu.memory_space<vmem>>) target(%dma_start3A_88 : memref<128x128xf32, #tpu.memory_space<vmem_shared>>) target_semaphore(%run_scoped3A : memref<!tpu.dma_semaphore, #tpu.memory_space<semaphore_mem>>)
      %dma_wait3A_92 = arith.constant 0 : i32
      %dma_wait3A_93 = arith.constant 0 : i32
      %dma_wait3A_94 = tpu.memref_slice %arg10[%dma_wait3A_92, %dma_wait3A_93] : memref<184x128xf32, #tpu.memory_space<vmem>> -> memref<128x128xf32, #tpu.memory_space<vmem>>
      %dma_wait3A_95 = arith.constant 0 : i32
      %dma_wait3A_96 = tpu.memref_slice %arg14[%add3A_43, %dma_wait3A_95] : memref<10240x128xf32, #tpu.memory_space<vmem_shared>> -> memref<128x128xf32, #tpu.memory_space<vmem_shared>>
      %dma_wait3A_97 = arith.constant 0 : i32
      %dma_wait3A_98 = tpu.memref_slice %arg14[%add3A_43, %dma_wait3A_97] : memref<10240x128xf32, #tpu.memory_space<vmem_shared>> -> memref<128x128xf32, #tpu.memory_space<vmem_shared>>
      %dma_wait3A_99 = arith.constant 0 : i32
      %dma_wait3A_100 = arith.constant 0 : i32
      %dma_wait3A_101 = tpu.memref_slice %arg10[%dma_wait3A_99, %dma_wait3A_100] : memref<184x128xf32, #tpu.memory_space<vmem>> -> memref<128x128xf32, #tpu.memory_space<vmem>>
      tpu.wait_dma2 semaphore(%run_scoped3A : memref<!tpu.dma_semaphore, #tpu.memory_space<semaphore_mem>>) src(%dma_wait3A_101 : memref<128x128xf32, #tpu.memory_space<vmem>>) dst(%dma_wait3A_98 : memref<128x128xf32, #tpu.memory_space<vmem_shared>>)
      tpu.yield
    }) : () -> ()
    %barrier3A = arith.constant 0 : index
    tpu.barrier barrier_id(%barrier3A)
    %add3A_44 = arith.constant 9936 : i32
    %add3A_45 = arith.addi %mul3A_2, %add3A_44 : i32
    "tpu.region"() ({
      %run_scoped3A = tpu.sem_alloc : memref<!tpu.dma_semaphore, #tpu.memory_space<semaphore_mem>>
      %dma_start3A_82 = tpu.memref_slice %arg3[%add3A_45] : memref<320000xi32, #tpu.memory_space<hbm>> -> memref<64xi32, #tpu.memory_space<hbm>>
      %dma_start3A_83 = tpu.memref_slice %arg3[%add3A_45] : memref<320000xi32, #tpu.memory_space<hbm>> -> memref<64xi32, #tpu.memory_space<hbm>>
      tpu.enqueue_dma source(%dma_start3A_83 : memref<64xi32, #tpu.memory_space<hbm>>) target(%arg12 : memref<64xi32, #tpu.memory_space<vmem>>) target_semaphore(%run_scoped3A : memref<!tpu.dma_semaphore, #tpu.memory_space<semaphore_mem>>)
      %dma_wait3A_84 = tpu.memref_slice %arg3[%add3A_45] : memref<320000xi32, #tpu.memory_space<hbm>> -> memref<64xi32, #tpu.memory_space<hbm>>
      %dma_wait3A_85 = tpu.memref_slice %arg3[%add3A_45] : memref<320000xi32, #tpu.memory_space<hbm>> -> memref<64xi32, #tpu.memory_space<hbm>>
      tpu.wait_dma2 semaphore(%run_scoped3A : memref<!tpu.dma_semaphore, #tpu.memory_space<semaphore_mem>>) src(%dma_wait3A_85 : memref<64xi32, #tpu.memory_space<hbm>>) dst(%arg12 : memref<64xi32, #tpu.memory_space<vmem>>)
      tpu.yield
    }) : () -> ()
    %add3A_46 = arith.constant 9936 : i32
    %add3A_47 = arith.addi %mul3A_2, %add3A_46 : i32
    "tpu.region"() ({
      %run_scoped3A = tpu.sem_alloc : memref<!tpu.dma_semaphore, #tpu.memory_space<semaphore_mem>>
      %dma_start3A_82 = tpu.memref_slice %arg4[%add3A_47] : memref<320000xi32, #tpu.memory_space<hbm>> -> memref<64xi32, #tpu.memory_space<hbm>>
      %dma_start3A_83 = tpu.memref_slice %arg4[%add3A_47] : memref<320000xi32, #tpu.memory_space<hbm>> -> memref<64xi32, #tpu.memory_space<hbm>>
      tpu.enqueue_dma source(%dma_start3A_83 : memref<64xi32, #tpu.memory_space<hbm>>) target(%arg13 : memref<64xi32, #tpu.memory_space<vmem>>) target_semaphore(%run_scoped3A : memref<!tpu.dma_semaphore, #tpu.memory_space<semaphore_mem>>)
      %dma_wait3A_84 = tpu.memref_slice %arg4[%add3A_47] : memref<320000xi32, #tpu.memory_space<hbm>> -> memref<64xi32, #tpu.memory_space<hbm>>
      %dma_wait3A_85 = tpu.memref_slice %arg4[%add3A_47] : memref<320000xi32, #tpu.memory_space<hbm>> -> memref<64xi32, #tpu.memory_space<hbm>>
      tpu.wait_dma2 semaphore(%run_scoped3A : memref<!tpu.dma_semaphore, #tpu.memory_space<semaphore_mem>>) src(%dma_wait3A_85 : memref<64xi32, #tpu.memory_space<hbm>>) dst(%arg13 : memref<64xi32, #tpu.memory_space<vmem>>)
      tpu.yield
    }) : () -> ()
    %dma_start3A_48 = arith.constant 0 : i32
    %dma_start3A_49 = arith.constant 0 : i32
    %dma_start3A_50 = tpu.memref_slice %arg10[%dma_start3A_48, %dma_start3A_49] : memref<184x128xf32, #tpu.memory_space<vmem>> -> memref<64x128xf32, #tpu.memory_space<vmem>>
    %dma_start3A_51 = arith.constant 0 : i32
    %dma_start3A_52 = arith.constant 0 : i32
    %dma_start3A_53 = tpu.memref_slice %arg2[%dma_start3A_51, %dma_start3A_52] : memref<10000x128xf32, #tpu.memory_space<hbm>> -> memref<10000x128xf32, #tpu.memory_space<hbm>>
    tpu.enqueue_indirect_dma source(%dma_start3A_53 : memref<10000x128xf32, #tpu.memory_space<hbm>>) target(%dma_start3A_50 : memref<64x128xf32, #tpu.memory_space<vmem>>) offsets(%arg12 : memref<64xi32, #tpu.memory_space<vmem>>) semaphore(%arg15 : memref<!tpu.dma_semaphore, #tpu.memory_space<semaphore_mem>>)
    %dma_wait3A = arith.constant 0 : i32
    %dma_wait3A_54 = arith.constant 0 : i32
    %dma_wait3A_55 = tpu.memref_slice %arg10[%dma_wait3A, %dma_wait3A_54] : memref<184x128xf32, #tpu.memory_space<vmem>> -> memref<64x128xf32, #tpu.memory_space<vmem>>
    %dma_wait3A_56 = arith.constant 0 : i32
    %dma_wait3A_57 = arith.constant 0 : i32
    %dma_wait3A_58 = tpu.memref_slice %arg2[%dma_wait3A_56, %dma_wait3A_57] : memref<10000x128xf32, #tpu.memory_space<hbm>> -> memref<10000x128xf32, #tpu.memory_space<hbm>>
    tpu.wait_indirect_dma semaphore(%arg15 : memref<!tpu.dma_semaphore, #tpu.memory_space<semaphore_mem>>) src(%dma_wait3A_58 : memref<10000x128xf32, #tpu.memory_space<hbm>>) dst(%dma_wait3A_55 : memref<64x128xf32, #tpu.memory_space<vmem>>)
    "tpu.region"() ({
      %run_scoped3A = tpu.sem_alloc : memref<!tpu.dma_semaphore, #tpu.memory_space<semaphore_mem>>
      %dma_start3A_82 = arith.constant 0 : i32
      %dma_start3A_83 = arith.constant 0 : i32
      %dma_start3A_84 = tpu.memref_slice %arg10[%dma_start3A_82, %dma_start3A_83] : memref<184x128xf32, #tpu.memory_space<vmem>> -> memref<64x128xf32, #tpu.memory_space<vmem>>
      %dma_start3A_85 = arith.constant 0 : i32
      %dma_start3A_86 = arith.constant 0 : i32
      %dma_start3A_87 = tpu.memref_slice %arg14[%dma_start3A_85, %dma_start3A_86] : memref<10240x128xf32, #tpu.memory_space<vmem_shared>> -> memref<10240x128xf32, #tpu.memory_space<vmem_shared>>
      tpu.enqueue_indirect_dma source(%dma_start3A_84 : memref<64x128xf32, #tpu.memory_space<vmem>>) target(%dma_start3A_87 : memref<10240x128xf32, #tpu.memory_space<vmem_shared>>) offsets(%arg13 : memref<64xi32, #tpu.memory_space<vmem>>) semaphore(%run_scoped3A : memref<!tpu.dma_semaphore, #tpu.memory_space<semaphore_mem>>) {add = true}
      %dma_wait3A_88 = arith.constant 0 : i32
      %dma_wait3A_89 = arith.constant 0 : i32
      %dma_wait3A_90 = tpu.memref_slice %arg10[%dma_wait3A_88, %dma_wait3A_89] : memref<184x128xf32, #tpu.memory_space<vmem>> -> memref<64x128xf32, #tpu.memory_space<vmem>>
      %dma_wait3A_91 = arith.constant 0 : i32
      %dma_wait3A_92 = arith.constant 0 : i32
      %dma_wait3A_93 = tpu.memref_slice %arg14[%dma_wait3A_91, %dma_wait3A_92] : memref<10240x128xf32, #tpu.memory_space<vmem_shared>> -> memref<10240x128xf32, #tpu.memory_space<vmem_shared>>
      tpu.wait_indirect_dma semaphore(%run_scoped3A : memref<!tpu.dma_semaphore, #tpu.memory_space<semaphore_mem>>) src(%dma_wait3A_90 : memref<64x128xf32, #tpu.memory_space<vmem>>) dst(%dma_wait3A_93 : memref<10240x128xf32, #tpu.memory_space<vmem_shared>>)
      tpu.yield
    }) : () -> ()
    %dma_wait3A_59 = arith.constant 0 : i32
    %dma_wait3A_60 = tpu.memref_slice %arg3[%dma_wait3A_59] : memref<320000xi32, #tpu.memory_space<hbm>> -> memref<184xi32, #tpu.memory_space<hbm>>
    %dma_wait3A_61 = arith.constant 0 : i32
    %dma_wait3A_62 = tpu.memref_slice %arg3[%dma_wait3A_61] : memref<320000xi32, #tpu.memory_space<hbm>> -> memref<184xi32, #tpu.memory_space<hbm>>
    tpu.wait_dma2 semaphore(%arg17 : memref<!tpu.dma_semaphore, #tpu.memory_space<semaphore_mem>>) src(%dma_wait3A_62 : memref<184xi32, #tpu.memory_space<hbm>>) dst(%arg6 : memref<184xi32, #tpu.memory_space<vmem>>)
    %dma_wait3A_63 = arith.constant 0 : i32
    %dma_wait3A_64 = tpu.memref_slice %arg3[%dma_wait3A_63] : memref<320000xi32, #tpu.memory_space<hbm>> -> memref<184xi32, #tpu.memory_space<hbm>>
    %dma_wait3A_65 = arith.constant 0 : i32
    %dma_wait3A_66 = tpu.memref_slice %arg3[%dma_wait3A_65] : memref<320000xi32, #tpu.memory_space<hbm>> -> memref<184xi32, #tpu.memory_space<hbm>>
    tpu.wait_dma2 semaphore(%arg17 : memref<!tpu.dma_semaphore, #tpu.memory_space<semaphore_mem>>) src(%dma_wait3A_66 : memref<184xi32, #tpu.memory_space<hbm>>) dst(%arg8 : memref<184xi32, #tpu.memory_space<vmem>>)
    %dma_start3A_67 = arith.constant 0 : i32
    %dma_start3A_68 = arith.constant 0 : i32
    %dma_start3A_69 = tpu.memref_slice %arg2[%dma_start3A_67, %dma_start3A_68] : memref<10000x128xf32, #tpu.memory_space<hbm>> -> memref<10000x128xf32, #tpu.memory_space<hbm>>
    tpu.enqueue_indirect_dma source(%dma_start3A_69 : memref<10000x128xf32, #tpu.memory_space<hbm>>) target(%arg10 : memref<184x128xf32, #tpu.memory_space<vmem>>) offsets(%arg6 : memref<184xi32, #tpu.memory_space<vmem>>) semaphore(%arg15 : memref<!tpu.dma_semaphore, #tpu.memory_space<semaphore_mem>>)
    %scan3A_70 = arith.constant 0 : i32
    %scan3A_71 = arith.constant 0 : i32
    %scan3A_72 = arith.constant 27 : i32
    %scan3A_73 = arith.addi %scan3A_71, %scan3A_72 : i32
    %scan3A_74 = arith.constant 1 : i32
    %scan3A_75 = scf.for %scan3A_82 = %scan3A_71 to %scan3A_73 step %scan3A_74 iter_args(%scan3A_83 = %scan3A_70) -> (i32)  : i32 {
      %mul3A_84 = arith.constant 2 : i32
      %mul3A_85 = arith.muli %scan3A_82, %mul3A_84 : i32
      %add3A_86 = arith.constant 0 : i32
      %add3A_87 = arith.addi %mul3A_85, %add3A_86 : i32
      %add3A_88 = arith.constant 1 : i32
      %add3A_89 = arith.addi %add3A_87, %add3A_88 : i32
      %lt3A = arith.constant 54 : i32
      %lt3A_90 = arith.cmpi slt, %add3A_89, %lt3A : i32
      %convert_element_type3A = arith.extui %lt3A_90 : i1 to i32
      %cond3A = arith.constant 0 : i32
      %cond3A_91 = arith.cmpi ne, %convert_element_type3A, %cond3A : i32
      scf.if %cond3A_91 {
        %dma_wait3A_128 = arith.constant 0 : i32
        %dma_wait3A_129 = tpu.memref_slice %arg3[%dma_wait3A_128] : memref<320000xi32, #tpu.memory_space<hbm>> -> memref<184xi32, #tpu.memory_space<hbm>>
        %dma_wait3A_130 = arith.constant 0 : i32
        %dma_wait3A_131 = tpu.memref_slice %arg3[%dma_wait3A_130] : memref<320000xi32, #tpu.memory_space<hbm>> -> memref<184xi32, #tpu.memory_space<hbm>>
        tpu.wait_dma2 semaphore(%arg18 : memref<!tpu.dma_semaphore, #tpu.memory_space<semaphore_mem>>) src(%dma_wait3A_131 : memref<184xi32, #tpu.memory_space<hbm>>) dst(%arg7 : memref<184xi32, #tpu.memory_space<vmem>>)
        %dma_wait3A_132 = arith.constant 0 : i32
        %dma_wait3A_133 = tpu.memref_slice %arg3[%dma_wait3A_132] : memref<320000xi32, #tpu.memory_space<hbm>> -> memref<184xi32, #tpu.memory_space<hbm>>
        %dma_wait3A_134 = arith.constant 0 : i32
        %dma_wait3A_135 = tpu.memref_slice %arg3[%dma_wait3A_134] : memref<320000xi32, #tpu.memory_space<hbm>> -> memref<184xi32, #tpu.memory_space<hbm>>
        tpu.wait_dma2 semaphore(%arg18 : memref<!tpu.dma_semaphore, #tpu.memory_space<semaphore_mem>>) src(%dma_wait3A_135 : memref<184xi32, #tpu.memory_space<hbm>>) dst(%arg9 : memref<184xi32, #tpu.memory_space<vmem>>)
        %dma_start3A_136 = arith.constant 0 : i32
        %dma_start3A_137 = arith.constant 0 : i32
        %dma_start3A_138 = tpu.memref_slice %arg2[%dma_start3A_136, %dma_start3A_137] : memref<10000x128xf32, #tpu.memory_space<hbm>> -> memref<10000x128xf32, #tpu.memory_space<hbm>>
        tpu.enqueue_indirect_dma source(%dma_start3A_138 : memref<10000x128xf32, #tpu.memory_space<hbm>>) target(%arg11 : memref<184x128xf32, #tpu.memory_space<vmem>>) offsets(%arg7 : memref<184xi32, #tpu.memory_space<vmem>>) semaphore(%arg16 : memref<!tpu.dma_semaphore, #tpu.memory_space<semaphore_mem>>)
      } else {
      }
      %dma_wait3A_92 = arith.constant 0 : i32
      %dma_wait3A_93 = arith.constant 0 : i32
      %dma_wait3A_94 = tpu.memref_slice %arg2[%dma_wait3A_92, %dma_wait3A_93] : memref<10000x128xf32, #tpu.memory_space<hbm>> -> memref<184x128xf32, #tpu.memory_space<hbm>>
      %dma_wait3A_95 = arith.constant 0 : i32
      %dma_wait3A_96 = arith.constant 0 : i32
      %dma_wait3A_97 = tpu.memref_slice %arg2[%dma_wait3A_95, %dma_wait3A_96] : memref<10000x128xf32, #tpu.memory_space<hbm>> -> memref<184x128xf32, #tpu.memory_space<hbm>>
      tpu.wait_dma2 semaphore(%arg15 : memref<!tpu.dma_semaphore, #tpu.memory_space<semaphore_mem>>) src(%dma_wait3A_97 : memref<184x128xf32, #tpu.memory_space<hbm>>) dst(%arg10 : memref<184x128xf32, #tpu.memory_space<vmem>>)
      "tpu.region"() ({
        %run_scoped3A = tpu.sem_alloc : memref<!tpu.dma_semaphore, #tpu.memory_space<semaphore_mem>>
        %dma_start3A_128 = arith.constant 0 : i32
        %dma_start3A_129 = arith.constant 0 : i32
        %dma_start3A_130 = tpu.memref_slice %arg14[%dma_start3A_128, %dma_start3A_129] : memref<10240x128xf32, #tpu.memory_space<vmem_shared>> -> memref<10240x128xf32, #tpu.memory_space<vmem_shared>>
        tpu.enqueue_indirect_dma source(%arg10 : memref<184x128xf32, #tpu.memory_space<vmem>>) target(%dma_start3A_130 : memref<10240x128xf32, #tpu.memory_space<vmem_shared>>) offsets(%arg8 : memref<184xi32, #tpu.memory_space<vmem>>) semaphore(%run_scoped3A : memref<!tpu.dma_semaphore, #tpu.memory_space<semaphore_mem>>) {add = true}
        %dma_wait3A_131 = arith.constant 0 : i32
        %dma_wait3A_132 = arith.constant 0 : i32
        %dma_wait3A_133 = tpu.memref_slice %arg14[%dma_wait3A_131, %dma_wait3A_132] : memref<10240x128xf32, #tpu.memory_space<vmem_shared>> -> memref<10240x128xf32, #tpu.memory_space<vmem_shared>>
        tpu.wait_indirect_dma semaphore(%run_scoped3A : memref<!tpu.dma_semaphore, #tpu.memory_space<semaphore_mem>>) src(%arg10 : memref<184x128xf32, #tpu.memory_space<vmem>>) dst(%dma_wait3A_133 : memref<10240x128xf32, #tpu.memory_space<vmem_shared>>)
        tpu.yield
      }) : () -> ()
      %add3A_98 = arith.constant 2 : i32
      %add3A_99 = arith.addi %add3A_87, %add3A_98 : i32
      %lt3A_100 = arith.constant 54 : i32
      %lt3A_101 = arith.cmpi slt, %add3A_99, %lt3A_100 : i32
      %convert_element_type3A_102 = arith.extui %lt3A_101 : i1 to i32
      %cond3A_103 = arith.constant 0 : i32
      %cond3A_104 = arith.cmpi ne, %convert_element_type3A_102, %cond3A_103 : i32
      scf.if %cond3A_104 {
        %add3A_128 = arith.constant 2 : i32
        %add3A_129 = arith.addi %add3A_87, %add3A_128 : i32
        %mul3A_130 = arith.constant 184 : i32
        %mul3A_131 = arith.muli %add3A_129, %mul3A_130 : i32
        %add3A_132 = arith.addi %mul3A_2, %mul3A_131 : i32
        %dma_start3A_133 = tpu.memref_slice %arg3[%add3A_132] : memref<320000xi32, #tpu.memory_space<hbm>> -> memref<184xi32, #tpu.memory_space<hbm>>
        %dma_start3A_134 = tpu.memref_slice %arg3[%add3A_132] : memref<320000xi32, #tpu.memory_space<hbm>> -> memref<184xi32, #tpu.memory_space<hbm>>
        tpu.enqueue_dma source(%dma_start3A_134 : memref<184xi32, #tpu.memory_space<hbm>>) target(%arg6 : memref<184xi32, #tpu.memory_space<vmem>>) target_semaphore(%arg17 : memref<!tpu.dma_semaphore, #tpu.memory_space<semaphore_mem>>)
        %mul3A_135 = arith.constant 184 : i32
        %mul3A_136 = arith.muli %add3A_129, %mul3A_135 : i32
        %add3A_137 = arith.addi %mul3A_2, %mul3A_136 : i32
        %dma_start3A_138 = tpu.memref_slice %arg4[%add3A_137] : memref<320000xi32, #tpu.memory_space<hbm>> -> memref<184xi32, #tpu.memory_space<hbm>>
        %dma_start3A_139 = tpu.memref_slice %arg4[%add3A_137] : memref<320000xi32, #tpu.memory_space<hbm>> -> memref<184xi32, #tpu.memory_space<hbm>>
        tpu.enqueue_dma source(%dma_start3A_139 : memref<184xi32, #tpu.memory_space<hbm>>) target(%arg8 : memref<184xi32, #tpu.memory_space<vmem>>) target_semaphore(%arg17 : memref<!tpu.dma_semaphore, #tpu.memory_space<semaphore_mem>>)
      } else {
      }
      %add3A_105 = arith.constant 1 : i32
      %add3A_106 = arith.addi %mul3A_85, %add3A_105 : i32
      %add3A_107 = arith.constant 1 : i32
      %add3A_108 = arith.addi %add3A_106, %add3A_107 : i32
      %lt3A_109 = arith.constant 54 : i32
      %lt3A_110 = arith.cmpi slt, %add3A_108, %lt3A_109 : i32
      %convert_element_type3A_111 = arith.extui %lt3A_110 : i1 to i32
      %cond3A_112 = arith.constant 0 : i32
      %cond3A_113 = arith.cmpi ne, %convert_element_type3A_111, %cond3A_112 : i32
      scf.if %cond3A_113 {
        %dma_wait3A_128 = arith.constant 0 : i32
        %dma_wait3A_129 = tpu.memref_slice %arg3[%dma_wait3A_128] : memref<320000xi32, #tpu.memory_space<hbm>> -> memref<184xi32, #tpu.memory_space<hbm>>
        %dma_wait3A_130 = arith.constant 0 : i32
        %dma_wait3A_131 = tpu.memref_slice %arg3[%dma_wait3A_130] : memref<320000xi32, #tpu.memory_space<hbm>> -> memref<184xi32, #tpu.memory_space<hbm>>
        tpu.wait_dma2 semaphore(%arg17 : memref<!tpu.dma_semaphore, #tpu.memory_space<semaphore_mem>>) src(%dma_wait3A_131 : memref<184xi32, #tpu.memory_space<hbm>>) dst(%arg6 : memref<184xi32, #tpu.memory_space<vmem>>)
        %dma_wait3A_132 = arith.constant 0 : i32
        %dma_wait3A_133 = tpu.memref_slice %arg3[%dma_wait3A_132] : memref<320000xi32, #tpu.memory_space<hbm>> -> memref<184xi32, #tpu.memory_space<hbm>>
        %dma_wait3A_134 = arith.constant 0 : i32
        %dma_wait3A_135 = tpu.memref_slice %arg3[%dma_wait3A_134] : memref<320000xi32, #tpu.memory_space<hbm>> -> memref<184xi32, #tpu.memory_space<hbm>>
        tpu.wait_dma2 semaphore(%arg17 : memref<!tpu.dma_semaphore, #tpu.memory_space<semaphore_mem>>) src(%dma_wait3A_135 : memref<184xi32, #tpu.memory_space<hbm>>) dst(%arg8 : memref<184xi32, #tpu.memory_space<vmem>>)
        %dma_start3A_136 = arith.constant 0 : i32
        %dma_start3A_137 = arith.constant 0 : i32
        %dma_start3A_138 = tpu.memref_slice %arg2[%dma_start3A_136, %dma_start3A_137] : memref<10000x128xf32, #tpu.memory_space<hbm>> -> memref<10000x128xf32, #tpu.memory_space<hbm>>
        tpu.enqueue_indirect_dma source(%dma_start3A_138 : memref<10000x128xf32, #tpu.memory_space<hbm>>) target(%arg10 : memref<184x128xf32, #tpu.memory_space<vmem>>) offsets(%arg6 : memref<184xi32, #tpu.memory_space<vmem>>) semaphore(%arg15 : memref<!tpu.dma_semaphore, #tpu.memory_space<semaphore_mem>>)
      } else {
      }
      %dma_wait3A_114 = arith.constant 0 : i32
      %dma_wait3A_115 = arith.constant 0 : i32
      %dma_wait3A_116 = tpu.memref_slice %arg2[%dma_wait3A_114, %dma_wait3A_115] : memref<10000x128xf32, #tpu.memory_space<hbm>> -> memref<184x128xf32, #tpu.memory_space<hbm>>
      %dma_wait3A_117 = arith.constant 0 : i32
      %dma_wait3A_118 = arith.constant 0 : i32
      %dma_wait3A_119 = tpu.memref_slice %arg2[%dma_wait3A_117, %dma_wait3A_118] : memref<10000x128xf32, #tpu.memory_space<hbm>> -> memref<184x128xf32, #tpu.memory_space<hbm>>
      tpu.wait_dma2 semaphore(%arg16 : memref<!tpu.dma_semaphore, #tpu.memory_space<semaphore_mem>>) src(%dma_wait3A_119 : memref<184x128xf32, #tpu.memory_space<hbm>>) dst(%arg11 : memref<184x128xf32, #tpu.memory_space<vmem>>)
      "tpu.region"() ({
        %run_scoped3A = tpu.sem_alloc : memref<!tpu.dma_semaphore, #tpu.memory_space<semaphore_mem>>
        %dma_start3A_128 = arith.constant 0 : i32
        %dma_start3A_129 = arith.constant 0 : i32
        %dma_start3A_130 = tpu.memref_slice %arg14[%dma_start3A_128, %dma_start3A_129] : memref<10240x128xf32, #tpu.memory_space<vmem_shared>> -> memref<10240x128xf32, #tpu.memory_space<vmem_shared>>
        tpu.enqueue_indirect_dma source(%arg11 : memref<184x128xf32, #tpu.memory_space<vmem>>) target(%dma_start3A_130 : memref<10240x128xf32, #tpu.memory_space<vmem_shared>>) offsets(%arg9 : memref<184xi32, #tpu.memory_space<vmem>>) semaphore(%run_scoped3A : memref<!tpu.dma_semaphore, #tpu.memory_space<semaphore_mem>>) {add = true}
        %dma_wait3A_131 = arith.constant 0 : i32
        %dma_wait3A_132 = arith.constant 0 : i32
        %dma_wait3A_133 = tpu.memref_slice %arg14[%dma_wait3A_131, %dma_wait3A_132] : memref<10240x128xf32, #tpu.memory_space<vmem_shared>> -> memref<10240x128xf32, #tpu.memory_space<vmem_shared>>
        tpu.wait_indirect_dma semaphore(%run_scoped3A : memref<!tpu.dma_semaphore, #tpu.memory_space<semaphore_mem>>) src(%arg11 : memref<184x128xf32, #tpu.memory_space<vmem>>) dst(%dma_wait3A_133 : memref<10240x128xf32, #tpu.memory_space<vmem_shared>>)
        tpu.yield
      }) : () -> ()
      %add3A_120 = arith.constant 2 : i32
      %add3A_121 = arith.addi %add3A_106, %add3A_120 : i32
      %lt3A_122 = arith.constant 54 : i32
      %lt3A_123 = arith.cmpi slt, %add3A_121, %lt3A_122 : i32
      %convert_element_type3A_124 = arith.extui %lt3A_123 : i1 to i32
      %cond3A_125 = arith.constant 0 : i32
      %cond3A_126 = arith.cmpi ne, %convert_element_type3A_124, %cond3A_125 : i32
      scf.if %cond3A_126 {
        %add3A_128 = arith.constant 2 : i32
        %add3A_129 = arith.addi %add3A_106, %add3A_128 : i32
        %mul3A_130 = arith.constant 184 : i32
        %mul3A_131 = arith.muli %add3A_129, %mul3A_130 : i32
        %add3A_132 = arith.addi %mul3A_2, %mul3A_131 : i32
        %dma_start3A_133 = tpu.memref_slice %arg3[%add3A_132] : memref<320000xi32, #tpu.memory_space<hbm>> -> memref<184xi32, #tpu.memory_space<hbm>>
        %dma_start3A_134 = tpu.memref_slice %arg3[%add3A_132] : memref<320000xi32, #tpu.memory_space<hbm>> -> memref<184xi32, #tpu.memory_space<hbm>>
        tpu.enqueue_dma source(%dma_start3A_134 : memref<184xi32, #tpu.memory_space<hbm>>) target(%arg7 : memref<184xi32, #tpu.memory_space<vmem>>) target_semaphore(%arg18 : memref<!tpu.dma_semaphore, #tpu.memory_space<semaphore_mem>>)
        %mul3A_135 = arith.constant 184 : i32
        %mul3A_136 = arith.muli %add3A_129, %mul3A_135 : i32
        %add3A_137 = arith.addi %mul3A_2, %mul3A_136 : i32
        %dma_start3A_138 = tpu.memref_slice %arg4[%add3A_137] : memref<320000xi32, #tpu.memory_space<hbm>> -> memref<184xi32, #tpu.memory_space<hbm>>
        %dma_start3A_139 = tpu.memref_slice %arg4[%add3A_137] : memref<320000xi32, #tpu.memory_space<hbm>> -> memref<184xi32, #tpu.memory_space<hbm>>
        tpu.enqueue_dma source(%dma_start3A_139 : memref<184xi32, #tpu.memory_space<hbm>>) target(%arg9 : memref<184xi32, #tpu.memory_space<vmem>>) target_semaphore(%arg18 : memref<!tpu.dma_semaphore, #tpu.memory_space<semaphore_mem>>)
      } else {
      }
      %scan3A_127 = arith.constant 0 : i32
      scf.yield %scan3A_127 : i32
    }
    %scan3A_76 = arith.constant 27 : i32
    %barrier3A_77 = arith.constant 0 : index
    tpu.barrier barrier_id(%barrier3A_77)
    %mul3A_78 = arith.constant 640 : i32
    %mul3A_79 = arith.muli %arg1, %mul3A_78 : i32
    %mul3A_80 = arith.constant 640 : i32
    %mul3A_81 = arith.muli %arg1, %mul3A_80 : i32
    "tpu.region"() ({
      %run_scoped3A = tpu.sem_alloc : memref<!tpu.dma_semaphore, #tpu.memory_space<semaphore_mem>>
      %dma_start3A_82 = arith.constant 0 : i32
      %dma_start3A_83 = tpu.memref_slice %arg5[%arg0, %mul3A_81, %dma_start3A_82] : memref<2x10240x128xf32, #tpu.memory_space<hbm>> -> memref<1x640x128xf32, #tpu.memory_space<hbm>>
      %dma_start3A_84 = tpu.memref_squeeze %dma_start3A_83 : memref<1x640x128xf32, #tpu.memory_space<hbm>> -> memref<640x128xf32, #tpu.memory_space<hbm>>
      %dma_start3A_85 = arith.constant 0 : i32
      %dma_start3A_86 = tpu.memref_slice %arg14[%mul3A_79, %dma_start3A_85] : memref<10240x128xf32, #tpu.memory_space<vmem_shared>> -> memref<640x128xf32, #tpu.memory_space<vmem_shared>>
      tpu.enqueue_dma source(%dma_start3A_86 : memref<640x128xf32, #tpu.memory_space<vmem_shared>>) target(%dma_start3A_84 : memref<640x128xf32, #tpu.memory_space<hbm>>) target_semaphore(%run_scoped3A : memref<!tpu.dma_semaphore, #tpu.memory_space<semaphore_mem>>)
      %dma_wait3A_87 = arith.constant 0 : i32
      %dma_wait3A_88 = tpu.memref_slice %arg5[%arg0, %mul3A_81, %dma_wait3A_87] : memref<2x10240x128xf32, #tpu.memory_space<hbm>> -> memref<1x640x128xf32, #tpu.memory_space<hbm>>
      %dma_wait3A_89 = tpu.memref_squeeze %dma_wait3A_88 : memref<1x640x128xf32, #tpu.memory_space<hbm>> -> memref<640x128xf32, #tpu.memory_space<hbm>>
      %dma_wait3A_90 = arith.constant 0 : i32
      %dma_wait3A_91 = tpu.memref_slice %arg14[%mul3A_79, %dma_wait3A_90] : memref<10240x128xf32, #tpu.memory_space<vmem_shared>> -> memref<640x128xf32, #tpu.memory_space<vmem_shared>>
      tpu.wait_dma2 semaphore(%run_scoped3A : memref<!tpu.dma_semaphore, #tpu.memory_space<semaphore_mem>>) src(%dma_wait3A_91 : memref<640x128xf32, #tpu.memory_space<vmem_shared>>) dst(%dma_wait3A_89 : memref<640x128xf32, #tpu.memory_space<hbm>>)
      tpu.yield
    }) : () -> ()
    return
  }
}

#map = affine_map<(d0, d1) -> (0)>
#map1 = affine_map<(d0, d1) -> (0, 0, 0)>
module attributes {stable_mosaic.version = 14 : i64} {
  func.func @hist_kernel(%arg0: i32, %arg1: i32, %arg2: memref<320000xi32, #tpu.memory_space<hbm>>, %arg3: memref<2x16x640xf32, #tpu.memory_space<hbm>>, %arg4: memref<1000xi32, #tpu.memory_space<vmem>>, %arg5: memref<1000xf32, #tpu.memory_space<vmem>>, %arg6: memref<640xf32, #tpu.memory_space<vmem>>, %arg7: memref<10240xf32, #tpu.memory_space<vmem_shared>>) attributes {dimension_semantics = [#tpu.dimension_semantics<core_parallel>, #tpu.dimension_semantics<subcore_parallel>], iteration_bounds = array<i64: 2, 16>, scalar_prefetch = 0 : i64, scratch_operands = 4 : i64, tpu.core_type = #tpu.core_type<sc_vector_subcore>, window_params = [{transform_indices = #map}, {transform_indices = #map1}]} {
    %scan3A = arith.constant 0 : i32
    %scan3A_0 = arith.constant 0 : i32
    %scan3A_1 = arith.constant 40 : i32
    %scan3A_2 = arith.addi %scan3A_0, %scan3A_1 : i32
    %scan3A_3 = arith.constant 1 : i32
    %scan3A_4 = scf.for %scan3A_28 = %scan3A_0 to %scan3A_2 step %scan3A_3 iter_args(%scan3A_29 = %scan3A) -> (i32)  : i32 {
      %broadcast_in_dim3A = arith.constant 0.000000e+00 : f32
      %broadcast_in_dim3A_30 = vector.broadcast %broadcast_in_dim3A : f32 to vector<16xf32>
      %mul3A_31 = arith.constant 16 : i32
      %mul3A_32 = arith.muli %scan3A_28, %mul3A_31 : i32
      %swap3A = arith.index_cast %mul3A_32 : i32 to index
      %swap3A_33 = tpu.vector_load %arg6[%swap3A] {strides = array<i32>} : memref<640xf32, #tpu.memory_space<vmem>>, vector<16xf32>,
      %swap3A_34 = vector.shape_cast %swap3A_33 : vector<16xf32> to vector<16xf32>
      %swap3A_35 = vector.shape_cast %broadcast_in_dim3A_30 : vector<16xf32> to vector<16xf32>
      tpu.vector_store %arg6[%swap3A], %swap3A_35 {strides = array<i32>} : memref<640xf32, #tpu.memory_space<vmem>>, vector<16xf32>,
      %scan3A_36 = arith.constant 0 : i32
      scf.yield %scan3A_36 : i32
    }
    %scan3A_5 = arith.constant 40 : i32
    %scan3A_6 = arith.constant 0 : i32
    %scan3A_7 = arith.constant 0 : i32
    %scan3A_8 = arith.constant 62 : i32
    %scan3A_9 = arith.addi %scan3A_7, %scan3A_8 : i32
    %scan3A_10 = arith.constant 1 : i32
    %scan3A_11 = scf.for %scan3A_28 = %scan3A_7 to %scan3A_9 step %scan3A_10 iter_args(%scan3A_29 = %scan3A_6) -> (i32)  : i32 {
      %broadcast_in_dim3A = arith.constant 1.000000e+00 : f32
      %broadcast_in_dim3A_30 = vector.broadcast %broadcast_in_dim3A : f32 to vector<16xf32>
      %mul3A_31 = arith.constant 16 : i32
      %mul3A_32 = arith.muli %scan3A_28, %mul3A_31 : i32
      %swap3A = arith.index_cast %mul3A_32 : i32 to index
      %swap3A_33 = tpu.vector_load %arg5[%swap3A] {strides = array<i32>} : memref<1000xf32, #tpu.memory_space<vmem>>, vector<16xf32>,
      %swap3A_34 = vector.shape_cast %swap3A_33 : vector<16xf32> to vector<16xf32>
      %swap3A_35 = vector.shape_cast %broadcast_in_dim3A_30 : vector<16xf32> to vector<16xf32>
      tpu.vector_store %arg5[%swap3A], %swap3A_35 {strides = array<i32>} : memref<1000xf32, #tpu.memory_space<vmem>>, vector<16xf32>,
      %scan3A_36 = arith.constant 0 : i32
      scf.yield %scan3A_36 : i32
    }
    %scan3A_12 = arith.constant 62 : i32
    %mul3A = arith.constant 640 : i32
    %mul3A_13 = arith.muli %arg1, %mul3A : i32
    "tpu.region"() ({
      %run_scoped3A = tpu.sem_alloc : memref<!tpu.dma_semaphore, #tpu.memory_space<semaphore_mem>>
      %dma_start3A = tpu.memref_slice %arg7[%mul3A_13] : memref<10240xf32, #tpu.memory_space<vmem_shared>> -> memref<640xf32, #tpu.memory_space<vmem_shared>>
      %dma_start3A_28 = tpu.memref_slice %arg7[%mul3A_13] : memref<10240xf32, #tpu.memory_space<vmem_shared>> -> memref<640xf32, #tpu.memory_space<vmem_shared>>
      tpu.enqueue_dma source(%arg6 : memref<640xf32, #tpu.memory_space<vmem>>) target(%dma_start3A_28 : memref<640xf32, #tpu.memory_space<vmem_shared>>) target_semaphore(%run_scoped3A : memref<!tpu.dma_semaphore, #tpu.memory_space<semaphore_mem>>)
      %dma_wait3A = tpu.memref_slice %arg7[%mul3A_13] : memref<10240xf32, #tpu.memory_space<vmem_shared>> -> memref<640xf32, #tpu.memory_space<vmem_shared>>
      %dma_wait3A_29 = tpu.memref_slice %arg7[%mul3A_13] : memref<10240xf32, #tpu.memory_space<vmem_shared>> -> memref<640xf32, #tpu.memory_space<vmem_shared>>
      tpu.wait_dma2 semaphore(%run_scoped3A : memref<!tpu.dma_semaphore, #tpu.memory_space<semaphore_mem>>) src(%arg6 : memref<640xf32, #tpu.memory_space<vmem>>) dst(%dma_wait3A_29 : memref<640xf32, #tpu.memory_space<vmem_shared>>)
      tpu.yield
    }) : () -> ()
    %barrier3A = arith.constant 0 : index
    tpu.barrier barrier_id(%barrier3A)
    %mul3A_14 = arith.constant 16 : i32
    %mul3A_15 = arith.muli %arg0, %mul3A_14 : i32
    %add3A = arith.addi %mul3A_15, %arg1 : i32
    %mul3A_16 = arith.constant 10000 : i32
    %mul3A_17 = arith.muli %add3A, %mul3A_16 : i32
    %scan3A_18 = arith.constant 0 : i32
    %scan3A_19 = arith.constant 0 : i32
    %scan3A_20 = arith.constant 10 : i32
    %scan3A_21 = arith.addi %scan3A_19, %scan3A_20 : i32
    %scan3A_22 = arith.constant 1 : i32
    %scan3A_23 = scf.for %scan3A_28 = %scan3A_19 to %scan3A_21 step %scan3A_22 iter_args(%scan3A_29 = %scan3A_18) -> (i32)  : i32 {
      %mul3A_30 = arith.constant 1000 : i32
      %mul3A_31 = arith.muli %scan3A_28, %mul3A_30 : i32
      %add3A_32 = arith.addi %mul3A_17, %mul3A_31 : i32
      "tpu.region"() ({
        %run_scoped3A = tpu.sem_alloc : memref<!tpu.dma_semaphore, #tpu.memory_space<semaphore_mem>>
        %dma_start3A = tpu.memref_slice %arg2[%add3A_32] : memref<320000xi32, #tpu.memory_space<hbm>> -> memref<1000xi32, #tpu.memory_space<hbm>>
        %dma_start3A_34 = tpu.memref_slice %arg2[%add3A_32] : memref<320000xi32, #tpu.memory_space<hbm>> -> memref<1000xi32, #tpu.memory_space<hbm>>
        tpu.enqueue_dma source(%dma_start3A_34 : memref<1000xi32, #tpu.memory_space<hbm>>) target(%arg4 : memref<1000xi32, #tpu.memory_space<vmem>>) target_semaphore(%run_scoped3A : memref<!tpu.dma_semaphore, #tpu.memory_space<semaphore_mem>>)
        %dma_wait3A = tpu.memref_slice %arg2[%add3A_32] : memref<320000xi32, #tpu.memory_space<hbm>> -> memref<1000xi32, #tpu.memory_space<hbm>>
        %dma_wait3A_35 = tpu.memref_slice %arg2[%add3A_32] : memref<320000xi32, #tpu.memory_space<hbm>> -> memref<1000xi32, #tpu.memory_space<hbm>>
        tpu.wait_dma2 semaphore(%run_scoped3A : memref<!tpu.dma_semaphore, #tpu.memory_space<semaphore_mem>>) src(%dma_wait3A_35 : memref<1000xi32, #tpu.memory_space<hbm>>) dst(%arg4 : memref<1000xi32, #tpu.memory_space<vmem>>)
        tpu.yield
      }) : () -> ()
      "tpu.region"() ({
        %run_scoped3A = tpu.sem_alloc : memref<!tpu.dma_semaphore, #tpu.memory_space<semaphore_mem>>
        %dma_start3A = arith.constant 0 : i32
        %dma_start3A_34 = tpu.memref_slice %arg7[%dma_start3A] : memref<10240xf32, #tpu.memory_space<vmem_shared>> -> memref<10240xf32, #tpu.memory_space<vmem_shared>>
        tpu.enqueue_indirect_dma source(%arg5 : memref<1000xf32, #tpu.memory_space<vmem>>) target(%dma_start3A_34 : memref<10240xf32, #tpu.memory_space<vmem_shared>>) offsets(%arg4 : memref<1000xi32, #tpu.memory_space<vmem>>) semaphore(%run_scoped3A : memref<!tpu.dma_semaphore, #tpu.memory_space<semaphore_mem>>) {add = true}
        %dma_wait3A = arith.constant 0 : i32
        %dma_wait3A_35 = tpu.memref_slice %arg7[%dma_wait3A] : memref<10240xf32, #tpu.memory_space<vmem_shared>> -> memref<10240xf32, #tpu.memory_space<vmem_shared>>
        tpu.wait_indirect_dma semaphore(%run_scoped3A : memref<!tpu.dma_semaphore, #tpu.memory_space<semaphore_mem>>) src(%arg5 : memref<1000xf32, #tpu.memory_space<vmem>>) dst(%dma_wait3A_35 : memref<10240xf32, #tpu.memory_space<vmem_shared>>)
        tpu.yield
      }) : () -> ()
      %scan3A_33 = arith.constant 0 : i32
      scf.yield %scan3A_33 : i32
    }
    %scan3A_24 = arith.constant 10 : i32
    %barrier3A_25 = arith.constant 0 : index
    tpu.barrier barrier_id(%barrier3A_25)
    %mul3A_26 = arith.constant 640 : i32
    %mul3A_27 = arith.muli %arg1, %mul3A_26 : i32
    "tpu.region"() ({
      %run_scoped3A = tpu.sem_alloc : memref<!tpu.dma_semaphore, #tpu.memory_space<semaphore_mem>>
      %dma_start3A = arith.constant 0 : i32
      %dma_start3A_28 = tpu.memref_slice %arg3[%arg0, %arg1, %dma_start3A] : memref<2x16x640xf32, #tpu.memory_space<hbm>> -> memref<1x1x640xf32, #tpu.memory_space<hbm>>
      %dma_start3A_29 = tpu.memref_squeeze %dma_start3A_28 : memref<1x1x640xf32, #tpu.memory_space<hbm>> -> memref<640xf32, #tpu.memory_space<hbm>>
      %dma_start3A_30 = tpu.memref_slice %arg7[%mul3A_27] : memref<10240xf32, #tpu.memory_space<vmem_shared>> -> memref<640xf32, #tpu.memory_space<vmem_shared>>
      tpu.enqueue_dma source(%dma_start3A_30 : memref<640xf32, #tpu.memory_space<vmem_shared>>) target(%dma_start3A_29 : memref<640xf32, #tpu.memory_space<hbm>>) target_semaphore(%run_scoped3A : memref<!tpu.dma_semaphore, #tpu.memory_space<semaphore_mem>>)
      %dma_wait3A = arith.constant 0 : i32
      %dma_wait3A_31 = tpu.memref_slice %arg3[%arg0, %arg1, %dma_wait3A] : memref<2x16x640xf32, #tpu.memory_space<hbm>> -> memref<1x1x640xf32, #tpu.memory_space<hbm>>
      %dma_wait3A_32 = tpu.memref_squeeze %dma_wait3A_31 : memref<1x1x640xf32, #tpu.memory_space<hbm>> -> memref<640xf32, #tpu.memory_space<hbm>>
      %dma_wait3A_33 = tpu.memref_slice %arg7[%mul3A_27] : memref<10240xf32, #tpu.memory_space<vmem_shared>> -> memref<640xf32, #tpu.memory_space<vmem_shared>>
      tpu.wait_dma2 semaphore(%run_scoped3A : memref<!tpu.dma_semaphore, #tpu.memory_space<semaphore_mem>>) src(%dma_wait3A_33 : memref<640xf32, #tpu.memory_space<vmem_shared>>) dst(%dma_wait3A_32 : memref<640xf32, #tpu.memory_space<hbm>>)
      tpu.yield
    }) : () -> ()
    return
  }
}

#map = affine_map<(d0, d1) -> (0, 0)>
#map1 = affine_map<(d0, d1) -> (0)>
#map2 = affine_map<(d0, d1) -> (0, 0, 0)>
module attributes {stable_mosaic.version = 14 : i64} {
  func.func @scatter_kernel(%arg0: i32, %arg1: i32, %arg2: memref<10000x128xf32, #tpu.memory_space<hbm>>, %arg3: memref<320000xi32, #tpu.memory_space<hbm>>, %arg4: memref<320000xi32, #tpu.memory_space<hbm>>, %arg5: memref<2x10240x128xf32, #tpu.memory_space<hbm>>, %arg6: memref<184xi32, #tpu.memory_space<vmem>>, %arg7: memref<184xi32, #tpu.memory_space<vmem>>, %arg8: memref<184xi32, #tpu.memory_space<vmem>>, %arg9: memref<184xi32, #tpu.memory_space<vmem>>, %arg10: memref<184x128xf32, #tpu.memory_space<vmem>>, %arg11: memref<184x128xf32, #tpu.memory_space<vmem>>, %arg12: memref<64xi32, #tpu.memory_space<vmem>>, %arg13: memref<64xi32, #tpu.memory_space<vmem>>, %arg14: memref<10240x128xf32, #tpu.memory_space<vmem_shared>>, %arg15: memref<!tpu.dma_semaphore, #tpu.memory_space<semaphore_mem>>, %arg16: memref<!tpu.dma_semaphore, #tpu.memory_space<semaphore_mem>>, %arg17: memref<!tpu.dma_semaphore, #tpu.memory_space<semaphore_mem>>, %arg18: memref<!tpu.dma_semaphore, #tpu.memory_space<semaphore_mem>>) attributes {dimension_semantics = [#tpu.dimension_semantics<core_parallel>, #tpu.dimension_semantics<subcore_parallel>], iteration_bounds = array<i64: 2, 16>, scalar_prefetch = 0 : i64, scratch_operands = 13 : i64, tpu.core_type = #tpu.core_type<sc_vector_subcore>, window_params = [{transform_indices = #map}, {transform_indices = #map1}, {transform_indices = #map1}, {transform_indices = #map2}]} {
    %mul3A = arith.constant 16 : i32
    %mul3A_0 = arith.muli %arg0, %mul3A : i32
    %add3A = arith.addi %mul3A_0, %arg1 : i32
    %mul3A_1 = arith.constant 10000 : i32
    %mul3A_2 = arith.muli %add3A, %mul3A_1 : i32
    %add3A_3 = arith.constant 0 : i32
    %add3A_4 = arith.addi %mul3A_2, %add3A_3 : i32
    %dma_start3A = tpu.memref_slice %arg3[%add3A_4] : memref<320000xi32, #tpu.memory_space<hbm>> -> memref<184xi32, #tpu.memory_space<hbm>>
    %dma_start3A_5 = tpu.memref_slice %arg3[%add3A_4] : memref<320000xi32, #tpu.memory_space<hbm>> -> memref<184xi32, #tpu.memory_space<hbm>>
    tpu.enqueue_dma source(%dma_start3A_5 : memref<184xi32, #tpu.memory_space<hbm>>) target(%arg6 : memref<184xi32, #tpu.memory_space<vmem>>) target_semaphore(%arg17 : memref<!tpu.dma_semaphore, #tpu.memory_space<semaphore_mem>>)
    %add3A_6 = arith.constant 0 : i32
    %add3A_7 = arith.addi %mul3A_2, %add3A_6 : i32
    %dma_start3A_8 = tpu.memref_slice %arg4[%add3A_7] : memref<320000xi32, #tpu.memory_space<hbm>> -> memref<184xi32, #tpu.memory_space<hbm>>
    %dma_start3A_9 = tpu.memref_slice %arg4[%add3A_7] : memref<320000xi32, #tpu.memory_space<hbm>> -> memref<184xi32, #tpu.memory_space<hbm>>
    tpu.enqueue_dma source(%dma_start3A_9 : memref<184xi32, #tpu.memory_space<hbm>>) target(%arg8 : memref<184xi32, #tpu.memory_space<vmem>>) target_semaphore(%arg17 : memref<!tpu.dma_semaphore, #tpu.memory_space<semaphore_mem>>)
    %add3A_10 = arith.constant 184 : i32
    %add3A_11 = arith.addi %mul3A_2, %add3A_10 : i32
    %dma_start3A_12 = tpu.memref_slice %arg3[%add3A_11] : memref<320000xi32, #tpu.memory_space<hbm>> -> memref<184xi32, #tpu.memory_space<hbm>>
    %dma_start3A_13 = tpu.memref_slice %arg3[%add3A_11] : memref<320000xi32, #tpu.memory_space<hbm>> -> memref<184xi32, #tpu.memory_space<hbm>>
    tpu.enqueue_dma source(%dma_start3A_13 : memref<184xi32, #tpu.memory_space<hbm>>) target(%arg7 : memref<184xi32, #tpu.memory_space<vmem>>) target_semaphore(%arg18 : memref<!tpu.dma_semaphore, #tpu.memory_space<semaphore_mem>>)
    %add3A_14 = arith.constant 184 : i32
    %add3A_15 = arith.addi %mul3A_2, %add3A_14 : i32
    %dma_start3A_16 = tpu.memref_slice %arg4[%add3A_15] : memref<320000xi32, #tpu.memory_space<hbm>> -> memref<184xi32, #tpu.memory_space<hbm>>
    %dma_start3A_17 = tpu.memref_slice %arg4[%add3A_15] : memref<320000xi32, #tpu.memory_space<hbm>> -> memref<184xi32, #tpu.memory_space<hbm>>
    tpu.enqueue_dma source(%dma_start3A_17 : memref<184xi32, #tpu.memory_space<hbm>>) target(%arg9 : memref<184xi32, #tpu.memory_space<vmem>>) target_semaphore(%arg18 : memref<!tpu.dma_semaphore, #tpu.memory_space<semaphore_mem>>)
    %scan3A = arith.constant 0 : i32
    %scan3A_18 = arith.constant 0 : i32
    %scan3A_19 = arith.constant 1024 : i32
    %scan3A_20 = arith.addi %scan3A_18, %scan3A_19 : i32
    %scan3A_21 = arith.constant 1 : i32
    %scan3A_22 = scf.for %scan3A_82 = %scan3A_18 to %scan3A_20 step %scan3A_21 iter_args(%scan3A_83 = %scan3A) -> (i32)  : i32 {
      %jit3A = arith.constant 8 : i32
      %div3A = arith.divsi %scan3A_82, %jit3A : i32
      %sign3A = arith.constant 0 : i32
      %sign3A_84 = arith.cmpi sgt, %scan3A_82, %sign3A : i32
      %sign3A_85 = arith.extui %sign3A_84 : i1 to i32
      %sign3A_86 = arith.constant 0 : i32
      %sign3A_87 = arith.cmpi slt, %scan3A_82, %sign3A_86 : i32
      %sign3A_88 = arith.extui %sign3A_87 : i1 to i32
      %sign3A_89 = arith.subi %sign3A_85, %sign3A_88 : i32
      %sign3A_90 = arith.constant 0 : i32
      %sign3A_91 = arith.cmpi sgt, %jit3A, %sign3A_90 : i32
      %sign3A_92 = arith.extui %sign3A_91 : i1 to i32
      %sign3A_93 = arith.constant 0 : i32
      %sign3A_94 = arith.cmpi slt, %jit3A, %sign3A_93 : i32
      %sign3A_95 = arith.extui %sign3A_94 : i1 to i32
      %sign3A_96 = arith.subi %sign3A_92, %sign3A_95 : i32
      %ne3A = arith.cmpi ne, %sign3A_89, %sign3A_96 : i32
      %rem3A = arith.remsi %scan3A_82, %jit3A : i32
      %ne3A_97 = arith.constant 0 : i32
      %ne3A_98 = arith.cmpi ne, %rem3A, %ne3A_97 : i32
      %and3A = arith.andi %ne3A, %ne3A_98 : i1
      %sub3A = arith.constant 1 : i32
      %sub3A_99 = arith.subi %div3A, %sub3A : i32
      %select_n3A = arith.select %and3A, %sub3A_99, %div3A : i32
      %jit3A_100 = arith.constant 8 : i32
      %eq3A = arith.constant 0 : i32
      %eq3A_101 = arith.cmpi eq, %jit3A_100, %eq3A : i32
      %jit3A_102 = arith.constant 1 : i32
      %select_n3A_103 = arith.select %eq3A_101, %jit3A_102, %jit3A_100 : i32
      %rem3A_104 = arith.remsi %scan3A_82, %select_n3A_103 : i32
      %ne3A_105 = arith.constant 0 : i32
      %ne3A_106 = arith.cmpi ne, %rem3A_104, %ne3A_105 : i32
      %lt3A = arith.constant 0 : i32
      %lt3A_107 = arith.cmpi slt, %rem3A_104, %lt3A : i32
      %lt3A_108 = arith.constant 0 : i32
      %lt3A_109 = arith.cmpi slt, %select_n3A_103, %lt3A_108 : i32
      %ne3A_110 = arith.xori %lt3A_107, %lt3A_109 : i1
      %and3A_111 = arith.andi %ne3A_110, %ne3A_106 : i1
      %add3A_112 = arith.addi %rem3A_104, %select_n3A_103 : i32
      %select_n3A_113 = arith.select %and3A_111, %add3A_112, %rem3A_104 : i32
      %mul3A_114 = arith.constant 16 : i32
      %mul3A_115 = arith.muli %select_n3A_113, %mul3A_114 : i32
      %broadcast_in_dim3A = arith.constant 0.000000e+00 : f32
      %broadcast_in_dim3A_116 = vector.broadcast %broadcast_in_dim3A : f32 to vector<16xf32>
      %swap3A = arith.index_cast %select_n3A : i32 to index
      %swap3A_117 = arith.index_cast %mul3A_115 : i32 to index
      %swap3A_118 = tpu.vector_load %arg10[%swap3A, %swap3A_117] {strides = array<i32>} : memref<184x128xf32, #tpu.memory_space<vmem>>, vector<1x16xf32>,
      %swap3A_119 = vector.shape_cast %swap3A_118 : vector<1x16xf32> to vector<16xf32>
      %swap3A_120 = vector.shape_cast %broadcast_in_dim3A_116 : vector<16xf32> to vector<1x16xf32>
      tpu.vector_store %arg10[%swap3A, %swap3A_117], %swap3A_120 {strides = array<i32>} : memref<184x128xf32, #tpu.memory_space<vmem>>, vector<1x16xf32>,
      %scan3A_121 = arith.constant 0 : i32
      scf.yield %scan3A_121 : i32
    }
    %scan3A_23 = arith.constant 1024 : i32
    %mul3A_24 = arith.constant 640 : i32
    %mul3A_25 = arith.muli %arg1, %mul3A_24 : i32
    %add3A_26 = arith.constant 0 : i32
    %add3A_27 = arith.addi %mul3A_25, %add3A_26 : i32
    "tpu.region"() ({
      %run_scoped3A = tpu.sem_alloc : memref<!tpu.dma_semaphore, #tpu.memory_space<semaphore_mem>>
      %dma_start3A_82 = arith.constant 0 : i32
      %dma_start3A_83 = arith.constant 0 : i32
      %dma_start3A_84 = tpu.memref_slice %arg10[%dma_start3A_82, %dma_start3A_83] : memref<184x128xf32, #tpu.memory_space<vmem>> -> memref<128x128xf32, #tpu.memory_space<vmem>>
      %dma_start3A_85 = arith.constant 0 : i32
      %dma_start3A_86 = tpu.memref_slice %arg14[%add3A_27, %dma_start3A_85] : memref<10240x128xf32, #tpu.memory_space<vmem_shared>> -> memref<128x128xf32, #tpu.memory_space<vmem_shared>>
      %dma_start3A_87 = arith.constant 0 : i32
      %dma_start3A_88 = tpu.memref_slice %arg14[%add3A_27, %dma_start3A_87] : memref<10240x128xf32, #tpu.memory_space<vmem_shared>> -> memref<128x128xf32, #tpu.memory_space<vmem_shared>>
      %dma_start3A_89 = arith.constant 0 : i32
      %dma_start3A_90 = arith.constant 0 : i32
      %dma_start3A_91 = tpu.memref_slice %arg10[%dma_start3A_89, %dma_start3A_90] : memref<184x128xf32, #tpu.memory_space<vmem>> -> memref<128x128xf32, #tpu.memory_space<vmem>>
      tpu.enqueue_dma source(%dma_start3A_91 : memref<128x128xf32, #tpu.memory_space<vmem>>) target(%dma_start3A_88 : memref<128x128xf32, #tpu.memory_space<vmem_shared>>) target_semaphore(%run_scoped3A : memref<!tpu.dma_semaphore, #tpu.memory_space<semaphore_mem>>)
      %dma_wait3A_92 = arith.constant 0 : i32
      %dma_wait3A_93 = arith.constant 0 : i32
      %dma_wait3A_94 = tpu.memref_slice %arg10[%dma_wait3A_92, %dma_wait3A_93] : memref<184x128xf32, #tpu.memory_space<vmem>> -> memref<128x128xf32, #tpu.memory_space<vmem>>
      %dma_wait3A_95 = arith.constant 0 : i32
      %dma_wait3A_96 = tpu.memref_slice %arg14[%add3A_27, %dma_wait3A_95] : memref<10240x128xf32, #tpu.memory_space<vmem_shared>> -> memref<128x128xf32, #tpu.memory_space<vmem_shared>>
      %dma_wait3A_97 = arith.constant 0 : i32
      %dma_wait3A_98 = tpu.memref_slice %arg14[%add3A_27, %dma_wait3A_97] : memref<10240x128xf32, #tpu.memory_space<vmem_shared>> -> memref<128x128xf32, #tpu.memory_space<vmem_shared>>
      %dma_wait3A_99 = arith.constant 0 : i32
      %dma_wait3A_100 = arith.constant 0 : i32
      %dma_wait3A_101 = tpu.memref_slice %arg10[%dma_wait3A_99, %dma_wait3A_100] : memref<184x128xf32, #tpu.memory_space<vmem>> -> memref<128x128xf32, #tpu.memory_space<vmem>>
      tpu.wait_dma2 semaphore(%run_scoped3A : memref<!tpu.dma_semaphore, #tpu.memory_space<semaphore_mem>>) src(%dma_wait3A_101 : memref<128x128xf32, #tpu.memory_space<vmem>>) dst(%dma_wait3A_98 : memref<128x128xf32, #tpu.memory_space<vmem_shared>>)
      tpu.yield
    }) : () -> ()
    %mul3A_28 = arith.constant 640 : i32
    %mul3A_29 = arith.muli %arg1, %mul3A_28 : i32
    %add3A_30 = arith.constant 128 : i32
    %add3A_31 = arith.addi %mul3A_29, %add3A_30 : i32
    "tpu.region"() ({
      %run_scoped3A = tpu.sem_alloc : memref<!tpu.dma_semaphore, #tpu.memory_space<semaphore_mem>>
      %dma_start3A_82 = arith.constant 0 : i32
      %dma_start3A_83 = arith.constant 0 : i32
      %dma_start3A_84 = tpu.memref_slice %arg10[%dma_start3A_82, %dma_start3A_83] : memref<184x128xf32, #tpu.memory_space<vmem>> -> memref<128x128xf32, #tpu.memory_space<vmem>>
      %dma_start3A_85 = arith.constant 0 : i32
      %dma_start3A_86 = tpu.memref_slice %arg14[%add3A_31, %dma_start3A_85] : memref<10240x128xf32, #tpu.memory_space<vmem_shared>> -> memref<128x128xf32, #tpu.memory_space<vmem_shared>>
      %dma_start3A_87 = arith.constant 0 : i32
      %dma_start3A_88 = tpu.memref_slice %arg14[%add3A_31, %dma_start3A_87] : memref<10240x128xf32, #tpu.memory_space<vmem_shared>> -> memref<128x128xf32, #tpu.memory_space<vmem_shared>>
      %dma_start3A_89 = arith.constant 0 : i32
      %dma_start3A_90 = arith.constant 0 : i32
      %dma_start3A_91 = tpu.memref_slice %arg10[%dma_start3A_89, %dma_start3A_90] : memref<184x128xf32, #tpu.memory_space<vmem>> -> memref<128x128xf32, #tpu.memory_space<vmem>>
      tpu.enqueue_dma source(%dma_start3A_91 : memref<128x128xf32, #tpu.memory_space<vmem>>) target(%dma_start3A_88 : memref<128x128xf32, #tpu.memory_space<vmem_shared>>) target_semaphore(%run_scoped3A : memref<!tpu.dma_semaphore, #tpu.memory_space<semaphore_mem>>)
      %dma_wait3A_92 = arith.constant 0 : i32
      %dma_wait3A_93 = arith.constant 0 : i32
      %dma_wait3A_94 = tpu.memref_slice %arg10[%dma_wait3A_92, %dma_wait3A_93] : memref<184x128xf32, #tpu.memory_space<vmem>> -> memref<128x128xf32, #tpu.memory_space<vmem>>
      %dma_wait3A_95 = arith.constant 0 : i32
      %dma_wait3A_96 = tpu.memref_slice %arg14[%add3A_31, %dma_wait3A_95] : memref<10240x128xf32, #tpu.memory_space<vmem_shared>> -> memref<128x128xf32, #tpu.memory_space<vmem_shared>>
      %dma_wait3A_97 = arith.constant 0 : i32
      %dma_wait3A_98 = tpu.memref_slice %arg14[%add3A_31, %dma_wait3A_97] : memref<10240x128xf32, #tpu.memory_space<vmem_shared>> -> memref<128x128xf32, #tpu.memory_space<vmem_shared>>
      %dma_wait3A_99 = arith.constant 0 : i32
      %dma_wait3A_100 = arith.constant 0 : i32
      %dma_wait3A_101 = tpu.memref_slice %arg10[%dma_wait3A_99, %dma_wait3A_100] : memref<184x128xf32, #tpu.memory_space<vmem>> -> memref<128x128xf32, #tpu.memory_space<vmem>>
      tpu.wait_dma2 semaphore(%run_scoped3A : memref<!tpu.dma_semaphore, #tpu.memory_space<semaphore_mem>>) src(%dma_wait3A_101 : memref<128x128xf32, #tpu.memory_space<vmem>>) dst(%dma_wait3A_98 : memref<128x128xf32, #tpu.memory_space<vmem_shared>>)
      tpu.yield
    }) : () -> ()
    %mul3A_32 = arith.constant 640 : i32
    %mul3A_33 = arith.muli %arg1, %mul3A_32 : i32
    %add3A_34 = arith.constant 256 : i32
    %add3A_35 = arith.addi %mul3A_33, %add3A_34 : i32
    "tpu.region"() ({
      %run_scoped3A = tpu.sem_alloc : memref<!tpu.dma_semaphore, #tpu.memory_space<semaphore_mem>>
      %dma_start3A_82 = arith.constant 0 : i32
      %dma_start3A_83 = arith.constant 0 : i32
      %dma_start3A_84 = tpu.memref_slice %arg10[%dma_start3A_82, %dma_start3A_83] : memref<184x128xf32, #tpu.memory_space<vmem>> -> memref<128x128xf32, #tpu.memory_space<vmem>>
      %dma_start3A_85 = arith.constant 0 : i32
      %dma_start3A_86 = tpu.memref_slice %arg14[%add3A_35, %dma_start3A_85] : memref<10240x128xf32, #tpu.memory_space<vmem_shared>> -> memref<128x128xf32, #tpu.memory_space<vmem_shared>>
      %dma_start3A_87 = arith.constant 0 : i32
      %dma_start3A_88 = tpu.memref_slice %arg14[%add3A_35, %dma_start3A_87] : memref<10240x128xf32, #tpu.memory_space<vmem_shared>> -> memref<128x128xf32, #tpu.memory_space<vmem_shared>>
      %dma_start3A_89 = arith.constant 0 : i32
      %dma_start3A_90 = arith.constant 0 : i32
      %dma_start3A_91 = tpu.memref_slice %arg10[%dma_start3A_89, %dma_start3A_90] : memref<184x128xf32, #tpu.memory_space<vmem>> -> memref<128x128xf32, #tpu.memory_space<vmem>>
      tpu.enqueue_dma source(%dma_start3A_91 : memref<128x128xf32, #tpu.memory_space<vmem>>) target(%dma_start3A_88 : memref<128x128xf32, #tpu.memory_space<vmem_shared>>) target_semaphore(%run_scoped3A : memref<!tpu.dma_semaphore, #tpu.memory_space<semaphore_mem>>)
      %dma_wait3A_92 = arith.constant 0 : i32
      %dma_wait3A_93 = arith.constant 0 : i32
      %dma_wait3A_94 = tpu.memref_slice %arg10[%dma_wait3A_92, %dma_wait3A_93] : memref<184x128xf32, #tpu.memory_space<vmem>> -> memref<128x128xf32, #tpu.memory_space<vmem>>
      %dma_wait3A_95 = arith.constant 0 : i32
      %dma_wait3A_96 = tpu.memref_slice %arg14[%add3A_35, %dma_wait3A_95] : memref<10240x128xf32, #tpu.memory_space<vmem_shared>> -> memref<128x128xf32, #tpu.memory_space<vmem_shared>>
      %dma_wait3A_97 = arith.constant 0 : i32
      %dma_wait3A_98 = tpu.memref_slice %arg14[%add3A_35, %dma_wait3A_97] : memref<10240x128xf32, #tpu.memory_space<vmem_shared>> -> memref<128x128xf32, #tpu.memory_space<vmem_shared>>
      %dma_wait3A_99 = arith.constant 0 : i32
      %dma_wait3A_100 = arith.constant 0 : i32
      %dma_wait3A_101 = tpu.memref_slice %arg10[%dma_wait3A_99, %dma_wait3A_100] : memref<184x128xf32, #tpu.memory_space<vmem>> -> memref<128x128xf32, #tpu.memory_space<vmem>>
      tpu.wait_dma2 semaphore(%run_scoped3A : memref<!tpu.dma_semaphore, #tpu.memory_space<semaphore_mem>>) src(%dma_wait3A_101 : memref<128x128xf32, #tpu.memory_space<vmem>>) dst(%dma_wait3A_98 : memref<128x128xf32, #tpu.memory_space<vmem_shared>>)
      tpu.yield
    }) : () -> ()
    %mul3A_36 = arith.constant 640 : i32
    %mul3A_37 = arith.muli %arg1, %mul3A_36 : i32
    %add3A_38 = arith.constant 384 : i32
    %add3A_39 = arith.addi %mul3A_37, %add3A_38 : i32
    "tpu.region"() ({
      %run_scoped3A = tpu.sem_alloc : memref<!tpu.dma_semaphore, #tpu.memory_space<semaphore_mem>>
      %dma_start3A_82 = arith.constant 0 : i32
      %dma_start3A_83 = arith.constant 0 : i32
      %dma_start3A_84 = tpu.memref_slice %arg10[%dma_start3A_82, %dma_start3A_83] : memref<184x128xf32, #tpu.memory_space<vmem>> -> memref<128x128xf32, #tpu.memory_space<vmem>>
      %dma_start3A_85 = arith.constant 0 : i32
      %dma_start3A_86 = tpu.memref_slice %arg14[%add3A_39, %dma_start3A_85] : memref<10240x128xf32, #tpu.memory_space<vmem_shared>> -> memref<128x128xf32, #tpu.memory_space<vmem_shared>>
      %dma_start3A_87 = arith.constant 0 : i32
      %dma_start3A_88 = tpu.memref_slice %arg14[%add3A_39, %dma_start3A_87] : memref<10240x128xf32, #tpu.memory_space<vmem_shared>> -> memref<128x128xf32, #tpu.memory_space<vmem_shared>>
      %dma_start3A_89 = arith.constant 0 : i32
      %dma_start3A_90 = arith.constant 0 : i32
      %dma_start3A_91 = tpu.memref_slice %arg10[%dma_start3A_89, %dma_start3A_90] : memref<184x128xf32, #tpu.memory_space<vmem>> -> memref<128x128xf32, #tpu.memory_space<vmem>>
      tpu.enqueue_dma source(%dma_start3A_91 : memref<128x128xf32, #tpu.memory_space<vmem>>) target(%dma_start3A_88 : memref<128x128xf32, #tpu.memory_space<vmem_shared>>) target_semaphore(%run_scoped3A : memref<!tpu.dma_semaphore, #tpu.memory_space<semaphore_mem>>)
      %dma_wait3A_92 = arith.constant 0 : i32
      %dma_wait3A_93 = arith.constant 0 : i32
      %dma_wait3A_94 = tpu.memref_slice %arg10[%dma_wait3A_92, %dma_wait3A_93] : memref<184x128xf32, #tpu.memory_space<vmem>> -> memref<128x128xf32, #tpu.memory_space<vmem>>
      %dma_wait3A_95 = arith.constant 0 : i32
      %dma_wait3A_96 = tpu.memref_slice %arg14[%add3A_39, %dma_wait3A_95] : memref<10240x128xf32, #tpu.memory_space<vmem_shared>> -> memref<128x128xf32, #tpu.memory_space<vmem_shared>>
      %dma_wait3A_97 = arith.constant 0 : i32
      %dma_wait3A_98 = tpu.memref_slice %arg14[%add3A_39, %dma_wait3A_97] : memref<10240x128xf32, #tpu.memory_space<vmem_shared>> -> memref<128x128xf32, #tpu.memory_space<vmem_shared>>
      %dma_wait3A_99 = arith.constant 0 : i32
      %dma_wait3A_100 = arith.constant 0 : i32
      %dma_wait3A_101 = tpu.memref_slice %arg10[%dma_wait3A_99, %dma_wait3A_100] : memref<184x128xf32, #tpu.memory_space<vmem>> -> memref<128x128xf32, #tpu.memory_space<vmem>>
      tpu.wait_dma2 semaphore(%run_scoped3A : memref<!tpu.dma_semaphore, #tpu.memory_space<semaphore_mem>>) src(%dma_wait3A_101 : memref<128x128xf32, #tpu.memory_space<vmem>>) dst(%dma_wait3A_98 : memref<128x128xf32, #tpu.memory_space<vmem_shared>>)
      tpu.yield
    }) : () -> ()
    %mul3A_40 = arith.constant 640 : i32
    %mul3A_41 = arith.muli %arg1, %mul3A_40 : i32
    %add3A_42 = arith.constant 512 : i32
    %add3A_43 = arith.addi %mul3A_41, %add3A_42 : i32
    "tpu.region"() ({
      %run_scoped3A = tpu.sem_alloc : memref<!tpu.dma_semaphore, #tpu.memory_space<semaphore_mem>>
      %dma_start3A_82 = arith.constant 0 : i32
      %dma_start3A_83 = arith.constant 0 : i32
      %dma_start3A_84 = tpu.memref_slice %arg10[%dma_start3A_82, %dma_start3A_83] : memref<184x128xf32, #tpu.memory_space<vmem>> -> memref<128x128xf32, #tpu.memory_space<vmem>>
      %dma_start3A_85 = arith.constant 0 : i32
      %dma_start3A_86 = tpu.memref_slice %arg14[%add3A_43, %dma_start3A_85] : memref<10240x128xf32, #tpu.memory_space<vmem_shared>> -> memref<128x128xf32, #tpu.memory_space<vmem_shared>>
      %dma_start3A_87 = arith.constant 0 : i32
      %dma_start3A_88 = tpu.memref_slice %arg14[%add3A_43, %dma_start3A_87] : memref<10240x128xf32, #tpu.memory_space<vmem_shared>> -> memref<128x128xf32, #tpu.memory_space<vmem_shared>>
      %dma_start3A_89 = arith.constant 0 : i32
      %dma_start3A_90 = arith.constant 0 : i32
      %dma_start3A_91 = tpu.memref_slice %arg10[%dma_start3A_89, %dma_start3A_90] : memref<184x128xf32, #tpu.memory_space<vmem>> -> memref<128x128xf32, #tpu.memory_space<vmem>>
      tpu.enqueue_dma source(%dma_start3A_91 : memref<128x128xf32, #tpu.memory_space<vmem>>) target(%dma_start3A_88 : memref<128x128xf32, #tpu.memory_space<vmem_shared>>) target_semaphore(%run_scoped3A : memref<!tpu.dma_semaphore, #tpu.memory_space<semaphore_mem>>)
      %dma_wait3A_92 = arith.constant 0 : i32
      %dma_wait3A_93 = arith.constant 0 : i32
      %dma_wait3A_94 = tpu.memref_slice %arg10[%dma_wait3A_92, %dma_wait3A_93] : memref<184x128xf32, #tpu.memory_space<vmem>> -> memref<128x128xf32, #tpu.memory_space<vmem>>
      %dma_wait3A_95 = arith.constant 0 : i32
      %dma_wait3A_96 = tpu.memref_slice %arg14[%add3A_43, %dma_wait3A_95] : memref<10240x128xf32, #tpu.memory_space<vmem_shared>> -> memref<128x128xf32, #tpu.memory_space<vmem_shared>>
      %dma_wait3A_97 = arith.constant 0 : i32
      %dma_wait3A_98 = tpu.memref_slice %arg14[%add3A_43, %dma_wait3A_97] : memref<10240x128xf32, #tpu.memory_space<vmem_shared>> -> memref<128x128xf32, #tpu.memory_space<vmem_shared>>
      %dma_wait3A_99 = arith.constant 0 : i32
      %dma_wait3A_100 = arith.constant 0 : i32
      %dma_wait3A_101 = tpu.memref_slice %arg10[%dma_wait3A_99, %dma_wait3A_100] : memref<184x128xf32, #tpu.memory_space<vmem>> -> memref<128x128xf32, #tpu.memory_space<vmem>>
      tpu.wait_dma2 semaphore(%run_scoped3A : memref<!tpu.dma_semaphore, #tpu.memory_space<semaphore_mem>>) src(%dma_wait3A_101 : memref<128x128xf32, #tpu.memory_space<vmem>>) dst(%dma_wait3A_98 : memref<128x128xf32, #tpu.memory_space<vmem_shared>>)
      tpu.yield
    }) : () -> ()
    %barrier3A = arith.constant 0 : index
    tpu.barrier barrier_id(%barrier3A)
    %add3A_44 = arith.constant 9936 : i32
    %add3A_45 = arith.addi %mul3A_2, %add3A_44 : i32
    "tpu.region"() ({
      %run_scoped3A = tpu.sem_alloc : memref<!tpu.dma_semaphore, #tpu.memory_space<semaphore_mem>>
      %dma_start3A_82 = tpu.memref_slice %arg3[%add3A_45] : memref<320000xi32, #tpu.memory_space<hbm>> -> memref<64xi32, #tpu.memory_space<hbm>>
      %dma_start3A_83 = tpu.memref_slice %arg3[%add3A_45] : memref<320000xi32, #tpu.memory_space<hbm>> -> memref<64xi32, #tpu.memory_space<hbm>>
      tpu.enqueue_dma source(%dma_start3A_83 : memref<64xi32, #tpu.memory_space<hbm>>) target(%arg12 : memref<64xi32, #tpu.memory_space<vmem>>) target_semaphore(%run_scoped3A : memref<!tpu.dma_semaphore, #tpu.memory_space<semaphore_mem>>)
      %dma_wait3A_84 = tpu.memref_slice %arg3[%add3A_45] : memref<320000xi32, #tpu.memory_space<hbm>> -> memref<64xi32, #tpu.memory_space<hbm>>
      %dma_wait3A_85 = tpu.memref_slice %arg3[%add3A_45] : memref<320000xi32, #tpu.memory_space<hbm>> -> memref<64xi32, #tpu.memory_space<hbm>>
      tpu.wait_dma2 semaphore(%run_scoped3A : memref<!tpu.dma_semaphore, #tpu.memory_space<semaphore_mem>>) src(%dma_wait3A_85 : memref<64xi32, #tpu.memory_space<hbm>>) dst(%arg12 : memref<64xi32, #tpu.memory_space<vmem>>)
      tpu.yield
    }) : () -> ()
    %add3A_46 = arith.constant 9936 : i32
    %add3A_47 = arith.addi %mul3A_2, %add3A_46 : i32
    "tpu.region"() ({
      %run_scoped3A = tpu.sem_alloc : memref<!tpu.dma_semaphore, #tpu.memory_space<semaphore_mem>>
      %dma_start3A_82 = tpu.memref_slice %arg4[%add3A_47] : memref<320000xi32, #tpu.memory_space<hbm>> -> memref<64xi32, #tpu.memory_space<hbm>>
      %dma_start3A_83 = tpu.memref_slice %arg4[%add3A_47] : memref<320000xi32, #tpu.memory_space<hbm>> -> memref<64xi32, #tpu.memory_space<hbm>>
      tpu.enqueue_dma source(%dma_start3A_83 : memref<64xi32, #tpu.memory_space<hbm>>) target(%arg13 : memref<64xi32, #tpu.memory_space<vmem>>) target_semaphore(%run_scoped3A : memref<!tpu.dma_semaphore, #tpu.memory_space<semaphore_mem>>)
      %dma_wait3A_84 = tpu.memref_slice %arg4[%add3A_47] : memref<320000xi32, #tpu.memory_space<hbm>> -> memref<64xi32, #tpu.memory_space<hbm>>
      %dma_wait3A_85 = tpu.memref_slice %arg4[%add3A_47] : memref<320000xi32, #tpu.memory_space<hbm>> -> memref<64xi32, #tpu.memory_space<hbm>>
      tpu.wait_dma2 semaphore(%run_scoped3A : memref<!tpu.dma_semaphore, #tpu.memory_space<semaphore_mem>>) src(%dma_wait3A_85 : memref<64xi32, #tpu.memory_space<hbm>>) dst(%arg13 : memref<64xi32, #tpu.memory_space<vmem>>)
      tpu.yield
    }) : () -> ()
    %dma_start3A_48 = arith.constant 0 : i32
    %dma_start3A_49 = arith.constant 0 : i32
    %dma_start3A_50 = tpu.memref_slice %arg10[%dma_start3A_48, %dma_start3A_49] : memref<184x128xf32, #tpu.memory_space<vmem>> -> memref<64x128xf32, #tpu.memory_space<vmem>>
    %dma_start3A_51 = arith.constant 0 : i32
    %dma_start3A_52 = arith.constant 0 : i32
    %dma_start3A_53 = tpu.memref_slice %arg2[%dma_start3A_51, %dma_start3A_52] : memref<10000x128xf32, #tpu.memory_space<hbm>> -> memref<10000x128xf32, #tpu.memory_space<hbm>>
    tpu.enqueue_indirect_dma source(%dma_start3A_53 : memref<10000x128xf32, #tpu.memory_space<hbm>>) target(%dma_start3A_50 : memref<64x128xf32, #tpu.memory_space<vmem>>) offsets(%arg12 : memref<64xi32, #tpu.memory_space<vmem>>) semaphore(%arg15 : memref<!tpu.dma_semaphore, #tpu.memory_space<semaphore_mem>>)
    %dma_wait3A = arith.constant 0 : i32
    %dma_wait3A_54 = arith.constant 0 : i32
    %dma_wait3A_55 = tpu.memref_slice %arg10[%dma_wait3A, %dma_wait3A_54] : memref<184x128xf32, #tpu.memory_space<vmem>> -> memref<64x128xf32, #tpu.memory_space<vmem>>
    %dma_wait3A_56 = arith.constant 0 : i32
    %dma_wait3A_57 = arith.constant 0 : i32
    %dma_wait3A_58 = tpu.memref_slice %arg2[%dma_wait3A_56, %dma_wait3A_57] : memref<10000x128xf32, #tpu.memory_space<hbm>> -> memref<10000x128xf32, #tpu.memory_space<hbm>>
    tpu.wait_indirect_dma semaphore(%arg15 : memref<!tpu.dma_semaphore, #tpu.memory_space<semaphore_mem>>) src(%dma_wait3A_58 : memref<10000x128xf32, #tpu.memory_space<hbm>>) dst(%dma_wait3A_55 : memref<64x128xf32, #tpu.memory_space<vmem>>)
    "tpu.region"() ({
      %run_scoped3A = tpu.sem_alloc : memref<!tpu.dma_semaphore, #tpu.memory_space<semaphore_mem>>
      %dma_start3A_82 = arith.constant 0 : i32
      %dma_start3A_83 = arith.constant 0 : i32
      %dma_start3A_84 = tpu.memref_slice %arg10[%dma_start3A_82, %dma_start3A_83] : memref<184x128xf32, #tpu.memory_space<vmem>> -> memref<64x128xf32, #tpu.memory_space<vmem>>
      %dma_start3A_85 = arith.constant 0 : i32
      %dma_start3A_86 = arith.constant 0 : i32
      %dma_start3A_87 = tpu.memref_slice %arg14[%dma_start3A_85, %dma_start3A_86] : memref<10240x128xf32, #tpu.memory_space<vmem_shared>> -> memref<10240x128xf32, #tpu.memory_space<vmem_shared>>
      tpu.enqueue_indirect_dma source(%dma_start3A_84 : memref<64x128xf32, #tpu.memory_space<vmem>>) target(%dma_start3A_87 : memref<10240x128xf32, #tpu.memory_space<vmem_shared>>) offsets(%arg13 : memref<64xi32, #tpu.memory_space<vmem>>) semaphore(%run_scoped3A : memref<!tpu.dma_semaphore, #tpu.memory_space<semaphore_mem>>) {add = true}
      %dma_wait3A_88 = arith.constant 0 : i32
      %dma_wait3A_89 = arith.constant 0 : i32
      %dma_wait3A_90 = tpu.memref_slice %arg10[%dma_wait3A_88, %dma_wait3A_89] : memref<184x128xf32, #tpu.memory_space<vmem>> -> memref<64x128xf32, #tpu.memory_space<vmem>>
      %dma_wait3A_91 = arith.constant 0 : i32
      %dma_wait3A_92 = arith.constant 0 : i32
      %dma_wait3A_93 = tpu.memref_slice %arg14[%dma_wait3A_91, %dma_wait3A_92] : memref<10240x128xf32, #tpu.memory_space<vmem_shared>> -> memref<10240x128xf32, #tpu.memory_space<vmem_shared>>
      tpu.wait_indirect_dma semaphore(%run_scoped3A : memref<!tpu.dma_semaphore, #tpu.memory_space<semaphore_mem>>) src(%dma_wait3A_90 : memref<64x128xf32, #tpu.memory_space<vmem>>) dst(%dma_wait3A_93 : memref<10240x128xf32, #tpu.memory_space<vmem_shared>>)
      tpu.yield
    }) : () -> ()
    %dma_wait3A_59 = arith.constant 0 : i32
    %dma_wait3A_60 = tpu.memref_slice %arg3[%dma_wait3A_59] : memref<320000xi32, #tpu.memory_space<hbm>> -> memref<184xi32, #tpu.memory_space<hbm>>
    %dma_wait3A_61 = arith.constant 0 : i32
    %dma_wait3A_62 = tpu.memref_slice %arg3[%dma_wait3A_61] : memref<320000xi32, #tpu.memory_space<hbm>> -> memref<184xi32, #tpu.memory_space<hbm>>
    tpu.wait_dma2 semaphore(%arg17 : memref<!tpu.dma_semaphore, #tpu.memory_space<semaphore_mem>>) src(%dma_wait3A_62 : memref<184xi32, #tpu.memory_space<hbm>>) dst(%arg6 : memref<184xi32, #tpu.memory_space<vmem>>)
    %dma_wait3A_63 = arith.constant 0 : i32
    %dma_wait3A_64 = tpu.memref_slice %arg3[%dma_wait3A_63] : memref<320000xi32, #tpu.memory_space<hbm>> -> memref<184xi32, #tpu.memory_space<hbm>>
    %dma_wait3A_65 = arith.constant 0 : i32
    %dma_wait3A_66 = tpu.memref_slice %arg3[%dma_wait3A_65] : memref<320000xi32, #tpu.memory_space<hbm>> -> memref<184xi32, #tpu.memory_space<hbm>>
    tpu.wait_dma2 semaphore(%arg17 : memref<!tpu.dma_semaphore, #tpu.memory_space<semaphore_mem>>) src(%dma_wait3A_66 : memref<184xi32, #tpu.memory_space<hbm>>) dst(%arg8 : memref<184xi32, #tpu.memory_space<vmem>>)
    %dma_start3A_67 = arith.constant 0 : i32
    %dma_start3A_68 = arith.constant 0 : i32
    %dma_start3A_69 = tpu.memref_slice %arg2[%dma_start3A_67, %dma_start3A_68] : memref<10000x128xf32, #tpu.memory_space<hbm>> -> memref<10000x128xf32, #tpu.memory_space<hbm>>
    tpu.enqueue_indirect_dma source(%dma_start3A_69 : memref<10000x128xf32, #tpu.memory_space<hbm>>) target(%arg10 : memref<184x128xf32, #tpu.memory_space<vmem>>) offsets(%arg6 : memref<184xi32, #tpu.memory_space<vmem>>) semaphore(%arg15 : memref<!tpu.dma_semaphore, #tpu.memory_space<semaphore_mem>>)
    %scan3A_70 = arith.constant 0 : i32
    %scan3A_71 = arith.constant 0 : i32
    %scan3A_72 = arith.constant 27 : i32
    %scan3A_73 = arith.addi %scan3A_71, %scan3A_72 : i32
    %scan3A_74 = arith.constant 1 : i32
    %scan3A_75 = scf.for %scan3A_82 = %scan3A_71 to %scan3A_73 step %scan3A_74 iter_args(%scan3A_83 = %scan3A_70) -> (i32)  : i32 {
      %mul3A_84 = arith.constant 2 : i32
      %mul3A_85 = arith.muli %scan3A_82, %mul3A_84 : i32
      %add3A_86 = arith.constant 0 : i32
      %add3A_87 = arith.addi %mul3A_85, %add3A_86 : i32
      %add3A_88 = arith.constant 1 : i32
      %add3A_89 = arith.addi %add3A_87, %add3A_88 : i32
      %lt3A = arith.constant 54 : i32
      %lt3A_90 = arith.cmpi slt, %add3A_89, %lt3A : i32
      %convert_element_type3A = arith.extui %lt3A_90 : i1 to i32
      %cond3A = arith.constant 0 : i32
      %cond3A_91 = arith.cmpi ne, %convert_element_type3A, %cond3A : i32
      scf.if %cond3A_91 {
        %dma_wait3A_128 = arith.constant 0 : i32
        %dma_wait3A_129 = tpu.memref_slice %arg3[%dma_wait3A_128] : memref<320000xi32, #tpu.memory_space<hbm>> -> memref<184xi32, #tpu.memory_space<hbm>>
        %dma_wait3A_130 = arith.constant 0 : i32
        %dma_wait3A_131 = tpu.memref_slice %arg3[%dma_wait3A_130] : memref<320000xi32, #tpu.memory_space<hbm>> -> memref<184xi32, #tpu.memory_space<hbm>>
        tpu.wait_dma2 semaphore(%arg18 : memref<!tpu.dma_semaphore, #tpu.memory_space<semaphore_mem>>) src(%dma_wait3A_131 : memref<184xi32, #tpu.memory_space<hbm>>) dst(%arg7 : memref<184xi32, #tpu.memory_space<vmem>>)
        %dma_wait3A_132 = arith.constant 0 : i32
        %dma_wait3A_133 = tpu.memref_slice %arg3[%dma_wait3A_132] : memref<320000xi32, #tpu.memory_space<hbm>> -> memref<184xi32, #tpu.memory_space<hbm>>
        %dma_wait3A_134 = arith.constant 0 : i32
        %dma_wait3A_135 = tpu.memref_slice %arg3[%dma_wait3A_134] : memref<320000xi32, #tpu.memory_space<hbm>> -> memref<184xi32, #tpu.memory_space<hbm>>
        tpu.wait_dma2 semaphore(%arg18 : memref<!tpu.dma_semaphore, #tpu.memory_space<semaphore_mem>>) src(%dma_wait3A_135 : memref<184xi32, #tpu.memory_space<hbm>>) dst(%arg9 : memref<184xi32, #tpu.memory_space<vmem>>)
        %dma_start3A_136 = arith.constant 0 : i32
        %dma_start3A_137 = arith.constant 0 : i32
        %dma_start3A_138 = tpu.memref_slice %arg2[%dma_start3A_136, %dma_start3A_137] : memref<10000x128xf32, #tpu.memory_space<hbm>> -> memref<10000x128xf32, #tpu.memory_space<hbm>>
        tpu.enqueue_indirect_dma source(%dma_start3A_138 : memref<10000x128xf32, #tpu.memory_space<hbm>>) target(%arg11 : memref<184x128xf32, #tpu.memory_space<vmem>>) offsets(%arg7 : memref<184xi32, #tpu.memory_space<vmem>>) semaphore(%arg16 : memref<!tpu.dma_semaphore, #tpu.memory_space<semaphore_mem>>)
      } else {
      }
      %dma_wait3A_92 = arith.constant 0 : i32
      %dma_wait3A_93 = arith.constant 0 : i32
      %dma_wait3A_94 = tpu.memref_slice %arg2[%dma_wait3A_92, %dma_wait3A_93] : memref<10000x128xf32, #tpu.memory_space<hbm>> -> memref<184x128xf32, #tpu.memory_space<hbm>>
      %dma_wait3A_95 = arith.constant 0 : i32
      %dma_wait3A_96 = arith.constant 0 : i32
      %dma_wait3A_97 = tpu.memref_slice %arg2[%dma_wait3A_95, %dma_wait3A_96] : memref<10000x128xf32, #tpu.memory_space<hbm>> -> memref<184x128xf32, #tpu.memory_space<hbm>>
      tpu.wait_dma2 semaphore(%arg15 : memref<!tpu.dma_semaphore, #tpu.memory_space<semaphore_mem>>) src(%dma_wait3A_97 : memref<184x128xf32, #tpu.memory_space<hbm>>) dst(%arg10 : memref<184x128xf32, #tpu.memory_space<vmem>>)
      "tpu.region"() ({
        %run_scoped3A = tpu.sem_alloc : memref<!tpu.dma_semaphore, #tpu.memory_space<semaphore_mem>>
        %dma_start3A_128 = arith.constant 0 : i32
        %dma_start3A_129 = arith.constant 0 : i32
        %dma_start3A_130 = tpu.memref_slice %arg14[%dma_start3A_128, %dma_start3A_129] : memref<10240x128xf32, #tpu.memory_space<vmem_shared>> -> memref<10240x128xf32, #tpu.memory_space<vmem_shared>>
        tpu.enqueue_indirect_dma source(%arg10 : memref<184x128xf32, #tpu.memory_space<vmem>>) target(%dma_start3A_130 : memref<10240x128xf32, #tpu.memory_space<vmem_shared>>) offsets(%arg8 : memref<184xi32, #tpu.memory_space<vmem>>) semaphore(%run_scoped3A : memref<!tpu.dma_semaphore, #tpu.memory_space<semaphore_mem>>) {add = true}
        %dma_wait3A_131 = arith.constant 0 : i32
        %dma_wait3A_132 = arith.constant 0 : i32
        %dma_wait3A_133 = tpu.memref_slice %arg14[%dma_wait3A_131, %dma_wait3A_132] : memref<10240x128xf32, #tpu.memory_space<vmem_shared>> -> memref<10240x128xf32, #tpu.memory_space<vmem_shared>>
        tpu.wait_indirect_dma semaphore(%run_scoped3A : memref<!tpu.dma_semaphore, #tpu.memory_space<semaphore_mem>>) src(%arg10 : memref<184x128xf32, #tpu.memory_space<vmem>>) dst(%dma_wait3A_133 : memref<10240x128xf32, #tpu.memory_space<vmem_shared>>)
        tpu.yield
      }) : () -> ()
      %add3A_98 = arith.constant 2 : i32
      %add3A_99 = arith.addi %add3A_87, %add3A_98 : i32
      %lt3A_100 = arith.constant 54 : i32
      %lt3A_101 = arith.cmpi slt, %add3A_99, %lt3A_100 : i32
      %convert_element_type3A_102 = arith.extui %lt3A_101 : i1 to i32
      %cond3A_103 = arith.constant 0 : i32
      %cond3A_104 = arith.cmpi ne, %convert_element_type3A_102, %cond3A_103 : i32
      scf.if %cond3A_104 {
        %add3A_128 = arith.constant 2 : i32
        %add3A_129 = arith.addi %add3A_87, %add3A_128 : i32
        %mul3A_130 = arith.constant 184 : i32
        %mul3A_131 = arith.muli %add3A_129, %mul3A_130 : i32
        %add3A_132 = arith.addi %mul3A_2, %mul3A_131 : i32
        %dma_start3A_133 = tpu.memref_slice %arg3[%add3A_132] : memref<320000xi32, #tpu.memory_space<hbm>> -> memref<184xi32, #tpu.memory_space<hbm>>
        %dma_start3A_134 = tpu.memref_slice %arg3[%add3A_132] : memref<320000xi32, #tpu.memory_space<hbm>> -> memref<184xi32, #tpu.memory_space<hbm>>
        tpu.enqueue_dma source(%dma_start3A_134 : memref<184xi32, #tpu.memory_space<hbm>>) target(%arg6 : memref<184xi32, #tpu.memory_space<vmem>>) target_semaphore(%arg17 : memref<!tpu.dma_semaphore, #tpu.memory_space<semaphore_mem>>)
        %mul3A_135 = arith.constant 184 : i32
        %mul3A_136 = arith.muli %add3A_129, %mul3A_135 : i32
        %add3A_137 = arith.addi %mul3A_2, %mul3A_136 : i32
        %dma_start3A_138 = tpu.memref_slice %arg4[%add3A_137] : memref<320000xi32, #tpu.memory_space<hbm>> -> memref<184xi32, #tpu.memory_space<hbm>>
        %dma_start3A_139 = tpu.memref_slice %arg4[%add3A_137] : memref<320000xi32, #tpu.memory_space<hbm>> -> memref<184xi32, #tpu.memory_space<hbm>>
        tpu.enqueue_dma source(%dma_start3A_139 : memref<184xi32, #tpu.memory_space<hbm>>) target(%arg8 : memref<184xi32, #tpu.memory_space<vmem>>) target_semaphore(%arg17 : memref<!tpu.dma_semaphore, #tpu.memory_space<semaphore_mem>>)
      } else {
      }
      %add3A_105 = arith.constant 1 : i32
      %add3A_106 = arith.addi %mul3A_85, %add3A_105 : i32
      %add3A_107 = arith.constant 1 : i32
      %add3A_108 = arith.addi %add3A_106, %add3A_107 : i32
      %lt3A_109 = arith.constant 54 : i32
      %lt3A_110 = arith.cmpi slt, %add3A_108, %lt3A_109 : i32
      %convert_element_type3A_111 = arith.extui %lt3A_110 : i1 to i32
      %cond3A_112 = arith.constant 0 : i32
      %cond3A_113 = arith.cmpi ne, %convert_element_type3A_111, %cond3A_112 : i32
      scf.if %cond3A_113 {
        %dma_wait3A_128 = arith.constant 0 : i32
        %dma_wait3A_129 = tpu.memref_slice %arg3[%dma_wait3A_128] : memref<320000xi32, #tpu.memory_space<hbm>> -> memref<184xi32, #tpu.memory_space<hbm>>
        %dma_wait3A_130 = arith.constant 0 : i32
        %dma_wait3A_131 = tpu.memref_slice %arg3[%dma_wait3A_130] : memref<320000xi32, #tpu.memory_space<hbm>> -> memref<184xi32, #tpu.memory_space<hbm>>
        tpu.wait_dma2 semaphore(%arg17 : memref<!tpu.dma_semaphore, #tpu.memory_space<semaphore_mem>>) src(%dma_wait3A_131 : memref<184xi32, #tpu.memory_space<hbm>>) dst(%arg6 : memref<184xi32, #tpu.memory_space<vmem>>)
        %dma_wait3A_132 = arith.constant 0 : i32
        %dma_wait3A_133 = tpu.memref_slice %arg3[%dma_wait3A_132] : memref<320000xi32, #tpu.memory_space<hbm>> -> memref<184xi32, #tpu.memory_space<hbm>>
        %dma_wait3A_134 = arith.constant 0 : i32
        %dma_wait3A_135 = tpu.memref_slice %arg3[%dma_wait3A_134] : memref<320000xi32, #tpu.memory_space<hbm>> -> memref<184xi32, #tpu.memory_space<hbm>>
        tpu.wait_dma2 semaphore(%arg17 : memref<!tpu.dma_semaphore, #tpu.memory_space<semaphore_mem>>) src(%dma_wait3A_135 : memref<184xi32, #tpu.memory_space<hbm>>) dst(%arg8 : memref<184xi32, #tpu.memory_space<vmem>>)
        %dma_start3A_136 = arith.constant 0 : i32
        %dma_start3A_137 = arith.constant 0 : i32
        %dma_start3A_138 = tpu.memref_slice %arg2[%dma_start3A_136, %dma_start3A_137] : memref<10000x128xf32, #tpu.memory_space<hbm>> -> memref<10000x128xf32, #tpu.memory_space<hbm>>
        tpu.enqueue_indirect_dma source(%dma_start3A_138 : memref<10000x128xf32, #tpu.memory_space<hbm>>) target(%arg10 : memref<184x128xf32, #tpu.memory_space<vmem>>) offsets(%arg6 : memref<184xi32, #tpu.memory_space<vmem>>) semaphore(%arg15 : memref<!tpu.dma_semaphore, #tpu.memory_space<semaphore_mem>>)
      } else {
      }
      %dma_wait3A_114 = arith.constant 0 : i32
      %dma_wait3A_115 = arith.constant 0 : i32
      %dma_wait3A_116 = tpu.memref_slice %arg2[%dma_wait3A_114, %dma_wait3A_115] : memref<10000x128xf32, #tpu.memory_space<hbm>> -> memref<184x128xf32, #tpu.memory_space<hbm>>
      %dma_wait3A_117 = arith.constant 0 : i32
      %dma_wait3A_118 = arith.constant 0 : i32
      %dma_wait3A_119 = tpu.memref_slice %arg2[%dma_wait3A_117, %dma_wait3A_118] : memref<10000x128xf32, #tpu.memory_space<hbm>> -> memref<184x128xf32, #tpu.memory_space<hbm>>
      tpu.wait_dma2 semaphore(%arg16 : memref<!tpu.dma_semaphore, #tpu.memory_space<semaphore_mem>>) src(%dma_wait3A_119 : memref<184x128xf32, #tpu.memory_space<hbm>>) dst(%arg11 : memref<184x128xf32, #tpu.memory_space<vmem>>)
      "tpu.region"() ({
        %run_scoped3A = tpu.sem_alloc : memref<!tpu.dma_semaphore, #tpu.memory_space<semaphore_mem>>
        %dma_start3A_128 = arith.constant 0 : i32
        %dma_start3A_129 = arith.constant 0 : i32
        %dma_start3A_130 = tpu.memref_slice %arg14[%dma_start3A_128, %dma_start3A_129] : memref<10240x128xf32, #tpu.memory_space<vmem_shared>> -> memref<10240x128xf32, #tpu.memory_space<vmem_shared>>
        tpu.enqueue_indirect_dma source(%arg11 : memref<184x128xf32, #tpu.memory_space<vmem>>) target(%dma_start3A_130 : memref<10240x128xf32, #tpu.memory_space<vmem_shared>>) offsets(%arg9 : memref<184xi32, #tpu.memory_space<vmem>>) semaphore(%run_scoped3A : memref<!tpu.dma_semaphore, #tpu.memory_space<semaphore_mem>>) {add = true}
        %dma_wait3A_131 = arith.constant 0 : i32
        %dma_wait3A_132 = arith.constant 0 : i32
        %dma_wait3A_133 = tpu.memref_slice %arg14[%dma_wait3A_131, %dma_wait3A_132] : memref<10240x128xf32, #tpu.memory_space<vmem_shared>> -> memref<10240x128xf32, #tpu.memory_space<vmem_shared>>
        tpu.wait_indirect_dma semaphore(%run_scoped3A : memref<!tpu.dma_semaphore, #tpu.memory_space<semaphore_mem>>) src(%arg11 : memref<184x128xf32, #tpu.memory_space<vmem>>) dst(%dma_wait3A_133 : memref<10240x128xf32, #tpu.memory_space<vmem_shared>>)
        tpu.yield
      }) : () -> ()
      %add3A_120 = arith.constant 2 : i32
      %add3A_121 = arith.addi %add3A_106, %add3A_120 : i32
      %lt3A_122 = arith.constant 54 : i32
      %lt3A_123 = arith.cmpi slt, %add3A_121, %lt3A_122 : i32
      %convert_element_type3A_124 = arith.extui %lt3A_123 : i1 to i32
      %cond3A_125 = arith.constant 0 : i32
      %cond3A_126 = arith.cmpi ne, %convert_element_type3A_124, %cond3A_125 : i32
      scf.if %cond3A_126 {
        %add3A_128 = arith.constant 2 : i32
        %add3A_129 = arith.addi %add3A_106, %add3A_128 : i32
        %mul3A_130 = arith.constant 184 : i32
        %mul3A_131 = arith.muli %add3A_129, %mul3A_130 : i32
        %add3A_132 = arith.addi %mul3A_2, %mul3A_131 : i32
        %dma_start3A_133 = tpu.memref_slice %arg3[%add3A_132] : memref<320000xi32, #tpu.memory_space<hbm>> -> memref<184xi32, #tpu.memory_space<hbm>>
        %dma_start3A_134 = tpu.memref_slice %arg3[%add3A_132] : memref<320000xi32, #tpu.memory_space<hbm>> -> memref<184xi32, #tpu.memory_space<hbm>>
        tpu.enqueue_dma source(%dma_start3A_134 : memref<184xi32, #tpu.memory_space<hbm>>) target(%arg7 : memref<184xi32, #tpu.memory_space<vmem>>) target_semaphore(%arg18 : memref<!tpu.dma_semaphore, #tpu.memory_space<semaphore_mem>>)
        %mul3A_135 = arith.constant 184 : i32
        %mul3A_136 = arith.muli %add3A_129, %mul3A_135 : i32
        %add3A_137 = arith.addi %mul3A_2, %mul3A_136 : i32
        %dma_start3A_138 = tpu.memref_slice %arg4[%add3A_137] : memref<320000xi32, #tpu.memory_space<hbm>> -> memref<184xi32, #tpu.memory_space<hbm>>
        %dma_start3A_139 = tpu.memref_slice %arg4[%add3A_137] : memref<320000xi32, #tpu.memory_space<hbm>> -> memref<184xi32, #tpu.memory_space<hbm>>
        tpu.enqueue_dma source(%dma_start3A_139 : memref<184xi32, #tpu.memory_space<hbm>>) target(%arg9 : memref<184xi32, #tpu.memory_space<vmem>>) target_semaphore(%arg18 : memref<!tpu.dma_semaphore, #tpu.memory_space<semaphore_mem>>)
      } else {
      }
      %scan3A_127 = arith.constant 0 : i32
      scf.yield %scan3A_127 : i32
    }
    %scan3A_76 = arith.constant 27 : i32
    %barrier3A_77 = arith.constant 0 : index
    tpu.barrier barrier_id(%barrier3A_77)
    %mul3A_78 = arith.constant 640 : i32
    %mul3A_79 = arith.muli %arg1, %mul3A_78 : i32
    %mul3A_80 = arith.constant 640 : i32
    %mul3A_81 = arith.muli %arg1, %mul3A_80 : i32
    "tpu.region"() ({
      %run_scoped3A = tpu.sem_alloc : memref<!tpu.dma_semaphore, #tpu.memory_space<semaphore_mem>>
      %dma_start3A_82 = arith.constant 0 : i32
      %dma_start3A_83 = tpu.memref_slice %arg5[%arg0, %mul3A_81, %dma_start3A_82] : memref<2x10240x128xf32, #tpu.memory_space<hbm>> -> memref<1x640x128xf32, #tpu.memory_space<hbm>>
      %dma_start3A_84 = tpu.memref_squeeze %dma_start3A_83 : memref<1x640x128xf32, #tpu.memory_space<hbm>> -> memref<640x128xf32, #tpu.memory_space<hbm>>
      %dma_start3A_85 = arith.constant 0 : i32
      %dma_start3A_86 = tpu.memref_slice %arg14[%mul3A_79, %dma_start3A_85] : memref<10240x128xf32, #tpu.memory_space<vmem_shared>> -> memref<640x128xf32, #tpu.memory_space<vmem_shared>>
      tpu.enqueue_dma source(%dma_start3A_86 : memref<640x128xf32, #tpu.memory_space<vmem_shared>>) target(%dma_start3A_84 : memref<640x128xf32, #tpu.memory_space<hbm>>) target_semaphore(%run_scoped3A : memref<!tpu.dma_semaphore, #tpu.memory_space<semaphore_mem>>)
      %dma_wait3A_87 = arith.constant 0 : i32
      %dma_wait3A_88 = tpu.memref_slice %arg5[%arg0, %mul3A_81, %dma_wait3A_87] : memref<2x10240x128xf32, #tpu.memory_space<hbm>> -> memref<1x640x128xf32, #tpu.memory_space<hbm>>
      %dma_wait3A_89 = tpu.memref_squeeze %dma_wait3A_88 : memref<1x640x128xf32, #tpu.memory_space<hbm>> -> memref<640x128xf32, #tpu.memory_space<hbm>>
      %dma_wait3A_90 = arith.constant 0 : i32
      %dma_wait3A_91 = tpu.memref_slice %arg14[%mul3A_79, %dma_wait3A_90] : memref<10240x128xf32, #tpu.memory_space<vmem_shared>> -> memref<640x128xf32, #tpu.memory_space<vmem_shared>>
      tpu.wait_dma2 semaphore(%run_scoped3A : memref<!tpu.dma_semaphore, #tpu.memory_space<semaphore_mem>>) src(%dma_wait3A_91 : memref<640x128xf32, #tpu.memory_space<vmem_shared>>) dst(%dma_wait3A_89 : memref<640x128xf32, #tpu.memory_space<hbm>>)
      tpu.yield
    }) : () -> ()
    return
  }
}

module attributes {stable_mosaic.version = 14 : i64} {
  func.func @body(%arg0: memref<10000x128xf32, #tpu.memory_space<vmem>>, %arg1: memref<128x128xf32, #tpu.memory_space<vmem>>, %arg2: memref<10000x128xf32, #tpu.memory_space<vmem>>) attributes {dimension_semantics = [], scalar_prefetch = 0 : i64, scratch_operands = 0 : i64, tpu.core_type = #tpu.core_type<tc>} {
    %get3A = arith.constant 0 : index
    %get3A_0 = arith.constant 0 : index
    %get3A_1 = vector.load %arg0[%get3A, %get3A_0] : memref<10000x128xf32, #tpu.memory_space<vmem>>, vector<10000x128xf32>
    %get3A_2 = arith.constant 0 : index
    %get3A_3 = arith.constant 0 : index
    %get3A_4 = vector.load %arg1[%get3A_2, %get3A_3] : memref<128x128xf32, #tpu.memory_space<vmem>>, vector<128x128xf32>
    %dot_general3A = arith.constant dense<0.000000e+00> : vector<10000x128xf32>
    %dot_general3A_5 = tpu.matmul %get3A_1, %get3A_4, %dot_general3A {dimension_numbers = #tpu.dot_dimension_numbers<[1], [0], [0], [1], [0, 0, 1, 1], [], []>, transpose_lhs_hint = false} : vector<10000x128xf32>, vector<128x128xf32>, vector<10000x128xf32> -> vector<10000x128xf32>
    %swap3A = arith.constant 0 : index
    %swap3A_6 = arith.constant 0 : index
    %swap3A_7 = vector.load %arg2[%swap3A, %swap3A_6] : memref<10000x128xf32, #tpu.memory_space<vmem>>, vector<10000x128xf32>
    tpu.vector_store %arg2[%swap3A, %swap3A_6], %dot_general3A_5 {strides = array<i32>} : memref<10000x128xf32, #tpu.memory_space<vmem>>, vector<10000x128xf32>,
    return
  }
}

module attributes {stable_mosaic.version = 14 : i64} {
  func.func @body(%arg0: memref<10000x128xf32, #tpu.memory_space<vmem>>, %arg1: memref<1x128xf32, #tpu.memory_space<vmem>>, %arg2: memref<10000x1xf32, #tpu.memory_space<vmem>>, %arg3: memref<10000x128xf32, #tpu.memory_space<vmem>>, %arg4: memref<10000x128xf32, #tpu.memory_space<vmem>>, %arg5: memref<10000x1xf32, #tpu.memory_space<vmem>>) attributes {dimension_semantics = [], scalar_prefetch = 0 : i64, scratch_operands = 0 : i64, tpu.core_type = #tpu.core_type<tc>} {
    %get3A = arith.constant 0 : index
    %get3A_0 = arith.constant 0 : index
    %get3A_1 = vector.load %arg0[%get3A, %get3A_0] : memref<10000x128xf32, #tpu.memory_space<vmem>>, vector<10000x128xf32>
    %get3A_2 = arith.constant 0 : index
    %get3A_3 = arith.constant 0 : index
    %get3A_4 = vector.load %arg2[%get3A_2, %get3A_3] : memref<10000x1xf32, #tpu.memory_space<vmem>>, vector<10000x1xf32>
    %add3A = arith.constant 1.000000e+00 : f32
    %add3A_5 = vector.broadcast %add3A : f32 to vector<10000x1xf32>
    %add3A_6 = arith.addf %get3A_4, %add3A_5 : vector<10000x1xf32>
    %rsqrt3A = math.rsqrt %add3A_6 : vector<10000x1xf32>
    %mul3A = vector.broadcast %rsqrt3A : vector<10000x1xf32> to vector<10000x128xf32>
    %mul3A_7 = arith.mulf %get3A_1, %mul3A : vector<10000x128xf32>
    %swap3A = arith.constant 0 : index
    %swap3A_8 = arith.constant 0 : index
    %swap3A_9 = vector.load %arg3[%swap3A, %swap3A_8] : memref<10000x128xf32, #tpu.memory_space<vmem>>, vector<10000x128xf32>
    tpu.vector_store %arg3[%swap3A, %swap3A_8], %mul3A_7 {strides = array<i32>} : memref<10000x128xf32, #tpu.memory_space<vmem>>, vector<10000x128xf32>,
    %mul3A_10 = arith.mulf %rsqrt3A, %rsqrt3A : vector<10000x1xf32>
    %mul3A_11 = vector.broadcast %mul3A_10 : vector<10000x1xf32> to vector<10000x128xf32>
    %mul3A_12 = arith.mulf %get3A_1, %mul3A_11 : vector<10000x128xf32>
    %get3A_13 = arith.constant 0 : index
    %get3A_14 = arith.constant 0 : index
    %get3A_15 = vector.load %arg1[%get3A_13, %get3A_14] : memref<1x128xf32, #tpu.memory_space<vmem>>, vector<1x128xf32>
    %add3A_16 = vector.broadcast %get3A_15 : vector<1x128xf32> to vector<10000x128xf32>
    %add3A_17 = arith.addf %mul3A_12, %add3A_16 : vector<10000x128xf32>
    %swap3A_18 = arith.constant 0 : index
    %swap3A_19 = arith.constant 0 : index
    %swap3A_20 = vector.load %arg4[%swap3A_18, %swap3A_19] : memref<10000x128xf32, #tpu.memory_space<vmem>>, vector<10000x128xf32>
    tpu.vector_store %arg4[%swap3A_18, %swap3A_19], %add3A_17 {strides = array<i32>} : memref<10000x128xf32, #tpu.memory_space<vmem>>, vector<10000x128xf32>,
    %swap3A_21 = arith.constant 0 : index
    %swap3A_22 = arith.constant 0 : index
    %swap3A_23 = vector.load %arg5[%swap3A_21, %swap3A_22] : memref<10000x1xf32, #tpu.memory_space<vmem>>, vector<10000x1xf32>
    tpu.vector_store %arg5[%swap3A_21, %swap3A_22], %rsqrt3A {strides = array<i32>} : memref<10000x1xf32, #tpu.memory_space<vmem>>, vector<10000x1xf32>,
    return
  }
}

module attributes {stable_mosaic.version = 14 : i64} {
  func.func @body(%arg0: memref<2x10240x128xf32, #tpu.memory_space<vmem>>, %arg1: memref<10000x128xf32, #tpu.memory_space<vmem>>, %arg2: memref<10000x1xf32, #tpu.memory_space<vmem>>, %arg3: memref<128x64xf32, #tpu.memory_space<vmem>>, %arg4: memref<1x64xf32, #tpu.memory_space<vmem>>, %arg5: memref<10000x128xf32, #tpu.memory_space<vmem>>) attributes {dimension_semantics = [], scalar_prefetch = 0 : i64, scratch_operands = 0 : i64, tpu.core_type = #tpu.core_type<tc>} {
    %get3A = arith.constant 0 : index
    %get3A_0 = arith.constant 0 : index
    %get3A_1 = vector.load %arg2[%get3A, %get3A_0] : memref<10000x1xf32, #tpu.memory_space<vmem>>, vector<10000x1xf32>
    %get3A_2 = arith.constant 0 : index
    %get3A_3 = arith.constant 0 : index
    %get3A_4 = arith.constant 0 : index
    %get3A_5 = vector.load %arg0[%get3A_2, %get3A_3, %get3A_4] : memref<2x10240x128xf32, #tpu.memory_space<vmem>>, vector<1x10000x128xf32>
    %get3A_6 = vector.shape_cast %get3A_5 : vector<1x10000x128xf32> to vector<10000x128xf32>
    %get3A_7 = arith.constant 1 : index
    %get3A_8 = arith.constant 0 : index
    %get3A_9 = arith.constant 0 : index
    %get3A_10 = vector.load %arg0[%get3A_7, %get3A_8, %get3A_9] : memref<2x10240x128xf32, #tpu.memory_space<vmem>>, vector<1x10000x128xf32>
    %get3A_11 = vector.shape_cast %get3A_10 : vector<1x10000x128xf32> to vector<10000x128xf32>
    %add3A = arith.addf %get3A_6, %get3A_11 : vector<10000x128xf32>
    %mul3A = vector.broadcast %get3A_1 : vector<10000x1xf32> to vector<10000x128xf32>
    %mul3A_12 = arith.mulf %mul3A, %add3A : vector<10000x128xf32>
    %get3A_13 = arith.constant 0 : index
    %get3A_14 = arith.constant 0 : index
    %get3A_15 = vector.load %arg1[%get3A_13, %get3A_14] : memref<10000x128xf32, #tpu.memory_space<vmem>>, vector<10000x128xf32>
    %add3A_16 = arith.addf %mul3A_12, %get3A_15 : vector<10000x128xf32>
    %get3A_17 = arith.constant 0 : index
    %get3A_18 = arith.constant 0 : index
    %get3A_19 = vector.load %arg3[%get3A_17, %get3A_18] : memref<128x64xf32, #tpu.memory_space<vmem>>, vector<128x64xf32>
    %dot_general3A = arith.constant dense<0.000000e+00> : vector<10000x64xf32>
    %dot_general3A_20 = tpu.matmul %add3A_16, %get3A_19, %dot_general3A {dimension_numbers = #tpu.dot_dimension_numbers<[1], [0], [0], [1], [0, 0, 1, 1], [], []>, transpose_lhs_hint = false} : vector<10000x128xf32>, vector<128x64xf32>, vector<10000x64xf32> -> vector<10000x64xf32>
    %get3A_21 = arith.constant 0 : index
    %get3A_22 = arith.constant 0 : index
    %get3A_23 = vector.load %arg2[%get3A_21, %get3A_22] : memref<10000x1xf32, #tpu.memory_space<vmem>>, vector<10000x1xf32>
    %mul3A_24 = vector.broadcast %get3A_23 : vector<10000x1xf32> to vector<10000x64xf32>
    %mul3A_25 = arith.mulf %dot_general3A_20, %mul3A_24 : vector<10000x64xf32>
    %mul3A_26 = arith.mulf %get3A_23, %get3A_23 : vector<10000x1xf32>
    %mul3A_27 = vector.broadcast %mul3A_26 : vector<10000x1xf32> to vector<10000x64xf32>
    %mul3A_28 = arith.mulf %dot_general3A_20, %mul3A_27 : vector<10000x64xf32>
    %get3A_29 = arith.constant 0 : index
    %get3A_30 = arith.constant 0 : index
    %get3A_31 = vector.load %arg4[%get3A_29, %get3A_30] : memref<1x64xf32, #tpu.memory_space<vmem>>, vector<1x64xf32>
    %add3A_32 = vector.broadcast %get3A_31 : vector<1x64xf32> to vector<10000x64xf32>
    %add3A_33 = arith.addf %mul3A_28, %add3A_32 : vector<10000x64xf32>
    %concatenate3A = tpu.concatenate %mul3A_25, %add3A_33 in 1 : vector<10000x64xf32>, vector<10000x64xf32> -> vector<10000x128xf32>
    %swap3A = arith.constant 0 : index
    %swap3A_34 = arith.constant 0 : index
    %swap3A_35 = vector.load %arg5[%swap3A, %swap3A_34] : memref<10000x128xf32, #tpu.memory_space<vmem>>, vector<10000x128xf32>
    tpu.vector_store %arg5[%swap3A, %swap3A_34], %concatenate3A {strides = array<i32>} : memref<10000x128xf32, #tpu.memory_space<vmem>>, vector<10000x128xf32>,
    return
  }
}

module attributes {stable_mosaic.version = 14 : i64} {
  func.func @body(%arg0: i32, %arg1: memref<2x2000x128xf32, #tpu.memory_space<vmem>>, %arg2: memref<2000x128xf32, #tpu.memory_space<vmem>>, %arg3: memref<2000x1xf32, #tpu.memory_space<vmem>>, %arg4: memref<1x1x2000xi32, #tpu.memory_space<vmem>>, %arg5: memref<64x16xf32, #tpu.memory_space<vmem>>, %arg6: memref<1x16xf32, #tpu.memory_space<vmem>>, %arg7: memref<512x16xf32, #tpu.memory_space<vmem>>, %arg8: memref<512x64xf32, #tpu.memory_space<vmem>>, %arg9: memref<512x1xf32, #tpu.memory_space<vmem>>) attributes {dimension_semantics = [#tpu.dimension_semantics<arbitrary>], iteration_bounds = array<i64: 5>, scalar_prefetch = 0 : i64, scratch_operands = 2 : i64, tpu.core_type = #tpu.core_type<tc>, window_params = [{transform_indices = @transform_0, window_bounds = array<i64: 2, 2000, 128>}, {transform_indices = @transform_1, window_bounds = array<i64: 2000, 128>}, {transform_indices = @transform_2, window_bounds = array<i64: 2000, 1>}, {transform_indices = @transform_3, window_bounds = array<i64: 1, 1, 2000>}, {pipeline_mode = #tpu.pipeline_mode<synchronous>, transform_indices = @transform_4, window_bounds = array<i64: 64, 16>}, {pipeline_mode = #tpu.pipeline_mode<synchronous>, transform_indices = @transform_5, window_bounds = array<i64: 1, 16>}, {pipeline_mode = #tpu.pipeline_mode<synchronous>, transform_indices = @transform_6, window_bounds = array<i64: 512, 16>}]} {
    %eq3A = arith.constant 0 : i32
    %eq3A_0 = arith.cmpi eq, %arg0, %eq3A : i32
    %convert_element_type3A = arith.extui %eq3A_0 : i1 to i32
    %cond3A = arith.constant 0 : i32
    %cond3A_1 = arith.cmpi ne, %convert_element_type3A, %cond3A : i32
    scf.if %cond3A_1 {
      %broadcast_in_dim3A_48 = arith.constant 0.000000e+00 : f32
      %broadcast_in_dim3A_49 = vector.broadcast %broadcast_in_dim3A_48 : f32 to vector<512x64xf32>
      %swap3A_50 = arith.constant 0 : index
      %swap3A_51 = arith.constant 0 : index
      %swap3A_52 = vector.load %arg8[%swap3A_50, %swap3A_51] : memref<512x64xf32, #tpu.memory_space<vmem>>, vector<512x64xf32>
      tpu.vector_store %arg8[%swap3A_50, %swap3A_51], %broadcast_in_dim3A_49 {strides = array<i32>} : memref<512x64xf32, #tpu.memory_space<vmem>>, vector<512x64xf32>,
      %broadcast_in_dim3A_53 = arith.constant 0.000000e+00 : f32
      %broadcast_in_dim3A_54 = vector.broadcast %broadcast_in_dim3A_53 : f32 to vector<512x1xf32>
      %swap3A_55 = arith.constant 0 : index
      %swap3A_56 = arith.constant 0 : index
      %swap3A_57 = vector.load %arg9[%swap3A_55, %swap3A_56] : memref<512x1xf32, #tpu.memory_space<vmem>>, vector<512x1xf32>
      tpu.vector_store %arg9[%swap3A_55, %swap3A_56], %broadcast_in_dim3A_54 {strides = array<i32>} : memref<512x1xf32, #tpu.memory_space<vmem>>, vector<512x1xf32>,
    } else {
    }
    %get3A = arith.constant 0 : index
    %get3A_2 = arith.constant 0 : index
    %get3A_3 = vector.load %arg3[%get3A, %get3A_2] : memref<2000x1xf32, #tpu.memory_space<vmem>>, vector<2000x1xf32>
    %get3A_4 = arith.constant 0 : index
    %get3A_5 = arith.constant 0 : index
    %get3A_6 = arith.constant 0 : index
    %get3A_7 = vector.load %arg1[%get3A_4, %get3A_5, %get3A_6] : memref<2x2000x128xf32, #tpu.memory_space<vmem>>, vector<1x2000x64xf32>
    %get3A_8 = vector.shape_cast %get3A_7 : vector<1x2000x64xf32> to vector<2000x64xf32>
    %get3A_9 = arith.constant 1 : index
    %get3A_10 = arith.constant 0 : index
    %get3A_11 = arith.constant 0 : index
    %get3A_12 = vector.load %arg1[%get3A_9, %get3A_10, %get3A_11] : memref<2x2000x128xf32, #tpu.memory_space<vmem>>, vector<1x2000x64xf32>
    %get3A_13 = vector.shape_cast %get3A_12 : vector<1x2000x64xf32> to vector<2000x64xf32>
    %add3A = arith.addf %get3A_8, %get3A_13 : vector<2000x64xf32>
    %mul3A = vector.broadcast %get3A_3 : vector<2000x1xf32> to vector<2000x64xf32>
    %mul3A_14 = arith.mulf %mul3A, %add3A : vector<2000x64xf32>
    %get3A_15 = arith.constant 0 : index
    %get3A_16 = arith.constant 64 : index
    %get3A_17 = vector.load %arg2[%get3A_15, %get3A_16] : memref<2000x128xf32, #tpu.memory_space<vmem>>, vector<2000x64xf32>
    %add3A_18 = arith.addf %mul3A_14, %get3A_17 : vector<2000x64xf32>
    %iota3A = tpu.iota {dimensions = array<i32: 0>} : vector<512x2000xi32>
    %get3A_19 = arith.constant 0 : index
    %get3A_20 = arith.constant 0 : index
    %get3A_21 = arith.constant 0 : index
    %get3A_22 = vector.load %arg4[%get3A_19, %get3A_20, %get3A_21] : memref<1x1x2000xi32, #tpu.memory_space<vmem>>, vector<1x1x2000xi32>
    %get3A_23 = vector.shape_cast %get3A_22 : vector<1x1x2000xi32> to vector<1x2000xi32>
    %eq3A_24 = vector.broadcast %get3A_23 : vector<1x2000xi32> to vector<512x2000xi32>
    %eq3A_25 = arith.cmpi eq, %eq3A_24, %iota3A : vector<512x2000xi32>
    %convert_element_type3A_26 = arith.extui %eq3A_25 : vector<512x2000xi1> to vector<512x2000xi32>
    %convert_element_type3A_27 = arith.sitofp %convert_element_type3A_26 : vector<512x2000xi32> to vector<512x2000xf32>
    %get3A_28 = arith.constant 0 : index
    %get3A_29 = arith.constant 0 : index
    %get3A_30 = vector.load %arg8[%get3A_28, %get3A_29] : memref<512x64xf32, #tpu.memory_space<vmem>>, vector<512x64xf32>
    %dot_general3A = arith.constant dense<0.000000e+00> : vector<512x64xf32>
    %dot_general3A_31 = tpu.matmul %convert_element_type3A_27, %add3A_18, %dot_general3A {dimension_numbers = #tpu.dot_dimension_numbers<[1], [0], [0], [1], [0, 0, 1, 1], [], []>, transpose_lhs_hint = false} : vector<512x2000xf32>, vector<2000x64xf32>, vector<512x64xf32> -> vector<512x64xf32>
    %add3A_32 = arith.addf %get3A_30, %dot_general3A_31 : vector<512x64xf32>
    %swap3A = arith.constant 0 : index
    %swap3A_33 = arith.constant 0 : index
    %swap3A_34 = vector.load %arg8[%swap3A, %swap3A_33] : memref<512x64xf32, #tpu.memory_space<vmem>>, vector<512x64xf32>
    tpu.vector_store %arg8[%swap3A, %swap3A_33], %add3A_32 {strides = array<i32>} : memref<512x64xf32, #tpu.memory_space<vmem>>, vector<512x64xf32>,
    %get3A_35 = arith.constant 0 : index
    %get3A_36 = arith.constant 0 : index
    %get3A_37 = vector.load %arg9[%get3A_35, %get3A_36] : memref<512x1xf32, #tpu.memory_space<vmem>>, vector<512x1xf32>
    %reduce_sum3A = arith.constant dense<0.000000e+00> : vector<512xf32>
    %reduce_sum3A_38 = vector.multi_reduction <add>, %convert_element_type3A_27, %reduce_sum3A [1] : vector<512x2000xf32> to vector<512xf32>
    %broadcast_in_dim3A = vector.shape_cast %reduce_sum3A_38 : vector<512xf32> to vector<512x1xf32>
    %add3A_39 = arith.addf %get3A_37, %broadcast_in_dim3A : vector<512x1xf32>
    %swap3A_40 = arith.constant 0 : index
    %swap3A_41 = arith.constant 0 : index
    %swap3A_42 = vector.load %arg9[%swap3A_40, %swap3A_41] : memref<512x1xf32, #tpu.memory_space<vmem>>, vector<512x1xf32>
    tpu.vector_store %arg9[%swap3A_40, %swap3A_41], %add3A_39 {strides = array<i32>} : memref<512x1xf32, #tpu.memory_space<vmem>>, vector<512x1xf32>,
    %eq3A_43 = arith.constant 4 : i32
    %eq3A_44 = arith.cmpi eq, %arg0, %eq3A_43 : i32
    %convert_element_type3A_45 = arith.extui %eq3A_44 : i1 to i32
    %cond3A_46 = arith.constant 0 : i32
    %cond3A_47 = arith.cmpi ne, %convert_element_type3A_45, %cond3A_46 : i32
    scf.if %cond3A_47 {
      %get3A_48 = arith.constant 0 : index
      %get3A_49 = arith.constant 0 : index
      %get3A_50 = vector.load %arg8[%get3A_48, %get3A_49] : memref<512x64xf32, #tpu.memory_space<vmem>>, vector<512x64xf32>
      %get3A_51 = arith.constant 0 : index
      %get3A_52 = arith.constant 0 : index
      %get3A_53 = vector.load %arg9[%get3A_51, %get3A_52] : memref<512x1xf32, #tpu.memory_space<vmem>>, vector<512x1xf32>
      %max3A = arith.constant 1.000000e+00 : f32
      %max3A_54 = vector.broadcast %max3A : f32 to vector<512x1xf32>
      %max3A_55 = arith.maximumf %get3A_53, %max3A_54 : vector<512x1xf32>
      %div3A = vector.broadcast %max3A_55 : vector<512x1xf32> to vector<512x64xf32>
      %div3A_56 = arith.divf %get3A_50, %div3A : vector<512x64xf32>
      %get3A_57 = arith.constant 0 : index
      %get3A_58 = arith.constant 0 : index
      %get3A_59 = vector.load %arg5[%get3A_57, %get3A_58] : memref<64x16xf32, #tpu.memory_space<vmem>>, vector<64x16xf32>
      %dot_general3A_60 = arith.constant dense<0.000000e+00> : vector<512x16xf32>
      %dot_general3A_61 = tpu.matmul %div3A_56, %get3A_59, %dot_general3A_60 {dimension_numbers = #tpu.dot_dimension_numbers<[1], [0], [0], [1], [0, 0, 1, 1], [], []>, transpose_lhs_hint = false} : vector<512x64xf32>, vector<64x16xf32>, vector<512x16xf32> -> vector<512x16xf32>
      %get3A_62 = arith.constant 0 : index
      %get3A_63 = arith.constant 0 : index
      %get3A_64 = vector.load %arg6[%get3A_62, %get3A_63] : memref<1x16xf32, #tpu.memory_space<vmem>>, vector<1x16xf32>
      %add3A_65 = vector.broadcast %get3A_64 : vector<1x16xf32> to vector<512x16xf32>
      %add3A_66 = arith.addf %dot_general3A_61, %add3A_65 : vector<512x16xf32>
      %reduce_max3A = arith.constant dense<0xFF800000> : vector<512xf32>
      %reduce_max3A_67 = vector.multi_reduction <maximumf>, %add3A_66, %reduce_max3A [1] : vector<512x16xf32> to vector<512xf32>
      %broadcast_in_dim3A_68 = vector.shape_cast %reduce_max3A_67 : vector<512xf32> to vector<512x1xf32>
      %sub3A = vector.broadcast %broadcast_in_dim3A_68 : vector<512x1xf32> to vector<512x16xf32>
      %sub3A_69 = arith.subf %add3A_66, %sub3A : vector<512x16xf32>
      %exp3A = math.exp %sub3A_69 : vector<512x16xf32>
      %reduce_sum3A_70 = arith.constant dense<0.000000e+00> : vector<512xf32>
      %reduce_sum3A_71 = vector.multi_reduction <add>, %exp3A, %reduce_sum3A_70 [1] : vector<512x16xf32> to vector<512xf32>
      %broadcast_in_dim3A_72 = vector.shape_cast %reduce_sum3A_71 : vector<512xf32> to vector<512x1xf32>
      %div3A_73 = vector.broadcast %broadcast_in_dim3A_72 : vector<512x1xf32> to vector<512x16xf32>
      %div3A_74 = arith.divf %exp3A, %div3A_73 : vector<512x16xf32>
      %swap3A_75 = arith.constant 0 : index
      %swap3A_76 = arith.constant 0 : index
      %swap3A_77 = vector.load %arg7[%swap3A_75, %swap3A_76] : memref<512x16xf32, #tpu.memory_space<vmem>>, vector<512x16xf32>
      tpu.vector_store %arg7[%swap3A_75, %swap3A_76], %div3A_74 {strides = array<i32>} : memref<512x16xf32, #tpu.memory_space<vmem>>, vector<512x16xf32>,
    } else {
    }
    return
  }
  func.func @transform_0(%arg0: i32) -> (i32, i32, i32) {
    %c0_i32 = arith.constant 0 : i32
    %c0_i32_0 = arith.constant 0 : i32
    %c0_i32_1 = arith.constant 0 : i32
    return %c0_i32, %arg0, %c0_i32_0 : i32, i32, i32
  }
  func.func @transform_1(%arg0: i32) -> (i32, i32) {
    %c0_i32 = arith.constant 0 : i32
    %c0_i32_0 = arith.constant 0 : i32
    return %arg0, %c0_i32 : i32, i32
  }
  func.func @transform_2(%arg0: i32) -> (i32, i32) {
    %c0_i32 = arith.constant 0 : i32
    %c0_i32_0 = arith.constant 0 : i32
    return %arg0, %c0_i32 : i32, i32
  }
  func.func @transform_3(%arg0: i32) -> (i32, i32, i32) {
    %c0_i32 = arith.constant 0 : i32
    %c0_i32_0 = arith.constant 0 : i32
    %c0_i32_1 = arith.constant 0 : i32
    return %arg0, %c0_i32, %c0_i32_0 : i32, i32, i32
  }
  func.func @transform_4(%arg0: i32) -> (i32, i32) {
    %c0_i32 = arith.constant 0 : i32
    %c0_i32_0 = arith.constant 0 : i32
    %c0_i32_1 = arith.constant 0 : i32
    return %c0_i32, %c0_i32_0 : i32, i32
  }
  func.func @transform_5(%arg0: i32) -> (i32, i32) {
    %c0_i32 = arith.constant 0 : i32
    %c0_i32_0 = arith.constant 0 : i32
    %c0_i32_1 = arith.constant 0 : i32
    return %c0_i32, %c0_i32_0 : i32, i32
  }
  func.func @transform_6(%arg0: i32) -> (i32, i32) {
    %c0_i32 = arith.constant 0 : i32
    %c0_i32_0 = arith.constant 0 : i32
    %c0_i32_1 = arith.constant 0 : i32
    return %c0_i32, %c0_i32_0 : i32, i32
  }
}

</mosaic_0001>

<sc_bundles>
// kernel: kernel.12.cloned.1.call-start
scs
__scs_entry_jumppad:
0x0: {  	(pc) =	sbr.rel $0x88, $3  }
0x1: {  	(tag) =	ssettag $0x0;
	lr =	simm.s32 $0x1  }
0x2: {  	[smem:$0x3F98] =	sst lr;
	_ =	strace $0xD0000000  }
0x3: {  	_ = 	snop  }
0x4: {  	_ = 	snop  }
0x5: {  	_ = 	snop  }
0x6: {  	_ = 	snop  }
0x7: {  	_ = 	snop  }
__scs_overlays_trampoline_lowered:
0x8: {  	[smem:$0x3FA7] =	sst s0  }
0x9: {  	[smem:$0x3FA8] =	sst s1  }
0xa: {  	[smem:$0x3FA9] =	sst s2  }
0xb: {  	[smem:$0x3FAA] =	sst s3  }
0xc: {  	[smem:$0x3FAB] =	sst s4  }
0xd: {  	[smem:$0x3FAC] =	sst s5  }
0xe: {  	[smem:$0x3FAD] =	sst s6  }
0xf: {  	[smem:$0x3FAE] =	sst s7  }
0x10: {  	[smem:$0x3FAF] =	sst s8  }
0x11: {  	[smem:$0x3FB0] =	sst s9;
	s0 =	simm.s32 @!p0 $0x0  }
0x12: {  	s1 =	sld [smem:$0x3F96];
	s0 =	simm.s32 @p0 $0x1  }
0x13: {  	[smem:$0x3FB1] =	sst s0;
	s0 =	simm.s32 @!p1 $0x0  }
0x14: {  	s2 =	sld [smem:$0x3F95];
	s0 =	simm.s32 @p1 $0x1  }
0x15: {  	[smem:$0x3FB2] =	sst s0;
	s0 =	simm.s32 @!p2 $0x0  }
0x16: {  	s3 =	sld [smem:$0x3FDB];
	s0 =	simm.s32 @p2 $0x1  }
0x17: {  	s4 =	simm.s32 $0x1BF5;
	[smem:$0x3FB4] =	sst s0  }
0x18: {  	s0 =	sld [smem:$0x3F97];
	_ =	swait.ge [sflag:s4], $0x0  }
0x19: {  	s7 =	sld [smem:$0x3F98]  }
0x1a: {  	s8 =	sadd.s32 $0xFFFFE003, lr  }
0x1b: {  	s9 =	sadd.s32 $0xFFFFFEF7, lr;
	s5 =	simm.s32 $0xFFFFFFFF;
	p2 =	slt.u32 s8, $0xFFFFF086  }
0x1c: {  	p1 =	slt.u32 s9, $0xF7A;
	s5 =	simm.s32 @!p2 $0x0  }
0x1d: {  	s5 =	simm.s32 @p1 $0x1;
	p0 =	seq.s32 s7, s2  }
0x1e: {  	s7 =	smul.u32 @!p0 $0xF7A, s2;
	p2 =	seq.s32 @!p0 s5, $0x0  }
0x1f: {  	s9 =	smul.u32 $0xF7A, s1;
	s8 =	simm.s32 @!p0 $0x1BF5;
	p2 =	por !p2, p0  }
0x20: {  	[sflag:s8] =	ssyncset.s32 @!p0 $0xFFFFF086;
	s6 =	sadd.s32 @!p0 s3, s7;
	s7 =	simm.s32 @!p0 $0x108  }
0x21: {  	s3 =	sadd.s32 s3, s9;
	s6 =	sadd.s32 @!p0 $0x88, s6;
	s7 =	simm.s32 @p2 $0x1082  }
0x22: {  	[simem:s7], [sflag:s8] =	dma.local @!p0 [hbm:s6], $0xF7A  }
0x23: {  	s9 =	sor.u32 $0xD0000000, s2;
	s6 =	simm.s32 $0x108;
	_ =	swait.ge @!p0 [sflag:s8], $0x0  }
0x24: {  	s3 =	sadd.s32 $0x88, s3;
	s6 =	simm.s32 @!p1 $0x1082;
	[sflag:s4] =	ssyncset.s32 $0xFFFFF086  }
0x25: {  	[simem:s6], [sflag:s4] =	dma.local [hbm:s3], $0xF7A  }
0x26: {  	[smem:$0x3F98] =	sst s1;
	(tag) =	ssettag s2;
	_ =	strace s9  }
0x27: {  	s1 =	sld [smem:$0x3FA8]  }
0x28: {  	s2 =	sld [smem:$0x3FA9]  }
0x29: {  	s4 =	sld [smem:$0x3FAB]  }
0x2a: {  	p0 =	seq.s32 s5, $0x0;
	s5 =	sld [smem:$0x3FAC]  }
0x2b: {  	s6 =	sld [smem:$0x3FAD]  }
0x2c: {  	s7 =	sld [smem:$0x3FAE]  }
0x2d: {  	s3 =	simm.s32 $0x108;
	s8 =	sld [smem:$0x3FAF]  }
0x2e: {  	s3 =	simm.s32 @!p0 $0x1082;
	s9 =	sld [smem:$0x3FB0]  }
0x2f: {  	lr =	sadd.s32 s0, s3;
	s0 =	sld [smem:$0x3FA7]  }
0x30: {  	s3 =	sld [smem:$0x3FAA]  }
0x31: {  	[smem:$0x3FB3] =	sst s10  }
0x32: {  	s10 =	sld [smem:$0x3FB1];
	_ =	sdelay $0x3  }
0x33: {  	p0 =	seq.s32 s10, $0x1;
	s10 =	sld [smem:$0x3FB3];
	_ =	sdelay $0x3  }
0x34: {  	[smem:$0x3FB3] =	sst s10  }
0x35: {  	s10 =	sld [smem:$0x3FB2];
	_ =	sdelay $0x3  }
0x36: {  	p1 =	seq.s32 s10, $0x1;
	s10 =	sld [smem:$0x3FB3];
	_ =	sdelay $0x3  }
0x37: {  	[smem:$0x3FB3] =	sst s10  }
0x38: {  	s10 =	sld [smem:$0x3FB4]  }
0x39: {  	_ = 	snop;
	(pc) =	sbr.ind lr, $3  }
0x3a: {  	_ = 	snop  }
0x3b: {  	_ = 	snop  }
0x3c: {  	p2 =	seq.s32 s10, $0x1;
	s10 =	sld [smem:$0x3FB3]  }
0x3d: {  	_ =	shalt  }
0x3e: {  	_ =	shalt  }
0x3f: {  	_ =	shalt  }
0x40: {  	_ =	shalt  }
0x41: {  	_ =	shalt  }
0x42: {  	_ =	shalt  }
0x43: {  	_ =	shalt  }
0x44: {  	_ =	shalt  }
0x45: {  	_ =	shalt  }
0x46: {  	_ =	shalt  }
0x47: {  	_ =	shalt  }
0x48: {  	_ =	shalt  }
0x49: {  	_ =	shalt  }
0x4a: {  	_ =	shalt  }
0x4b: {  	_ =	shalt  }
0x4c: {  	_ =	shalt  }
0x4d: {  	_ =	shalt  }
0x4e: {  	_ =	shalt  }
0x4f: {  	_ =	shalt  }
0x50: {  	_ =	shalt  }
0x51: {  	_ =	shalt  }
0x52: {  	_ =	shalt  }
0x53: {  	_ =	shalt  }
0x54: {  	_ =	shalt  }
0x55: {  	_ =	shalt  }
0x56: {  	_ =	shalt  }
0x57: {  	_ =	shalt  }
0x58: {  	_ =	shalt  }
0x59: {  	_ =	shalt  }
0x5a: {  	_ =	shalt  }
0x5b: {  	_ =	shalt  }
0x5c: {  	_ =	shalt  }
0x5d: {  	_ =	shalt  }
0x5e: {  	_ =	shalt  }
0x5f: {  	_ =	shalt  }
0x60: {  	_ =	shalt  }
0x61: {  	_ =	shalt  }
0x62: {  	_ =	shalt  }
0x63: {  	_ =	shalt  }
0x64: {  	_ =	shalt  }
0x65: {  	_ =	shalt  }
0x66: {  	_ =	shalt  }
0x67: {  	_ =	shalt  }
0x68: {  	_ =	shalt  }
0x69: {  	_ =	shalt  }
0x6a: {  	_ =	shalt  }
0x6b: {  	_ =	shalt  }
0x6c: {  	_ =	shalt  }
0x6d: {  	_ =	shalt  }
0x6e: {  	_ =	shalt  }
0x6f: {  	_ =	shalt  }
0x70: {  	_ =	shalt  }
0x71: {  	_ =	shalt  }
0x72: {  	_ =	shalt  }
0x73: {  	_ =	shalt  }
0x74: {  	_ =	shalt  }
0x75: {  	_ =	shalt  }
0x76: {  	_ =	shalt  }
0x77: {  	_ =	shalt  }
0x78: {  	_ =	shalt  }
0x79: {  	_ =	shalt  }
0x7a: {  	_ =	shalt  }
0x7b: {  	_ =	shalt  }
0x7c: {  	_ =	shalt  }
0x7d: {  	_ =	shalt  }
0x7e: {  	_ =	shalt  }
0x7f: {  	_ =	shalt  }
0x80: {  	_ =	shalt  }
0x81: {  	_ =	shalt  }
0x82: {  	_ =	shalt  }
0x83: {  	_ =	shalt  }
0x84: {  	_ =	shalt  }
0x85: {  	_ =	shalt  }
0x86: {  	_ =	shalt  }
0x87: {  	_ =	shalt  }
.Lfunc_end0:
.L_simem_size_0:
called_computation.1_lowered:
.L_overlay_start_0:
0x88: {  	s2 =	sld [smem:$0x3FD9]  }
0x89: {  	s3 =	sld [smem:$0x3FFE];
	_ =	sdelay $0x1  }
0x8a: {  	s1 =	srdreg.scid  }
0x8b: {  	s0 =	sand.u32 $0x1, s1  }
0x8c: {  	s16 =	sshll.u32 s0, $0xA;
	s2 =	sadd.s32 s3, s2  }
0x8d: {  	s2 =	sadd.s32 s2, s16  }
0x8e: {  	[smem:$0x3FBF] =	sst s2  }
0x8f: {  	_ = 	snop  }
0x90: {  	(tm) =	ssettm $0x1  }
0x91: {  	s17 =	sld [smem:$0x3FFB];
	_ =	sdelay $0x3  }
0x92: {  	_ =	strace s17  }
0x93: {  	s2 =	sld [smem:$0x3FFC];
	_ =	sdelay $0x3  }
0x94: {  	_ =	strace s2  }
0x95: {  	s2 =	sld [smem:$0x3FFD];
	_ =	sdelay $0x3  }
0x96: {  	_ =	strace s2  }
0x97: {  	_ =	strace $0x8FFFFFFF  }
0x98: {  	s18 =	sld [smem:$0x3FDB];
	_ =	sdelay $0x1  }
0x99: {  	s19 =	simm.s32 $_scs_section_size  }
0x9a: {  	s4 =	simm.s32 $_size__tile_overlayer_lowered;
	s5 =	simm.s32 $_tile_overlayer_lowered  }
0x9b: {  	s22 =	simm.s32 $0x1BFF;
	s21 =	sshll.u32 s5, $0x1;
	s2 =	sadd.s32 s19, s18  }
0x9c: {  	s6 =	simm.s32 $0x0;
	s20 =	sshll.u32 s4, $0x1;
	s4 =	sadd.s32 s21, s2  }
0x9d: {  	[timem:s6], [sflag:s22] =	dma.local [hbm:s4], s20  }
0x9e: {  	_ =	swait.ge [sflag:s22], s20  }
0x9f: {  	s3 =	ssub.s32 $0x0, s20;
	[sflag:s22] =	ssyncset.done $0x0  }
0xa0: {  	[sflag:s22] =	ssyncadd.s32 s3;
	_ =	sdelay $0x1  }
0xa1: {  	s23 =	simm.s32 $0x1B8B  }
0xa2: {  	_ =	swait.ge [sflag:s23], $0x1  }
0xa3: {  	[sflag:s23] =	ssyncset.done $0x0  }
0xa4: {  	s25 =	simm.s32 $0x1B8E;
	s24 =	sld [smem:$0x3FFE];
	[sflag:s23] =	ssyncadd.s32 $0xFFFFFFFF  }
0xa5: {  	s26 =	simm.s32 $execute0_lowered;
	[smem:$0x3FD2] =	sst s25  }
0xa6: {  	s4 =	sshll.u32 s26, $0x1;
	_ =	strace $0x80000049;
	[dreg:$0x1] =	wrdreg $0xFFFFFFFF  }
0xa7: {  	s28 =	simm.s32 $_size_execute0_lowered;
	s2 =	sadd.s32 s2, s4;
	[dreg:$0x0] =	wrdreg $0x0  }
0xa8: {  	s4 =	sshll.u32 s28, $0x1;
	[dreg:$0x2] =	wrdreg s2  }
0xa9: {  	[dreg:$0x3] =	wrdreg s4  }
0xaa: {  	[dreg:$0x4] =	wrdreg $0xC0  }
0xab: {  	_ =	task [dreg:s6], $0x5FFFF  }
0xac: {  	[dreg:$0x1] =	wrdreg $0xFFFFFFFF  }
0xad: {  	[dreg:$0x0] =	wrdreg $0x60  }
0xae: {  	[dreg:$0x2] =	wrdreg s24  }
0xaf: {  	[dreg:$0x3] =	wrdreg $0xBD000  }
0xb0: {  	[dreg:$0x4] =	wrdreg $0x9  }
0xb1: {  	_ =	task.clear_ibuf [dreg:s6], $0x5FFFF;
	_ =	strace $0x90000049  }
0xb2: {  	s29 =	simm.s32 $0x9;
	_ =	strace $0x8000004B  }
0xb3: {  	_ =	swait.ge [sflag:s29], $0x1  }
0xb4: {  	[sflag:s29] =	ssyncadd.s32 $0xFFFFFFFF  }
0xb5: {  	_ =	strace $0x9000004B  }
0xb6: {  	_ =	sfence  }
0xb7: {  	s30 =	sld [smem:$0x0];
	_ =	sdelay $0x2  }
0xb8: {  	s31 =	sshll.u32 s1, $0xD;
	s1 =	sshrl.u32 s1, $0x2  }
0xb9: {  	s3 =	sand.u32 $0x4000, s31;
	s1 =	sadd.s32 s1, s30  }
0xba: {  	s0 =	sor.u32 s3, s0;
	s1 =	sshll.u32 s1, $0x11  }
0xbb: {  	s0 =	sor.u32 s1, s0  }
0xbc: {  	s0 =	sadd.s32 $0x8F2B, s0  }
0xbd: {  	[sflag:s0] =	ssyncadd.remote.s32 $0x1  }
0xbe: {  	_ =	sfence.sel $0xFFFF  }
0xbf: {  	[dreg:$0x0] =	wrdreg $0xFFFFFFFF;
	(pc) =	sbr.abs _section_cstart, $3  }
0xc0: {  	[dreg:$0x1] =	wrdreg $0xFFFFFFFF  }
0xc1: {  	_ =	task.clear_ibuf [dreg:s6], $0x2FFFF;
	_ =	strace $0x9FFFFFFF  }
0xc2: {  	(tm) =	ssettm $0x7FFFFFFF  }
0xc3: {  	_ =	shalt  }
tec
execute0_lowered:
.L_overlay_start_1:
0x0: {  	(tag) =	ssettag $0x1  }
0x1: {  	s0 =	rddreg [dreg:$0x0]  }
0x2: {  	s1 =	rddreg [dreg:$0x1]  }
0x3: {  	s3 =	simm.s32 $0x0;
	s2 =	srdreg.scid;
	s12 =	stileid.u32  }
0x4: {  	s28 =	simm.s32 $0x5;
	s29 =	simm.s32 $0xBC00;
	s7 =	smul.u32 $0x14000, s12  }
0x5: {  	s30 =	simm.s32 $0xBC80;
	s31 =	simm.s32 $0x40;
	s16 =	smul.u32 $0x50000, s12  }
0x6: {  	[smem:$0x7FF] =	sst s3;
	s2 =	sand.u32 $0x1, s2;
	s19 =	smul.u32 $0x2710, s12  }
0x7: {  	s4 =	sadd.s32 $0x15A00, s0;
	s5 =	sadd.s32 $0x1E00, s0;
	s6 =	smul.u32 $0x140000, s2  }
0x8: {  	_ =	strace $0x8000004A;
	s8 =	sshll.u32 s2, $0x4;
	s14 =	ssub.s32 $0x2, s2  }
0x9: {  	s2 =	smul.u32 $0x27100, s2;
	s8 =	sor.u32 s12, s8;
	s10 =	sshrl.u32 s14, $0x1  }
0xa: {  	s12 =	simm.s32 $0x0;
	s6 =	sadd.s32 s7, s6;
	s8 =	smul.u32 $0x2710, s8  }
0xb: {  	s7 =	ssub.s32 s14, s10;
	s10 =	sshrl.u32 s16, $0x2;
	s2 =	sadd.s32 s19, s2  }
0xc: {  	s9 =	sshrl.u32 s6, $0x3;
	s6 =	sadd.s32 $0xBC00, s0;
	s25 =	sadd.s32 $0x228, s2  }
0xd: {  	s19 =	smax.u32 s7, $0x1;
	s7 =	simm.s32 $0xB8;
	s15 =	sshrl.u32 s8, $0x3  }
0xe: {  	s0 =	sadd.s32 s9, s0;
	s8 =	sadd.s32 $0xB8, s8;
	s11 =	sadd.s32 s5, s15  }
0xf: {  	s17 =	sadd.s32 s6, s15;
	s8 =	sshrl.u32 s8, $0x3;
	[dreg:$0x3] =	wrdreg s11  }
0x10: {  	s26 =	sshrl.u32 s25, $0x3;
	[dreg:$0x4] =	wrdreg s17;
	s18 =	sadd.s32 s5, s8  }
0x11: {  	s9 =	sadd.s32 $0x4DA, s15;
	s8 =	sadd.s32 s6, s8;
	[dreg:$0x5] =	wrdreg s18  }
0x12: {  	s25 =	simm.s32 $0x300;
	s23 =	sadd.s32 s5, s9;
	[dreg:$0x6] =	wrdreg s8  }
0x13: {  	s11 =	sadd.s32 s10, s1;
	s24 =	sadd.s32 s6, s9;
	[dreg:$0xb] =	wrdreg s23  }
0x14: {  	s9 =	simm.s32 $0x6000;
	s10 =	sadd.s32 $0x4000, s11;
	[dreg:$0xc] =	wrdreg s24  }
0x15: {  	s20 =	sadd.s32 $0x8000, s11;
	s21 =	sadd.s32 $0xC000, s11;
	[dreg:$0x7] =	wrdreg s10  }
0x16: {  	s22 =	sadd.s32 $0x10000, s11;
	s18 =	sadd.s32 $0x3CC00, s0;
	[dreg:$0x8] =	wrdreg s20  }
0x17: {  	s23 =	simm.s32 $0x200;
	s24 =	simm.s32 $0x100;
	[dreg:$0x9] =	wrdreg s21  }
0x18: {  	s0 =	simm.s32 $0x1;
	s8 =	simm.s32 $0x4;
	[dreg:$0xa] =	wrdreg s22  }
0x19: {  	s20 =	sadd.s32 s26, s6;
	s21 =	sadd.s32 s26, s5;
	s22 =	sadd.s32 $0x170, s2  }
0x1a: {  	v0 =	vimm.f32 $0.0e+00;
	s26 =	simm.s32 $0x400;
	s2 =	simm.s32 $0x3;
	s10 =	simm.s32 $0x2  }
.LBB2_1:
0x1b: {  	s13 =	rddreg [dreg:$0x3]  }
0x1c: {  	[tilespmem:s3], [sflag:$0x3] =	stream.linear.gather [hbm4b:s13+s3], $0xB8, $0x38;
	[tilespmem:$0x1FD00] =	vst v63  }
0x1d: {  	s14 =	rddreg [dreg:$0x4]  }
0x1e: {  	[tilespmem:s23], [sflag:$0x3] =	stream.linear.gather [hbm4b:s14+s3], $0xB8, $0x38;
	[tilespmem:$0x1FD00] =	vst v63  }
0x1f: {  	s15 =	rddreg [dreg:$0x5];
	s17 =	sand.u32 $0xFE00, s3  }
0x20: {  	[tilespmem:s24], [sflag:$0x4] =	stream.linear.gather [hbm4b:s15+s3], $0xB8, $0x38;
	[tilespmem:$0x1FD00] =	vst v63  }
0x21: {  	s16 =	rddreg [dreg:$0x6];
	s14 =	sand.u32 $0x70, s3;
	s15 =	sshrl.u32 s17, $0x2  }
0x22: {  	s13 =	simm.s32 $0x40;
	s15 =	sor.u32 s14, s15;
	s14 =	simm.s32 $0x0  }
0x23: {  	[tilespmem:s25], [sflag:$0x4] =	stream.linear.gather [hbm4b:s16+s3], $0xB8, $0x38;
	[tilespmem:$0x1FD00] =	vst v63  }
.LBB2_2:
0x24: {  	p0 =	sne.s32 s13, $0xFFC0  }
0x25: {  	[tilespmem:s15+$0x400] =	vst v0;
	s14 =	sadd.s32 $0x10, s14;
	s15 =	smov.u32 s13;
	s13 =	sadd.s32 $0x40, s13  }
.Ltmp0:
0x26: {  	(pc) =	sbr.rel @p0 .LBB2_2-.Ltmp0, $4  }
0x27: {  	_ = 	snop  }
0x28: {  	s15 =	sand.u32 $0xFE00, s15  }
0x29: {  	s16 =	sand.u32 $0x70, s14;
	s15 =	sshrl.u32 s15, $0x2  }
0x2a: {  	s15 =	sor.u32 s16, s15  }
0x2b: {  	[tilespmem:s15+$0x400] =	vst v0  }
0x2c: {  	[spmem:s11] =	stream.linear.scatter [tilespmem:s26], [sflag:$0x5], $0x4000, $0x38;
	[tilespmem:$0x1FD00] =	vst v63  }
0x2d: {  	_ =	swait.ge [sflag:s28], $0x4000  }
0x2e: {  	[sflag:s28] =	ssyncset.done $0x0  }
0x2f: {  	s13 =	rddreg [dreg:$0x7];
	[sflag:s28] =	ssyncadd.s32 $0xFFFFC000  }
0x30: {  	[spmem:s13] =	stream.linear.scatter [tilespmem:s26], [sflag:$0x5], $0x4000, $0x38;
	[tilespmem:$0x1FD00] =	vst v63  }
0x31: {  	_ =	swait.ge [sflag:s28], $0x4000  }
0x32: {  	[sflag:s28] =	ssyncset.done $0x0  }
0x33: {  	s17 =	rddreg [dreg:$0x8];
	[sflag:s28] =	ssyncadd.s32 $0xFFFFC000  }
0x34: {  	[spmem:s17] =	stream.linear.scatter [tilespmem:s26], [sflag:$0x5], $0x4000, $0x38;
	[tilespmem:$0x1FD00] =	vst v63  }
0x35: {  	_ =	swait.ge [sflag:s28], $0x4000  }
0x36: {  	[sflag:s28] =	ssyncset.done $0x0  }
0x37: {  	s14 =	rddreg [dreg:$0x9];
	[sflag:s28] =	ssyncadd.s32 $0xFFFFC000  }
0x38: {  	[spmem:s14] =	stream.linear.scatter [tilespmem:s26], [sflag:$0x5], $0x4000, $0x38;
	[tilespmem:$0x1FD00] =	vst v63  }
0x39: {  	_ =	swait.ge [sflag:s28], $0x4000  }
0x3a: {  	[sflag:s28] =	ssyncset.done $0x0  }
0x3b: {  	s15 =	rddreg [dreg:$0xa];
	[sflag:s28] =	ssyncadd.s32 $0xFFFFC000  }
0x3c: {  	[spmem:s15] =	stream.linear.scatter [tilespmem:s26], [sflag:$0x5], $0x4000, $0x38;
	[tilespmem:$0x1FD00] =	vst v63  }
0x3d: {  	_ =	swait.ge [sflag:s28], $0x4000  }
0x3e: {  	[sflag:s28] =	ssyncset.done $0x0  }
0x3f: {  	[sflag:s28] =	ssyncadd.s32 $0xFFFFC000  }
0x40: {  	[bflag:$0x0] =	sbarrier.arrive $0xFFFF  }
0x41: {  	s16 =	simm.s32 $0x0;
	s14 =	rddreg [dreg:$0xb]  }
0x42: {  	[tilespmem:s29], [sflag:$0x5] =	stream.linear.gather [hbm4b:s14+s16], $0x40, $0x38;
	[tilespmem:$0x1FD00] =	vst v63  }
0x43: {  	_ =	swait.ge [sflag:s28], $0x40  }
0x44: {  	[sflag:s28] =	ssyncset.done $0x0  }
0x45: {  	s17 =	rddreg [dreg:$0xc];
	[sflag:s28] =	ssyncadd.s32 $0xFFFFFFC0  }
0x46: {  	[tilespmem:s30], [sflag:$0x5] =	stream.linear.gather [hbm4b:s17+s16], $0x40, $0x38;
	[tilespmem:$0x1FD00] =	vst v63  }
0x47: {  	_ =	swait.ge [sflag:s28], $0x40  }
0x48: {  	[sflag:s28] =	ssyncset.done $0x0  }
0x49: {  	[sflag:s28] =	ssyncadd.s32 $0xFFFFFFC0  }
0x4a: {  	[tilespmem:s26], [sflag:$0x1] =	stream.indirect.gather [hbm4b:s4+s31], $0x80, s29, s31, $0xb8;
	[tilespmem:$0x1FD00] =	vst v63  }
0x4b: {  	_ =	swait.ge [sflag:s0], $0x2000  }
0x4c: {  	[sflag:s0] =	ssyncset.done $0x0  }
0x4d: {  	[sflag:s0] =	ssyncadd.s32 $0xFFFFE000  }
0x4e: {  	[spmem:s1] =	stream.indirect.scatter.add.f32 [tilespmem:s26], [sflag:$0x5], $0x80, s30, s31, $0xb8;
	[tilespmem:$0x1FD00] =	vst v63  }
0x4f: {  	_ =	swait.ge [sflag:s28], $0x2000  }
0x50: {  	[sflag:s28] =	ssyncset.done $0x0  }
0x51: {  	[sflag:s28] =	ssyncadd.s32 $0xFFFFE000  }
0x52: {  	_ =	swait.ge [sflag:s2], $0xB8  }
0x53: {  	[sflag:s2] =	ssyncset.done $0x0  }
0x54: {  	[sflag:s2] =	ssyncadd.s32 $0xFFFFFF48  }
0x55: {  	_ =	swait.ge [sflag:s2], $0xB8  }
0x56: {  	[sflag:s2] =	ssyncset.done $0x0  }
0x57: {  	[sflag:s2] =	ssyncadd.s32 $0xFFFFFF48  }
0x58: {  	[tilespmem:s26], [sflag:$0x1] =	stream.indirect.gather [hbm4b:s4+s7], $0x80, s16, s7, $0xb8;
	[tilespmem:$0x1FD00] =	vst v63  }
0x59: {  	_ =	swait.ge [sflag:s8], $0xB8  }
0x5a: {  	[sflag:s8] =	ssyncset.done $0x0  }
0x5b: {  	[sflag:s8] =	ssyncadd.s32 $0xFFFFFF48  }
0x5c: {  	_ =	swait.ge [sflag:s8], $0xB8  }
0x5d: {  	[sflag:s8] =	ssyncset.done $0x0  }
0x5e: {  	[sflag:s8] =	ssyncadd.s32 $0xFFFFFF48  }
0x5f: {  	[tilespmem:s9], [sflag:$0x2] =	stream.indirect.gather [hbm4b:s4+s7], $0x80, s24, s7, $0xb8;
	[tilespmem:$0x1FD00] =	vst v63  }
0x60: {  	_ =	swait.ge [sflag:s0], $0x5C00  }
0x61: {  	[sflag:s0] =	ssyncset.done $0x0  }
0x62: {  	[sflag:s0] =	ssyncadd.s32 $0xFFFFA400  }
0x63: {  	[spmem:s1] =	stream.indirect.scatter.add.f32 [tilespmem:s26], [sflag:$0x5], $0x80, s23, s7, $0xb8;
	[tilespmem:$0x1FD00] =	vst v63  }
0x64: {  	_ =	swait.ge [sflag:s28], $0x5C00  }
0x65: {  	s15 =	sshrl.u32 s22, $0x3;
	[sflag:s28] =	ssyncset.done $0x0  }
0x66: {  	s16 =	sadd.s32 s5, s15;
	[sflag:s28] =	ssyncadd.s32 $0xFFFFA400  }
0x67: {  	[tilespmem:s3], [sflag:$0x3] =	stream.linear.gather [hbm4b:s16+s3], $0xB8, $0x38;
	[tilespmem:$0x1FD00] =	vst v63  }
0x68: {  	s13 =	sadd.s32 s6, s15  }
0x69: {  	[tilespmem:s23], [sflag:$0x3] =	stream.linear.gather [hbm4b:s13+s3], $0xB8, $0x38;
	[tilespmem:$0x1FD00] =	vst v63  }
0x6a: {  	_ =	swait.ge [sflag:s2], $0xB8  }
0x6b: {  	[sflag:s2] =	ssyncset.done $0x0  }
0x6c: {  	[sflag:s2] =	ssyncadd.s32 $0xFFFFFF48  }
0x6d: {  	_ =	swait.ge [sflag:s2], $0xB8  }
0x6e: {  	[sflag:s2] =	ssyncset.done $0x0  }
0x6f: {  	[sflag:s2] =	ssyncadd.s32 $0xFFFFFF48  }
0x70: {  	[tilespmem:s26], [sflag:$0x1] =	stream.indirect.gather [hbm4b:s4+s7], $0x80, s3, s7, $0xb8;
	[tilespmem:$0x1FD00] =	vst v63  }
0x71: {  	_ =	swait.ge [sflag:s10], $0x5C00  }
0x72: {  	[sflag:s10] =	ssyncset.done $0x0  }
0x73: {  	[sflag:s10] =	ssyncadd.s32 $0xFFFFA400  }
0x74: {  	[spmem:s1] =	stream.indirect.scatter.add.f32 [tilespmem:s9], [sflag:$0x5], $0x80, s25, s7, $0xb8;
	[tilespmem:$0x1FD00] =	vst v63  }
0x75: {  	_ =	swait.ge [sflag:s28], $0x5C00  }
0x76: {  	s14 =	sadd.s32 $0x170, s22;
	s17 =	sadd.s32 $0x0, s21;
	[sflag:s28] =	ssyncset.done $0x0  }
0x77: {  	s15 =	sadd.s32 $0x0, s20;
	s13 =	simm.s32 $0x2E;
	[sflag:s28] =	ssyncadd.s32 $0xFFFFA400  }
0x78: {  	[tilespmem:s24], [sflag:$0x4] =	stream.linear.gather [hbm4b:s17+s3], $0xB8, $0x38;
	[tilespmem:$0x1FD00] =	vst v63  }
.LBB2_4:
0x79: {  	[tilespmem:s25], [sflag:$0x4] =	stream.linear.gather [hbm4b:s15+s3], $0xB8, $0x38;
	[tilespmem:$0x1FD00] =	vst v63  }
0x7a: {  	s15 =	smov.u32 s13  }
0x7b: {  	p0 =	sne.s32 s13, $0x47E;
	s13 =	sadd.s32 $0x2E, s13;
	_ =	swait.ge [sflag:s8], $0xB8  }
0x7c: {  	[sflag:s8] =	ssyncset.done $0x0  }
0x7d: {  	[sflag:s8] =	ssyncadd.s32 $0xFFFFFF48  }
0x7e: {  	_ =	swait.ge [sflag:s8], $0xB8  }
0x7f: {  	[sflag:s8] =	ssyncset.done $0x0  }
0x80: {  	[sflag:s8] =	ssyncadd.s32 $0xFFFFFF48  }
0x81: {  	[tilespmem:s9], [sflag:$0x2] =	stream.indirect.gather [hbm4b:s4+s7], $0x80, s24, s7, $0xb8;
	[tilespmem:$0x1FD00] =	vst v63  }
0x82: {  	_ =	swait.ge [sflag:s0], $0x5C00  }
0x83: {  	[sflag:s0] =	ssyncset.done $0x0  }
0x84: {  	[sflag:s0] =	ssyncadd.s32 $0xFFFFA400  }
0x85: {  	[spmem:s1] =	stream.indirect.scatter.add.f32 [tilespmem:s26], [sflag:$0x5], $0x80, s23, s7, $0xb8;
	[tilespmem:$0x1FD00] =	vst v63  }
0x86: {  	_ =	swait.ge [sflag:s28], $0x5C00  }
0x87: {  	s16 =	sshrl.u32 s14, $0x3;
	[sflag:s28] =	ssyncset.done $0x0  }
0x88: {  	s17 =	sadd.s32 s5, s16;
	[sflag:s28] =	ssyncadd.s32 $0xFFFFA400  }
0x89: {  	[tilespmem:s3], [sflag:$0x3] =	stream.linear.gather [hbm4b:s17+s3], $0xB8, $0x38;
	[tilespmem:$0x1FD00] =	vst v63  }
0x8a: {  	s16 =	sadd.s32 s6, s16  }
0x8b: {  	[tilespmem:s23], [sflag:$0x3] =	stream.linear.gather [hbm4b:s16+s3], $0xB8, $0x38;
	[tilespmem:$0x1FD00] =	vst v63  }
0x8c: {  	_ =	swait.ge [sflag:s2], $0xB8  }
0x8d: {  	[sflag:s2] =	ssyncset.done $0x0  }
0x8e: {  	[sflag:s2] =	ssyncadd.s32 $0xFFFFFF48  }
0x8f: {  	_ =	swait.ge [sflag:s2], $0xB8  }
0x90: {  	[sflag:s2] =	ssyncset.done $0x0  }
0x91: {  	[sflag:s2] =	ssyncadd.s32 $0xFFFFFF48  }
0x92: {  	[tilespmem:s26], [sflag:$0x1] =	stream.indirect.gather [hbm4b:s4+s7], $0x80, s3, s7, $0xb8;
	[tilespmem:$0x1FD00] =	vst v63  }
0x93: {  	_ =	swait.ge [sflag:s10], $0x5C00  }
0x94: {  	[sflag:s10] =	ssyncset.done $0x0  }
0x95: {  	[sflag:s10] =	ssyncadd.s32 $0xFFFFA400  }
0x96: {  	[spmem:s1] =	stream.indirect.scatter.add.f32 [tilespmem:s9], [sflag:$0x5], $0x80, s25, s7, $0xb8;
	[tilespmem:$0x1FD00] =	vst v63  }
.Ltmp1:
0x97: {  	_ =	swait.ge [sflag:s28], $0x5C00;
	(pc) =	sbr.rel @p0 .LBB2_4-.Ltmp1, $4  }
0x98: {  	[sflag:s28] =	ssyncset.done $0x0  }
0x99: {  	s16 =	sadd.s32 s15, s21;
	[sflag:s28] =	ssyncadd.s32 $0xFFFFA400  }
0x9a: {  	[tilespmem:s24], [sflag:$0x4] =	stream.linear.gather [hbm4b:s16+s3], $0xB8, $0x38;
	[tilespmem:$0x1FD00] =	vst v63  }
0x9b: {  	s14 =	sadd.s32 $0x170, s14;
	s15 =	sadd.s32 s15, s20  }
0x9c: {  	[tilespmem:s25], [sflag:$0x4] =	stream.linear.gather [hbm4b:s15+s3], $0xB8, $0x38;
	[tilespmem:$0x1FD00] =	vst v63  }
0x9d: {  	_ =	swait.ge [sflag:s8], $0xB8  }
0x9e: {  	[sflag:s8] =	ssyncset.done $0x0  }
0x9f: {  	[sflag:s8] =	ssyncadd.s32 $0xFFFFFF48  }
0xa0: {  	_ =	swait.ge [sflag:s8], $0xB8  }
0xa1: {  	[sflag:s8] =	ssyncset.done $0x0  }
0xa2: {  	[sflag:s8] =	ssyncadd.s32 $0xFFFFFF48  }
0xa3: {  	[tilespmem:s9], [sflag:$0x2] =	stream.indirect.gather [hbm4b:s4+s7], $0x80, s24, s7, $0xb8;
	[tilespmem:$0x1FD00] =	vst v63  }
0xa4: {  	_ =	swait.ge [sflag:s0], $0x5C00  }
0xa5: {  	[sflag:s0] =	ssyncset.done $0x0  }
0xa6: {  	[sflag:s0] =	ssyncadd.s32 $0xFFFFA400  }
0xa7: {  	[spmem:s1] =	stream.indirect.scatter.add.f32 [tilespmem:s26], [sflag:$0x5], $0x80, s23, s7, $0xb8;
	[tilespmem:$0x1FD00] =	vst v63  }
0xa8: {  	_ =	swait.ge [sflag:s28], $0x5C00  }
0xa9: {  	[sflag:s28] =	ssyncset.done $0x0  }
0xaa: {  	[sflag:s28] =	ssyncadd.s32 $0xFFFFA400  }
0xab: {  	_ =	swait.ge [sflag:s10], $0x5C00  }
0xac: {  	[sflag:s10] =	ssyncset.done $0x0  }
0xad: {  	[sflag:s10] =	ssyncadd.s32 $0xFFFFA400  }
0xae: {  	[spmem:s1] =	stream.indirect.scatter.add.f32 [tilespmem:s9], [sflag:$0x5], $0x80, s25, s7, $0xb8;
	[tilespmem:$0x1FD00] =	vst v63  }
0xaf: {  	s13 =	stileid.u32;
	_ =	swait.ge [sflag:s28], $0x5C00  }
0xb0: {  	s14 =	sshrl.u32 s11, $0x3;
	s12 =	sadd.s32 $0x1, s12;
	[sflag:s28] =	ssyncset.done $0x0  }
0xb1: {  	s13 =	sshll.u32 s13, $0x6;
	p0 =	sne.s32 s12, s19;
	[sflag:s28] =	ssyncadd.s32 $0xFFFFA400  }
.Ltmp2:
0xb2: {  	s13 =	sor.u32 $0x1C05, s13;
	[bflag:$0x0] =	sbarrier.arrive $0xFFFF;
	(pc) =	sbr.rel @p0 .LBB2_1-.Ltmp2, $4  }
0xb3: {  	[hbm:s18], [sflag:s13] =	dma.local [spmem:s14], $0x2800  }
0xb4: {  	_ =	swait.ge [sflag:s28], $0x2800  }
0xb5: {  	[sflag:s28] =	ssyncset.done $0x0  }
0xb6: {  	[sflag:s28] =	ssyncadd.s32 $0xFFFFD800  }
0xb7: {  	_ =	sfence.sel $0x180000  }
0xb8: {  	[bflag:$0x0] =	sbarrier.arrive $0xFFFF  }
0xb9: {  	_ =	strace $0x9000004A  }
0xba: {  	s0 =	stileid.u32;
	[bflag:$0x2] =	sbarrier.arrive $0xFFFF  }
0xbb: {  	p0 =	sne.s32 s0, $0x0;
	s0 =	rddreg [dreg:$0x2]  }
0xbc: {  	s0 =	sadd.s32 @!p0 $0x100000, s0  }
0xbd: {  	[sflag:s0] =	ssyncadd.tile.s32 @!p0 $0x1;
	_ =	shalt  }
.Lfunc_end2:
_tile_overlayer_lowered:
.L_overlay_start_2:
0xbe: {  	(tag) =	ssettag $0x2  }
0xbf: {  	s0 =	rddreg [dreg:$0x0];
	s2 =	stileid.u32  }
0xc0: {  	s1 =	rddreg [dreg:$0x1];
	p0 =	sne.s32 s2, $0x0  }
0xc1: {  	s3 =	rddreg [dreg:$0x2];
	[bflag:$0x3] =	sbarrier.arrive $0xFFFF;
	s2 =	simm.s32 @!p0 $0x1C05  }
0xc2: {  	[timem:s3], [sflag:s2] =	dma.local @!p0 [hbm:s0], s1  }
0xc3: {  	s0 =	simm.s32 @!p0 $0x5  }
0xc4: {  	_ =	swait.ge @!p0 [sflag:s0], s1  }
0xc5: {  	s1 =	ssub.s32 @!p0 $0x0, s1;
	[sflag:s0] =	ssyncset.done @!p0 $0x0  }
0xc6: {  	[sflag:s0] =	ssyncadd.s32 @!p0 s1  }
0xc7: {  	[bflag:$0x3] =	sbarrier.arrive $0xFFFF  }
0xc8: {  	_ =	shalt  }

// kernel: kernel.15.cloned.1.call-start
scs
__scs_entry_jumppad:
0x0: {  	(pc) =	sbr.rel $0x88, $3  }
0x1: {  	(tag) =	ssettag $0x0;
	lr =	simm.s32 $0x1  }
0x2: {  	[smem:$0x3F98] =	sst lr;
	_ =	strace $0xD0000000  }
0x3: {  	_ = 	snop  }
0x4: {  	_ = 	snop  }
0x5: {  	_ = 	snop  }
0x6: {  	_ = 	snop  }
0x7: {  	_ = 	snop  }
__scs_overlays_trampoline_lowered:
0x8: {  	[smem:$0x3FA7] =	sst s0  }
0x9: {  	[smem:$0x3FA8] =	sst s1  }
0xa: {  	[smem:$0x3FA9] =	sst s2  }
0xb: {  	[smem:$0x3FAA] =	sst s3  }
0xc: {  	[smem:$0x3FAB] =	sst s4  }
0xd: {  	[smem:$0x3FAC] =	sst s5  }
0xe: {  	[smem:$0x3FAD] =	sst s6  }
0xf: {  	[smem:$0x3FAE] =	sst s7  }
0x10: {  	[smem:$0x3FAF] =	sst s8  }
0x11: {  	[smem:$0x3FB0] =	sst s9;
	s0 =	simm.s32 @!p0 $0x0  }
0x12: {  	s1 =	sld [smem:$0x3F96];
	s0 =	simm.s32 @p0 $0x1  }
0x13: {  	[smem:$0x3FB1] =	sst s0;
	s0 =	simm.s32 @!p1 $0x0  }
0x14: {  	s2 =	sld [smem:$0x3F95];
	s0 =	simm.s32 @p1 $0x1  }
0x15: {  	[smem:$0x3FB2] =	sst s0;
	s0 =	simm.s32 @!p2 $0x0  }
0x16: {  	s3 =	sld [smem:$0x3FDB];
	s0 =	simm.s32 @p2 $0x1  }
0x17: {  	s4 =	simm.s32 $0x1BF5;
	[smem:$0x3FB4] =	sst s0  }
0x18: {  	s0 =	sld [smem:$0x3F97];
	_ =	swait.ge [sflag:s4], $0x0  }
0x19: {  	s7 =	sld [smem:$0x3F98]  }
0x1a: {  	s8 =	sadd.s32 $0xFFFFE003, lr  }
0x1b: {  	s9 =	sadd.s32 $0xFFFFFEF7, lr;
	s5 =	simm.s32 $0xFFFFFFFF;
	p2 =	slt.u32 s8, $0xFFFFF086  }
0x1c: {  	p1 =	slt.u32 s9, $0xF7A;
	s5 =	simm.s32 @!p2 $0x0  }
0x1d: {  	s5 =	simm.s32 @p1 $0x1;
	p0 =	seq.s32 s7, s2  }
0x1e: {  	s7 =	smul.u32 @!p0 $0xF7A, s2;
	p2 =	seq.s32 @!p0 s5, $0x0  }
0x1f: {  	s9 =	smul.u32 $0xF7A, s1;
	s8 =	simm.s32 @!p0 $0x1BF5;
	p2 =	por !p2, p0  }
0x20: {  	[sflag:s8] =	ssyncset.s32 @!p0 $0xFFFFF086;
	s6 =	sadd.s32 @!p0 s3, s7;
	s7 =	simm.s32 @!p0 $0x108  }
0x21: {  	s3 =	sadd.s32 s3, s9;
	s6 =	sadd.s32 @!p0 $0x88, s6;
	s7 =	simm.s32 @p2 $0x1082  }
0x22: {  	[simem:s7], [sflag:s8] =	dma.local @!p0 [hbm:s6], $0xF7A  }
0x23: {  	s9 =	sor.u32 $0xD0000000, s2;
	s6 =	simm.s32 $0x108;
	_ =	swait.ge @!p0 [sflag:s8], $0x0  }
0x24: {  	s3 =	sadd.s32 $0x88, s3;
	s6 =	simm.s32 @!p1 $0x1082;
	[sflag:s4] =	ssyncset.s32 $0xFFFFF086  }
0x25: {  	[simem:s6], [sflag:s4] =	dma.local [hbm:s3], $0xF7A  }
0x26: {  	[smem:$0x3F98] =	sst s1;
	(tag) =	ssettag s2;
	_ =	strace s9  }
0x27: {  	s1 =	sld [smem:$0x3FA8]  }
0x28: {  	s2 =	sld [smem:$0x3FA9]  }
0x29: {  	s4 =	sld [smem:$0x3FAB]  }
0x2a: {  	p0 =	seq.s32 s5, $0x0;
	s5 =	sld [smem:$0x3FAC]  }
0x2b: {  	s6 =	sld [smem:$0x3FAD]  }
0x2c: {  	s7 =	sld [smem:$0x3FAE]  }
0x2d: {  	s3 =	simm.s32 $0x108;
	s8 =	sld [smem:$0x3FAF]  }
0x2e: {  	s3 =	simm.s32 @!p0 $0x1082;
	s9 =	sld [smem:$0x3FB0]  }
0x2f: {  	lr =	sadd.s32 s0, s3;
	s0 =	sld [smem:$0x3FA7]  }
0x30: {  	s3 =	sld [smem:$0x3FAA]  }
0x31: {  	[smem:$0x3FB3] =	sst s10  }
0x32: {  	s10 =	sld [smem:$0x3FB1];
	_ =	sdelay $0x3  }
0x33: {  	p0 =	seq.s32 s10, $0x1;
	s10 =	sld [smem:$0x3FB3];
	_ =	sdelay $0x3  }
0x34: {  	[smem:$0x3FB3] =	sst s10  }
0x35: {  	s10 =	sld [smem:$0x3FB2];
	_ =	sdelay $0x3  }
0x36: {  	p1 =	seq.s32 s10, $0x1;
	s10 =	sld [smem:$0x3FB3];
	_ =	sdelay $0x3  }
0x37: {  	[smem:$0x3FB3] =	sst s10  }
0x38: {  	s10 =	sld [smem:$0x3FB4]  }
0x39: {  	_ = 	snop;
	(pc) =	sbr.ind lr, $3  }
0x3a: {  	_ = 	snop  }
0x3b: {  	_ = 	snop  }
0x3c: {  	p2 =	seq.s32 s10, $0x1;
	s10 =	sld [smem:$0x3FB3]  }
0x3d: {  	_ =	shalt  }
0x3e: {  	_ =	shalt  }
0x3f: {  	_ =	shalt  }
0x40: {  	_ =	shalt  }
0x41: {  	_ =	shalt  }
0x42: {  	_ =	shalt  }
0x43: {  	_ =	shalt  }
0x44: {  	_ =	shalt  }
0x45: {  	_ =	shalt  }
0x46: {  	_ =	shalt  }
0x47: {  	_ =	shalt  }
0x48: {  	_ =	shalt  }
0x49: {  	_ =	shalt  }
0x4a: {  	_ =	shalt  }
0x4b: {  	_ =	shalt  }
0x4c: {  	_ =	shalt  }
0x4d: {  	_ =	shalt  }
0x4e: {  	_ =	shalt  }
0x4f: {  	_ =	shalt  }
0x50: {  	_ =	shalt  }
0x51: {  	_ =	shalt  }
0x52: {  	_ =	shalt  }
0x53: {  	_ =	shalt  }
0x54: {  	_ =	shalt  }
0x55: {  	_ =	shalt  }
0x56: {  	_ =	shalt  }
0x57: {  	_ =	shalt  }
0x58: {  	_ =	shalt  }
0x59: {  	_ =	shalt  }
0x5a: {  	_ =	shalt  }
0x5b: {  	_ =	shalt  }
0x5c: {  	_ =	shalt  }
0x5d: {  	_ =	shalt  }
0x5e: {  	_ =	shalt  }
0x5f: {  	_ =	shalt  }
0x60: {  	_ =	shalt  }
0x61: {  	_ =	shalt  }
0x62: {  	_ =	shalt  }
0x63: {  	_ =	shalt  }
0x64: {  	_ =	shalt  }
0x65: {  	_ =	shalt  }
0x66: {  	_ =	shalt  }
0x67: {  	_ =	shalt  }
0x68: {  	_ =	shalt  }
0x69: {  	_ =	shalt  }
0x6a: {  	_ =	shalt  }
0x6b: {  	_ =	shalt  }
0x6c: {  	_ =	shalt  }
0x6d: {  	_ =	shalt  }
0x6e: {  	_ =	shalt  }
0x6f: {  	_ =	shalt  }
0x70: {  	_ =	shalt  }
0x71: {  	_ =	shalt  }
0x72: {  	_ =	shalt  }
0x73: {  	_ =	shalt  }
0x74: {  	_ =	shalt  }
0x75: {  	_ =	shalt  }
0x76: {  	_ =	shalt  }
0x77: {  	_ =	shalt  }
0x78: {  	_ =	shalt  }
0x79: {  	_ =	shalt  }
0x7a: {  	_ =	shalt  }
0x7b: {  	_ =	shalt  }
0x7c: {  	_ =	shalt  }
0x7d: {  	_ =	shalt  }
0x7e: {  	_ =	shalt  }
0x7f: {  	_ =	shalt  }
0x80: {  	_ =	shalt  }
0x81: {  	_ =	shalt  }
0x82: {  	_ =	shalt  }
0x83: {  	_ =	shalt  }
0x84: {  	_ =	shalt  }
0x85: {  	_ =	shalt  }
0x86: {  	_ =	shalt  }
0x87: {  	_ =	shalt  }
.Lfunc_end0:
.L_simem_size_0:
called_computation.2_lowered:
.L_overlay_start_0:
0x88: {  	s2 =	sld [smem:$0x3FD9]  }
0x89: {  	s3 =	sld [smem:$0x3FFE];
	_ =	sdelay $0x1  }
0x8a: {  	s1 =	srdreg.scid  }
0x8b: {  	s0 =	sand.u32 $0x1, s1  }
0x8c: {  	s16 =	sshll.u32 s0, $0xA;
	s2 =	sadd.s32 s3, s2  }
0x8d: {  	s2 =	sadd.s32 s2, s16  }
0x8e: {  	[smem:$0x3FBF] =	sst s2  }
0x8f: {  	_ = 	snop  }
0x90: {  	(tm) =	ssettm $0x1  }
0x91: {  	s17 =	sld [smem:$0x3FFB];
	_ =	sdelay $0x3  }
0x92: {  	_ =	strace s17  }
0x93: {  	s2 =	sld [smem:$0x3FFC];
	_ =	sdelay $0x3  }
0x94: {  	_ =	strace s2  }
0x95: {  	s2 =	sld [smem:$0x3FFD];
	_ =	sdelay $0x3  }
0x96: {  	_ =	strace s2  }
0x97: {  	_ =	strace $0x8FFFFFFF  }
0x98: {  	s18 =	sld [smem:$0x3FDB];
	_ =	sdelay $0x1  }
0x99: {  	s19 =	simm.s32 $_scs_section_size  }
0x9a: {  	s4 =	simm.s32 $_size__tile_overlayer_lowered;
	s5 =	simm.s32 $_tile_overlayer_lowered  }
0x9b: {  	s22 =	simm.s32 $0x1BFF;
	s21 =	sshll.u32 s5, $0x1;
	s2 =	sadd.s32 s19, s18  }
0x9c: {  	s6 =	simm.s32 $0x0;
	s20 =	sshll.u32 s4, $0x1;
	s4 =	sadd.s32 s21, s2  }
0x9d: {  	[timem:s6], [sflag:s22] =	dma.local [hbm:s4], s20  }
0x9e: {  	_ =	swait.ge [sflag:s22], s20  }
0x9f: {  	s3 =	ssub.s32 $0x0, s20;
	[sflag:s22] =	ssyncset.done $0x0  }
0xa0: {  	[sflag:s22] =	ssyncadd.s32 s3;
	_ =	sdelay $0x1  }
0xa1: {  	s23 =	simm.s32 $0x1B8B  }
0xa2: {  	_ =	swait.ge [sflag:s23], $0x1  }
0xa3: {  	[sflag:s23] =	ssyncset.done $0x0  }
0xa4: {  	s25 =	simm.s32 $0x1B8E;
	s24 =	sld [smem:$0x3FFE];
	[sflag:s23] =	ssyncadd.s32 $0xFFFFFFFF  }
0xa5: {  	s26 =	simm.s32 $execute0_lowered;
	[smem:$0x3FD2] =	sst s25  }
0xa6: {  	s4 =	sshll.u32 s26, $0x1;
	_ =	strace $0x8000004C;
	[dreg:$0x1] =	wrdreg $0xFFFFFFFF  }
0xa7: {  	s28 =	simm.s32 $_size_execute0_lowered;
	s2 =	sadd.s32 s2, s4;
	[dreg:$0x0] =	wrdreg $0x0  }
0xa8: {  	s4 =	sshll.u32 s28, $0x1;
	[dreg:$0x2] =	wrdreg s2  }
0xa9: {  	[dreg:$0x3] =	wrdreg s4  }
0xaa: {  	[dreg:$0x4] =	wrdreg $0xC0  }
0xab: {  	_ =	task [dreg:s6], $0x5FFFF  }
0xac: {  	[dreg:$0x1] =	wrdreg $0xFFFFFFFF  }
0xad: {  	[dreg:$0x0] =	wrdreg $0x60  }
0xae: {  	[dreg:$0x2] =	wrdreg s24  }
0xaf: {  	[dreg:$0x3] =	wrdreg $0xBD000  }
0xb0: {  	[dreg:$0x4] =	wrdreg $0x9  }
0xb1: {  	_ =	task.clear_ibuf [dreg:s6], $0x5FFFF;
	_ =	strace $0x9000004C  }
0xb2: {  	s29 =	simm.s32 $0x9;
	_ =	strace $0x8000004E  }
0xb3: {  	_ =	swait.ge [sflag:s29], $0x1  }
0xb4: {  	[sflag:s29] =	ssyncadd.s32 $0xFFFFFFFF  }
0xb5: {  	_ =	strace $0x9000004E  }
0xb6: {  	_ =	sfence  }
0xb7: {  	s30 =	sld [smem:$0x0];
	_ =	sdelay $0x2  }
0xb8: {  	s31 =	sshll.u32 s1, $0xD;
	s1 =	sshrl.u32 s1, $0x2  }
0xb9: {  	s3 =	sand.u32 $0x4000, s31;
	s1 =	sadd.s32 s1, s30  }
0xba: {  	s0 =	sor.u32 s3, s0;
	s1 =	sshll.u32 s1, $0x11  }
0xbb: {  	s0 =	sor.u32 s1, s0  }
0xbc: {  	s0 =	sadd.s32 $0x8F2B, s0  }
0xbd: {  	[sflag:s0] =	ssyncadd.remote.s32 $0x1  }
0xbe: {  	_ =	sfence.sel $0xFFFF  }
0xbf: {  	[dreg:$0x0] =	wrdreg $0xFFFFFFFF;
	(pc) =	sbr.abs _section_cstart, $3  }
0xc0: {  	[dreg:$0x1] =	wrdreg $0xFFFFFFFF  }
0xc1: {  	_ =	task.clear_ibuf [dreg:s6], $0x2FFFF;
	_ =	strace $0x9FFFFFFF  }
0xc2: {  	(tm) =	ssettm $0x7FFFFFFF  }
0xc3: {  	_ =	shalt  }
tec
execute0_lowered:
.L_overlay_start_1:
0x0: {  	(tag) =	ssettag $0x1  }
0x1: {  	s0 =	rddreg [dreg:$0x0]  }
0x2: {  	s1 =	rddreg [dreg:$0x1]  }
0x3: {  	s3 =	simm.s32 $0x0;
	s2 =	srdreg.scid;
	s12 =	stileid.u32  }
0x4: {  	s28 =	simm.s32 $0x5;
	s29 =	simm.s32 $0xBC00;
	s7 =	smul.u32 $0x14000, s12  }
0x5: {  	s30 =	simm.s32 $0xBC80;
	s31 =	simm.s32 $0x40;
	s16 =	smul.u32 $0x50000, s12  }
0x6: {  	[smem:$0x7FF] =	sst s3;
	s2 =	sand.u32 $0x1, s2;
	s19 =	smul.u32 $0x2710, s12  }
0x7: {  	s4 =	sadd.s32 $0x15A00, s0;
	s5 =	sadd.s32 $0x1E00, s0;
	s6 =	smul.u32 $0x140000, s2  }
0x8: {  	_ =	strace $0x8000004D;
	s8 =	sshll.u32 s2, $0x4;
	s14 =	ssub.s32 $0x2, s2  }
0x9: {  	s2 =	smul.u32 $0x27100, s2;
	s8 =	sor.u32 s12, s8;
	s10 =	sshrl.u32 s14, $0x1  }
0xa: {  	s12 =	simm.s32 $0x0;
	s6 =	sadd.s32 s7, s6;
	s8 =	smul.u32 $0x2710, s8  }
0xb: {  	s7 =	ssub.s32 s14, s10;
	s10 =	sshrl.u32 s16, $0x2;
	s2 =	sadd.s32 s19, s2  }
0xc: {  	s9 =	sshrl.u32 s6, $0x3;
	s6 =	sadd.s32 $0xBC00, s0;
	s25 =	sadd.s32 $0x228, s2  }
0xd: {  	s19 =	smax.u32 s7, $0x1;
	s7 =	simm.s32 $0xB8;
	s15 =	sshrl.u32 s8, $0x3  }
0xe: {  	s0 =	sadd.s32 s9, s0;
	s8 =	sadd.s32 $0xB8, s8;
	s11 =	sadd.s32 s5, s15  }
0xf: {  	s17 =	sadd.s32 s6, s15;
	s8 =	sshrl.u32 s8, $0x3;
	[dreg:$0x3] =	wrdreg s11  }
0x10: {  	s26 =	sshrl.u32 s25, $0x3;
	[dreg:$0x4] =	wrdreg s17;
	s18 =	sadd.s32 s5, s8  }
0x11: {  	s9 =	sadd.s32 $0x4DA, s15;
	s8 =	sadd.s32 s6, s8;
	[dreg:$0x5] =	wrdreg s18  }
0x12: {  	s25 =	simm.s32 $0x300;
	s23 =	sadd.s32 s5, s9;
	[dreg:$0x6] =	wrdreg s8  }
0x13: {  	s11 =	sadd.s32 s10, s1;
	s24 =	sadd.s32 s6, s9;
	[dreg:$0xb] =	wrdreg s23  }
0x14: {  	s9 =	simm.s32 $0x6000;
	s10 =	sadd.s32 $0x4000, s11;
	[dreg:$0xc] =	wrdreg s24  }
0x15: {  	s20 =	sadd.s32 $0x8000, s11;
	s21 =	sadd.s32 $0xC000, s11;
	[dreg:$0x7] =	wrdreg s10  }
0x16: {  	s22 =	sadd.s32 $0x10000, s11;
	s18 =	sadd.s32 $0x3CC00, s0;
	[dreg:$0x8] =	wrdreg s20  }
0x17: {  	s23 =	simm.s32 $0x200;
	s24 =	simm.s32 $0x100;
	[dreg:$0x9] =	wrdreg s21  }
0x18: {  	s0 =	simm.s32 $0x1;
	s8 =	simm.s32 $0x4;
	[dreg:$0xa] =	wrdreg s22  }
0x19: {  	s20 =	sadd.s32 s26, s6;
	s21 =	sadd.s32 s26, s5;
	s22 =	sadd.s32 $0x170, s2  }
0x1a: {  	v0 =	vimm.f32 $0.0e+00;
	s26 =	simm.s32 $0x400;
	s2 =	simm.s32 $0x3;
	s10 =	simm.s32 $0x2  }
.LBB2_1:
0x1b: {  	s13 =	rddreg [dreg:$0x3]  }
0x1c: {  	[tilespmem:s3], [sflag:$0x3] =	stream.linear.gather [hbm4b:s13+s3], $0xB8, $0x38;
	[tilespmem:$0x1FD00] =	vst v63  }
0x1d: {  	s14 =	rddreg [dreg:$0x4]  }
0x1e: {  	[tilespmem:s23], [sflag:$0x3] =	stream.linear.gather [hbm4b:s14+s3], $0xB8, $0x38;
	[tilespmem:$0x1FD00] =	vst v63  }
0x1f: {  	s15 =	rddreg [dreg:$0x5];
	s17 =	sand.u32 $0xFE00, s3  }
0x20: {  	[tilespmem:s24], [sflag:$0x4] =	stream.linear.gather [hbm4b:s15+s3], $0xB8, $0x38;
	[tilespmem:$0x1FD00] =	vst v63  }
0x21: {  	s16 =	rddreg [dreg:$0x6];
	s14 =	sand.u32 $0x70, s3;
	s15 =	sshrl.u32 s17, $0x2  }
0x22: {  	s13 =	simm.s32 $0x40;
	s15 =	sor.u32 s14, s15;
	s14 =	simm.s32 $0x0  }
0x23: {  	[tilespmem:s25], [sflag:$0x4] =	stream.linear.gather [hbm4b:s16+s3], $0xB8, $0x38;
	[tilespmem:$0x1FD00] =	vst v63  }
.LBB2_2:
0x24: {  	p0 =	sne.s32 s13, $0xFFC0  }
0x25: {  	[tilespmem:s15+$0x400] =	vst v0;
	s14 =	sadd.s32 $0x10, s14;
	s15 =	smov.u32 s13;
	s13 =	sadd.s32 $0x40, s13  }
.Ltmp0:
0x26: {  	(pc) =	sbr.rel @p0 .LBB2_2-.Ltmp0, $4  }
0x27: {  	_ = 	snop  }
0x28: {  	s15 =	sand.u32 $0xFE00, s15  }
0x29: {  	s16 =	sand.u32 $0x70, s14;
	s15 =	sshrl.u32 s15, $0x2  }
0x2a: {  	s15 =	sor.u32 s16, s15  }
0x2b: {  	[tilespmem:s15+$0x400] =	vst v0  }
0x2c: {  	[spmem:s11] =	stream.linear.scatter [tilespmem:s26], [sflag:$0x5], $0x4000, $0x38;
	[tilespmem:$0x1FD00] =	vst v63  }
0x2d: {  	_ =	swait.ge [sflag:s28], $0x4000  }
0x2e: {  	[sflag:s28] =	ssyncset.done $0x0  }
0x2f: {  	s13 =	rddreg [dreg:$0x7];
	[sflag:s28] =	ssyncadd.s32 $0xFFFFC000  }
0x30: {  	[spmem:s13] =	stream.linear.scatter [tilespmem:s26], [sflag:$0x5], $0x4000, $0x38;
	[tilespmem:$0x1FD00] =	vst v63  }
0x31: {  	_ =	swait.ge [sflag:s28], $0x4000  }
0x32: {  	[sflag:s28] =	ssyncset.done $0x0  }
0x33: {  	s17 =	rddreg [dreg:$0x8];
	[sflag:s28] =	ssyncadd.s32 $0xFFFFC000  }
0x34: {  	[spmem:s17] =	stream.linear.scatter [tilespmem:s26], [sflag:$0x5], $0x4000, $0x38;
	[tilespmem:$0x1FD00] =	vst v63  }
0x35: {  	_ =	swait.ge [sflag:s28], $0x4000  }
0x36: {  	[sflag:s28] =	ssyncset.done $0x0  }
0x37: {  	s14 =	rddreg [dreg:$0x9];
	[sflag:s28] =	ssyncadd.s32 $0xFFFFC000  }
0x38: {  	[spmem:s14] =	stream.linear.scatter [tilespmem:s26], [sflag:$0x5], $0x4000, $0x38;
	[tilespmem:$0x1FD00] =	vst v63  }
0x39: {  	_ =	swait.ge [sflag:s28], $0x4000  }
0x3a: {  	[sflag:s28] =	ssyncset.done $0x0  }
0x3b: {  	s15 =	rddreg [dreg:$0xa];
	[sflag:s28] =	ssyncadd.s32 $0xFFFFC000  }
0x3c: {  	[spmem:s15] =	stream.linear.scatter [tilespmem:s26], [sflag:$0x5], $0x4000, $0x38;
	[tilespmem:$0x1FD00] =	vst v63  }
0x3d: {  	_ =	swait.ge [sflag:s28], $0x4000  }
0x3e: {  	[sflag:s28] =	ssyncset.done $0x0  }
0x3f: {  	[sflag:s28] =	ssyncadd.s32 $0xFFFFC000  }
0x40: {  	[bflag:$0x0] =	sbarrier.arrive $0xFFFF  }
0x41: {  	s16 =	simm.s32 $0x0;
	s14 =	rddreg [dreg:$0xb]  }
0x42: {  	[tilespmem:s29], [sflag:$0x5] =	stream.linear.gather [hbm4b:s14+s16], $0x40, $0x38;
	[tilespmem:$0x1FD00] =	vst v63  }
0x43: {  	_ =	swait.ge [sflag:s28], $0x40  }
0x44: {  	[sflag:s28] =	ssyncset.done $0x0  }
0x45: {  	s17 =	rddreg [dreg:$0xc];
	[sflag:s28] =	ssyncadd.s32 $0xFFFFFFC0  }
0x46: {  	[tilespmem:s30], [sflag:$0x5] =	stream.linear.gather [hbm4b:s17+s16], $0x40, $0x38;
	[tilespmem:$0x1FD00] =	vst v63  }
0x47: {  	_ =	swait.ge [sflag:s28], $0x40  }
0x48: {  	[sflag:s28] =	ssyncset.done $0x0  }
0x49: {  	[sflag:s28] =	ssyncadd.s32 $0xFFFFFFC0  }
0x4a: {  	[tilespmem:s26], [sflag:$0x1] =	stream.indirect.gather [hbm4b:s4+s31], $0x80, s29, s31, $0xb8;
	[tilespmem:$0x1FD00] =	vst v63  }
0x4b: {  	_ =	swait.ge [sflag:s0], $0x2000  }
0x4c: {  	[sflag:s0] =	ssyncset.done $0x0  }
0x4d: {  	[sflag:s0] =	ssyncadd.s32 $0xFFFFE000  }
0x4e: {  	[spmem:s1] =	stream.indirect.scatter.add.f32 [tilespmem:s26], [sflag:$0x5], $0x80, s30, s31, $0xb8;
	[tilespmem:$0x1FD00] =	vst v63  }
0x4f: {  	_ =	swait.ge [sflag:s28], $0x2000  }
0x50: {  	[sflag:s28] =	ssyncset.done $0x0  }
0x51: {  	[sflag:s28] =	ssyncadd.s32 $0xFFFFE000  }
0x52: {  	_ =	swait.ge [sflag:s2], $0xB8  }
0x53: {  	[sflag:s2] =	ssyncset.done $0x0  }
0x54: {  	[sflag:s2] =	ssyncadd.s32 $0xFFFFFF48  }
0x55: {  	_ =	swait.ge [sflag:s2], $0xB8  }
0x56: {  	[sflag:s2] =	ssyncset.done $0x0  }
0x57: {  	[sflag:s2] =	ssyncadd.s32 $0xFFFFFF48  }
0x58: {  	[tilespmem:s26], [sflag:$0x1] =	stream.indirect.gather [hbm4b:s4+s7], $0x80, s16, s7, $0xb8;
	[tilespmem:$0x1FD00] =	vst v63  }
0x59: {  	_ =	swait.ge [sflag:s8], $0xB8  }
0x5a: {  	[sflag:s8] =	ssyncset.done $0x0  }
0x5b: {  	[sflag:s8] =	ssyncadd.s32 $0xFFFFFF48  }
0x5c: {  	_ =	swait.ge [sflag:s8], $0xB8  }
0x5d: {  	[sflag:s8] =	ssyncset.done $0x0  }
0x5e: {  	[sflag:s8] =	ssyncadd.s32 $0xFFFFFF48  }
0x5f: {  	[tilespmem:s9], [sflag:$0x2] =	stream.indirect.gather [hbm4b:s4+s7], $0x80, s24, s7, $0xb8;
	[tilespmem:$0x1FD00] =	vst v63  }
0x60: {  	_ =	swait.ge [sflag:s0], $0x5C00  }
0x61: {  	[sflag:s0] =	ssyncset.done $0x0  }
0x62: {  	[sflag:s0] =	ssyncadd.s32 $0xFFFFA400  }
0x63: {  	[spmem:s1] =	stream.indirect.scatter.add.f32 [tilespmem:s26], [sflag:$0x5], $0x80, s23, s7, $0xb8;
	[tilespmem:$0x1FD00] =	vst v63  }
0x64: {  	_ =	swait.ge [sflag:s28], $0x5C00  }
0x65: {  	s15 =	sshrl.u32 s22, $0x3;
	[sflag:s28] =	ssyncset.done $0x0  }
0x66: {  	s16 =	sadd.s32 s5, s15;
	[sflag:s28] =	ssyncadd.s32 $0xFFFFA400  }
0x67: {  	[tilespmem:s3], [sflag:$0x3] =	stream.linear.gather [hbm4b:s16+s3], $0xB8, $0x38;
	[tilespmem:$0x1FD00] =	vst v63  }
0x68: {  	s13 =	sadd.s32 s6, s15  }
0x69: {  	[tilespmem:s23], [sflag:$0x3] =	stream.linear.gather [hbm4b:s13+s3], $0xB8, $0x38;
	[tilespmem:$0x1FD00] =	vst v63  }
0x6a: {  	_ =	swait.ge [sflag:s2], $0xB8  }
0x6b: {  	[sflag:s2] =	ssyncset.done $0x0  }
0x6c: {  	[sflag:s2] =	ssyncadd.s32 $0xFFFFFF48  }
0x6d: {  	_ =	swait.ge [sflag:s2], $0xB8  }
0x6e: {  	[sflag:s2] =	ssyncset.done $0x0  }
0x6f: {  	[sflag:s2] =	ssyncadd.s32 $0xFFFFFF48  }
0x70: {  	[tilespmem:s26], [sflag:$0x1] =	stream.indirect.gather [hbm4b:s4+s7], $0x80, s3, s7, $0xb8;
	[tilespmem:$0x1FD00] =	vst v63  }
0x71: {  	_ =	swait.ge [sflag:s10], $0x5C00  }
0x72: {  	[sflag:s10] =	ssyncset.done $0x0  }
0x73: {  	[sflag:s10] =	ssyncadd.s32 $0xFFFFA400  }
0x74: {  	[spmem:s1] =	stream.indirect.scatter.add.f32 [tilespmem:s9], [sflag:$0x5], $0x80, s25, s7, $0xb8;
	[tilespmem:$0x1FD00] =	vst v63  }
0x75: {  	_ =	swait.ge [sflag:s28], $0x5C00  }
0x76: {  	s14 =	sadd.s32 $0x170, s22;
	s17 =	sadd.s32 $0x0, s21;
	[sflag:s28] =	ssyncset.done $0x0  }
0x77: {  	s15 =	sadd.s32 $0x0, s20;
	s13 =	simm.s32 $0x2E;
	[sflag:s28] =	ssyncadd.s32 $0xFFFFA400  }
0x78: {  	[tilespmem:s24], [sflag:$0x4] =	stream.linear.gather [hbm4b:s17+s3], $0xB8, $0x38;
	[tilespmem:$0x1FD00] =	vst v63  }
.LBB2_4:
0x79: {  	[tilespmem:s25], [sflag:$0x4] =	stream.linear.gather [hbm4b:s15+s3], $0xB8, $0x38;
	[tilespmem:$0x1FD00] =	vst v63  }
0x7a: {  	s15 =	smov.u32 s13  }
0x7b: {  	p0 =	sne.s32 s13, $0x47E;
	s13 =	sadd.s32 $0x2E, s13;
	_ =	swait.ge [sflag:s8], $0xB8  }
0x7c: {  	[sflag:s8] =	ssyncset.done $0x0  }
0x7d: {  	[sflag:s8] =	ssyncadd.s32 $0xFFFFFF48  }
0x7e: {  	_ =	swait.ge [sflag:s8], $0xB8  }
0x7f: {  	[sflag:s8] =	ssyncset.done $0x0  }
0x80: {  	[sflag:s8] =	ssyncadd.s32 $0xFFFFFF48  }
0x81: {  	[tilespmem:s9], [sflag:$0x2] =	stream.indirect.gather [hbm4b:s4+s7], $0x80, s24, s7, $0xb8;
	[tilespmem:$0x1FD00] =	vst v63  }
0x82: {  	_ =	swait.ge [sflag:s0], $0x5C00  }
0x83: {  	[sflag:s0] =	ssyncset.done $0x0  }
0x84: {  	[sflag:s0] =	ssyncadd.s32 $0xFFFFA400  }
0x85: {  	[spmem:s1] =	stream.indirect.scatter.add.f32 [tilespmem:s26], [sflag:$0x5], $0x80, s23, s7, $0xb8;
	[tilespmem:$0x1FD00] =	vst v63  }
0x86: {  	_ =	swait.ge [sflag:s28], $0x5C00  }
0x87: {  	s16 =	sshrl.u32 s14, $0x3;
	[sflag:s28] =	ssyncset.done $0x0  }
0x88: {  	s17 =	sadd.s32 s5, s16;
	[sflag:s28] =	ssyncadd.s32 $0xFFFFA400  }
0x89: {  	[tilespmem:s3], [sflag:$0x3] =	stream.linear.gather [hbm4b:s17+s3], $0xB8, $0x38;
	[tilespmem:$0x1FD00] =	vst v63  }
0x8a: {  	s16 =	sadd.s32 s6, s16  }
0x8b: {  	[tilespmem:s23], [sflag:$0x3] =	stream.linear.gather [hbm4b:s16+s3], $0xB8, $0x38;
	[tilespmem:$0x1FD00] =	vst v63  }
0x8c: {  	_ =	swait.ge [sflag:s2], $0xB8  }
0x8d: {  	[sflag:s2] =	ssyncset.done $0x0  }
0x8e: {  	[sflag:s2] =	ssyncadd.s32 $0xFFFFFF48  }
0x8f: {  	_ =	swait.ge [sflag:s2], $0xB8  }
0x90: {  	[sflag:s2] =	ssyncset.done $0x0  }
0x91: {  	[sflag:s2] =	ssyncadd.s32 $0xFFFFFF48  }
0x92: {  	[tilespmem:s26], [sflag:$0x1] =	stream.indirect.gather [hbm4b:s4+s7], $0x80, s3, s7, $0xb8;
	[tilespmem:$0x1FD00] =	vst v63  }
0x93: {  	_ =	swait.ge [sflag:s10], $0x5C00  }
0x94: {  	[sflag:s10] =	ssyncset.done $0x0  }
0x95: {  	[sflag:s10] =	ssyncadd.s32 $0xFFFFA400  }
0x96: {  	[spmem:s1] =	stream.indirect.scatter.add.f32 [tilespmem:s9], [sflag:$0x5], $0x80, s25, s7, $0xb8;
	[tilespmem:$0x1FD00] =	vst v63  }
.Ltmp1:
0x97: {  	_ =	swait.ge [sflag:s28], $0x5C00;
	(pc) =	sbr.rel @p0 .LBB2_4-.Ltmp1, $4  }
0x98: {  	[sflag:s28] =	ssyncset.done $0x0  }
0x99: {  	s16 =	sadd.s32 s15, s21;
	[sflag:s28] =	ssyncadd.s32 $0xFFFFA400  }
0x9a: {  	[tilespmem:s24], [sflag:$0x4] =	stream.linear.gather [hbm4b:s16+s3], $0xB8, $0x38;
	[tilespmem:$0x1FD00] =	vst v63  }
0x9b: {  	s14 =	sadd.s32 $0x170, s14;
	s15 =	sadd.s32 s15, s20  }
0x9c: {  	[tilespmem:s25], [sflag:$0x4] =	stream.linear.gather [hbm4b:s15+s3], $0xB8, $0x38;
	[tilespmem:$0x1FD00] =	vst v63  }
0x9d: {  	_ =	swait.ge [sflag:s8], $0xB8  }
0x9e: {  	[sflag:s8] =	ssyncset.done $0x0  }
0x9f: {  	[sflag:s8] =	ssyncadd.s32 $0xFFFFFF48  }
0xa0: {  	_ =	swait.ge [sflag:s8], $0xB8  }
0xa1: {  	[sflag:s8] =	ssyncset.done $0x0  }
0xa2: {  	[sflag:s8] =	ssyncadd.s32 $0xFFFFFF48  }
0xa3: {  	[tilespmem:s9], [sflag:$0x2] =	stream.indirect.gather [hbm4b:s4+s7], $0x80, s24, s7, $0xb8;
	[tilespmem:$0x1FD00] =	vst v63  }
0xa4: {  	_ =	swait.ge [sflag:s0], $0x5C00  }
0xa5: {  	[sflag:s0] =	ssyncset.done $0x0  }
0xa6: {  	[sflag:s0] =	ssyncadd.s32 $0xFFFFA400  }
0xa7: {  	[spmem:s1] =	stream.indirect.scatter.add.f32 [tilespmem:s26], [sflag:$0x5], $0x80, s23, s7, $0xb8;
	[tilespmem:$0x1FD00] =	vst v63  }
0xa8: {  	_ =	swait.ge [sflag:s28], $0x5C00  }
0xa9: {  	[sflag:s28] =	ssyncset.done $0x0  }
0xaa: {  	[sflag:s28] =	ssyncadd.s32 $0xFFFFA400  }
0xab: {  	_ =	swait.ge [sflag:s10], $0x5C00  }
0xac: {  	[sflag:s10] =	ssyncset.done $0x0  }
0xad: {  	[sflag:s10] =	ssyncadd.s32 $0xFFFFA400  }
0xae: {  	[spmem:s1] =	stream.indirect.scatter.add.f32 [tilespmem:s9], [sflag:$0x5], $0x80, s25, s7, $0xb8;
	[tilespmem:$0x1FD00] =	vst v63  }
0xaf: {  	s13 =	stileid.u32;
	_ =	swait.ge [sflag:s28], $0x5C00  }
0xb0: {  	s14 =	sshrl.u32 s11, $0x3;
	s12 =	sadd.s32 $0x1, s12;
	[sflag:s28] =	ssyncset.done $0x0  }
0xb1: {  	s13 =	sshll.u32 s13, $0x6;
	p0 =	sne.s32 s12, s19;
	[sflag:s28] =	ssyncadd.s32 $0xFFFFA400  }
.Ltmp2:
0xb2: {  	s13 =	sor.u32 $0x1C05, s13;
	[bflag:$0x0] =	sbarrier.arrive $0xFFFF;
	(pc) =	sbr.rel @p0 .LBB2_1-.Ltmp2, $4  }
0xb3: {  	[hbm:s18], [sflag:s13] =	dma.local [spmem:s14], $0x2800  }
0xb4: {  	_ =	swait.ge [sflag:s28], $0x2800  }
0xb5: {  	[sflag:s28] =	ssyncset.done $0x0  }
0xb6: {  	[sflag:s28] =	ssyncadd.s32 $0xFFFFD800  }
0xb7: {  	_ =	sfence.sel $0x180000  }
0xb8: {  	[bflag:$0x0] =	sbarrier.arrive $0xFFFF  }
0xb9: {  	_ =	strace $0x9000004D  }
0xba: {  	s0 =	stileid.u32;
	[bflag:$0x2] =	sbarrier.arrive $0xFFFF  }
0xbb: {  	p0 =	sne.s32 s0, $0x0;
	s0 =	rddreg [dreg:$0x2]  }
0xbc: {  	s0 =	sadd.s32 @!p0 $0x100000, s0  }
0xbd: {  	[sflag:s0] =	ssyncadd.tile.s32 @!p0 $0x1;
	_ =	shalt  }
.Lfunc_end2:
_tile_overlayer_lowered:
.L_overlay_start_2:
0xbe: {  	(tag) =	ssettag $0x2  }
0xbf: {  	s0 =	rddreg [dreg:$0x0];
	s2 =	stileid.u32  }
0xc0: {  	s1 =	rddreg [dreg:$0x1];
	p0 =	sne.s32 s2, $0x0  }
0xc1: {  	s3 =	rddreg [dreg:$0x2];
	[bflag:$0x3] =	sbarrier.arrive $0xFFFF;
	s2 =	simm.s32 @!p0 $0x1C05  }
0xc2: {  	[timem:s3], [sflag:s2] =	dma.local @!p0 [hbm:s0], s1  }
0xc3: {  	s0 =	simm.s32 @!p0 $0x5  }
0xc4: {  	_ =	swait.ge @!p0 [sflag:s0], s1  }
0xc5: {  	s1 =	ssub.s32 @!p0 $0x0, s1;
	[sflag:s0] =	ssyncset.done @!p0 $0x0  }
0xc6: {  	[sflag:s0] =	ssyncadd.s32 @!p0 s1  }
0xc7: {  	[bflag:$0x3] =	sbarrier.arrive $0xFFFF  }
0xc8: {  	_ =	shalt  }

// kernel: kernel.9.cloned.1.call-start
scs
__scs_entry_jumppad:
0x0: {  	(pc) =	sbr.rel $0x88, $3  }
0x1: {  	(tag) =	ssettag $0x0;
	lr =	simm.s32 $0x1  }
0x2: {  	[smem:$0x3F98] =	sst lr;
	_ =	strace $0xD0000000  }
0x3: {  	_ = 	snop  }
0x4: {  	_ = 	snop  }
0x5: {  	_ = 	snop  }
0x6: {  	_ = 	snop  }
0x7: {  	_ = 	snop  }
__scs_overlays_trampoline_lowered:
0x8: {  	[smem:$0x3FA7] =	sst s0  }
0x9: {  	[smem:$0x3FA8] =	sst s1  }
0xa: {  	[smem:$0x3FA9] =	sst s2  }
0xb: {  	[smem:$0x3FAA] =	sst s3  }
0xc: {  	[smem:$0x3FAB] =	sst s4  }
0xd: {  	[smem:$0x3FAC] =	sst s5  }
0xe: {  	[smem:$0x3FAD] =	sst s6  }
0xf: {  	[smem:$0x3FAE] =	sst s7  }
0x10: {  	[smem:$0x3FAF] =	sst s8  }
0x11: {  	[smem:$0x3FB0] =	sst s9;
	s0 =	simm.s32 @!p0 $0x0  }
0x12: {  	s1 =	sld [smem:$0x3F96];
	s0 =	simm.s32 @p0 $0x1  }
0x13: {  	[smem:$0x3FB1] =	sst s0;
	s0 =	simm.s32 @!p1 $0x0  }
0x14: {  	s2 =	sld [smem:$0x3F95];
	s0 =	simm.s32 @p1 $0x1  }
0x15: {  	[smem:$0x3FB2] =	sst s0;
	s0 =	simm.s32 @!p2 $0x0  }
0x16: {  	s3 =	sld [smem:$0x3FDB];
	s0 =	simm.s32 @p2 $0x1  }
0x17: {  	s4 =	simm.s32 $0x1BF5;
	[smem:$0x3FB4] =	sst s0  }
0x18: {  	s0 =	sld [smem:$0x3F97];
	_ =	swait.ge [sflag:s4], $0x0  }
0x19: {  	s7 =	sld [smem:$0x3F98]  }
0x1a: {  	s8 =	sadd.s32 $0xFFFFE003, lr  }
0x1b: {  	s9 =	sadd.s32 $0xFFFFFEF7, lr;
	s5 =	simm.s32 $0xFFFFFFFF;
	p2 =	slt.u32 s8, $0xFFFFF086  }
0x1c: {  	p1 =	slt.u32 s9, $0xF7A;
	s5 =	simm.s32 @!p2 $0x0  }
0x1d: {  	s5 =	simm.s32 @p1 $0x1;
	p0 =	seq.s32 s7, s2  }
0x1e: {  	s7 =	smul.u32 @!p0 $0xF7A, s2;
	p2 =	seq.s32 @!p0 s5, $0x0  }
0x1f: {  	s9 =	smul.u32 $0xF7A, s1;
	s8 =	simm.s32 @!p0 $0x1BF5;
	p2 =	por !p2, p0  }
0x20: {  	[sflag:s8] =	ssyncset.s32 @!p0 $0xFFFFF086;
	s6 =	sadd.s32 @!p0 s3, s7;
	s7 =	simm.s32 @!p0 $0x108  }
0x21: {  	s3 =	sadd.s32 s3, s9;
	s6 =	sadd.s32 @!p0 $0x88, s6;
	s7 =	simm.s32 @p2 $0x1082  }
0x22: {  	[simem:s7], [sflag:s8] =	dma.local @!p0 [hbm:s6], $0xF7A  }
0x23: {  	s9 =	sor.u32 $0xD0000000, s2;
	s6 =	simm.s32 $0x108;
	_ =	swait.ge @!p0 [sflag:s8], $0x0  }
0x24: {  	s3 =	sadd.s32 $0x88, s3;
	s6 =	simm.s32 @!p1 $0x1082;
	[sflag:s4] =	ssyncset.s32 $0xFFFFF086  }
0x25: {  	[simem:s6], [sflag:s4] =	dma.local [hbm:s3], $0xF7A  }
0x26: {  	[smem:$0x3F98] =	sst s1;
	(tag) =	ssettag s2;
	_ =	strace s9  }
0x27: {  	s1 =	sld [smem:$0x3FA8]  }
0x28: {  	s2 =	sld [smem:$0x3FA9]  }
0x29: {  	s4 =	sld [smem:$0x3FAB]  }
0x2a: {  	p0 =	seq.s32 s5, $0x0;
	s5 =	sld [smem:$0x3FAC]  }
0x2b: {  	s6 =	sld [smem:$0x3FAD]  }
0x2c: {  	s7 =	sld [smem:$0x3FAE]  }
0x2d: {  	s3 =	simm.s32 $0x108;
	s8 =	sld [smem:$0x3FAF]  }
0x2e: {  	s3 =	simm.s32 @!p0 $0x1082;
	s9 =	sld [smem:$0x3FB0]  }
0x2f: {  	lr =	sadd.s32 s0, s3;
	s0 =	sld [smem:$0x3FA7]  }
0x30: {  	s3 =	sld [smem:$0x3FAA]  }
0x31: {  	[smem:$0x3FB3] =	sst s10  }
0x32: {  	s10 =	sld [smem:$0x3FB1];
	_ =	sdelay $0x3  }
0x33: {  	p0 =	seq.s32 s10, $0x1;
	s10 =	sld [smem:$0x3FB3];
	_ =	sdelay $0x3  }
0x34: {  	[smem:$0x3FB3] =	sst s10  }
0x35: {  	s10 =	sld [smem:$0x3FB2];
	_ =	sdelay $0x3  }
0x36: {  	p1 =	seq.s32 s10, $0x1;
	s10 =	sld [smem:$0x3FB3];
	_ =	sdelay $0x3  }
0x37: {  	[smem:$0x3FB3] =	sst s10  }
0x38: {  	s10 =	sld [smem:$0x3FB4]  }
0x39: {  	_ = 	snop;
	(pc) =	sbr.ind lr, $3  }
0x3a: {  	_ = 	snop  }
0x3b: {  	_ = 	snop  }
0x3c: {  	p2 =	seq.s32 s10, $0x1;
	s10 =	sld [smem:$0x3FB3]  }
0x3d: {  	_ =	shalt  }
0x3e: {  	_ =	shalt  }
0x3f: {  	_ =	shalt  }
0x40: {  	_ =	shalt  }
0x41: {  	_ =	shalt  }
0x42: {  	_ =	shalt  }
0x43: {  	_ =	shalt  }
0x44: {  	_ =	shalt  }
0x45: {  	_ =	shalt  }
0x46: {  	_ =	shalt  }
0x47: {  	_ =	shalt  }
0x48: {  	_ =	shalt  }
0x49: {  	_ =	shalt  }
0x4a: {  	_ =	shalt  }
0x4b: {  	_ =	shalt  }
0x4c: {  	_ =	shalt  }
0x4d: {  	_ =	shalt  }
0x4e: {  	_ =	shalt  }
0x4f: {  	_ =	shalt  }
0x50: {  	_ =	shalt  }
0x51: {  	_ =	shalt  }
0x52: {  	_ =	shalt  }
0x53: {  	_ =	shalt  }
0x54: {  	_ =	shalt  }
0x55: {  	_ =	shalt  }
0x56: {  	_ =	shalt  }
0x57: {  	_ =	shalt  }
0x58: {  	_ =	shalt  }
0x59: {  	_ =	shalt  }
0x5a: {  	_ =	shalt  }
0x5b: {  	_ =	shalt  }
0x5c: {  	_ =	shalt  }
0x5d: {  	_ =	shalt  }
0x5e: {  	_ =	shalt  }
0x5f: {  	_ =	shalt  }
0x60: {  	_ =	shalt  }
0x61: {  	_ =	shalt  }
0x62: {  	_ =	shalt  }
0x63: {  	_ =	shalt  }
0x64: {  	_ =	shalt  }
0x65: {  	_ =	shalt  }
0x66: {  	_ =	shalt  }
0x67: {  	_ =	shalt  }
0x68: {  	_ =	shalt  }
0x69: {  	_ =	shalt  }
0x6a: {  	_ =	shalt  }
0x6b: {  	_ =	shalt  }
0x6c: {  	_ =	shalt  }
0x6d: {  	_ =	shalt  }
0x6e: {  	_ =	shalt  }
0x6f: {  	_ =	shalt  }
0x70: {  	_ =	shalt  }
0x71: {  	_ =	shalt  }
0x72: {  	_ =	shalt  }
0x73: {  	_ =	shalt  }
0x74: {  	_ =	shalt  }
0x75: {  	_ =	shalt  }
0x76: {  	_ =	shalt  }
0x77: {  	_ =	shalt  }
0x78: {  	_ =	shalt  }
0x79: {  	_ =	shalt  }
0x7a: {  	_ =	shalt  }
0x7b: {  	_ =	shalt  }
0x7c: {  	_ =	shalt  }
0x7d: {  	_ =	shalt  }
0x7e: {  	_ =	shalt  }
0x7f: {  	_ =	shalt  }
0x80: {  	_ =	shalt  }
0x81: {  	_ =	shalt  }
0x82: {  	_ =	shalt  }
0x83: {  	_ =	shalt  }
0x84: {  	_ =	shalt  }
0x85: {  	_ =	shalt  }
0x86: {  	_ =	shalt  }
0x87: {  	_ =	shalt  }
.Lfunc_end0:
.L_simem_size_0:
called_computation_lowered:
.L_overlay_start_0:
0x88: {  	s2 =	sld [smem:$0x3FD9]  }
0x89: {  	s3 =	sld [smem:$0x3FFE];
	_ =	sdelay $0x1  }
0x8a: {  	s1 =	srdreg.scid  }
0x8b: {  	s0 =	sand.u32 $0x1, s1  }
0x8c: {  	s16 =	sshll.u32 s0, $0xA;
	s2 =	sadd.s32 s3, s2  }
0x8d: {  	s2 =	sadd.s32 s2, s16  }
0x8e: {  	[smem:$0x3FBF] =	sst s2  }
0x8f: {  	_ = 	snop  }
0x90: {  	(tm) =	ssettm $0x1  }
0x91: {  	s17 =	sld [smem:$0x3FFB];
	_ =	sdelay $0x3  }
0x92: {  	_ =	strace s17  }
0x93: {  	s2 =	sld [smem:$0x3FFC];
	_ =	sdelay $0x3  }
0x94: {  	_ =	strace s2  }
0x95: {  	s2 =	sld [smem:$0x3FFD];
	_ =	sdelay $0x3  }
0x96: {  	_ =	strace s2  }
0x97: {  	_ =	strace $0x8FFFFFFF  }
0x98: {  	s18 =	sld [smem:$0x3FDB];
	_ =	sdelay $0x1  }
0x99: {  	s19 =	simm.s32 $_scs_section_size  }
0x9a: {  	s4 =	simm.s32 $_size__tile_overlayer_lowered;
	s5 =	simm.s32 $_tile_overlayer_lowered  }
0x9b: {  	s22 =	simm.s32 $0x1BFF;
	s21 =	sshll.u32 s5, $0x1;
	s2 =	sadd.s32 s19, s18  }
0x9c: {  	s6 =	simm.s32 $0x0;
	s20 =	sshll.u32 s4, $0x1;
	s4 =	sadd.s32 s21, s2  }
0x9d: {  	[timem:s6], [sflag:s22] =	dma.local [hbm:s4], s20  }
0x9e: {  	_ =	swait.ge [sflag:s22], s20  }
0x9f: {  	s3 =	ssub.s32 $0x0, s20;
	[sflag:s22] =	ssyncset.done $0x0  }
0xa0: {  	[sflag:s22] =	ssyncadd.s32 s3;
	_ =	sdelay $0x1  }
0xa1: {  	s23 =	simm.s32 $0x1B8B  }
0xa2: {  	_ =	swait.ge [sflag:s23], $0x1  }
0xa3: {  	[sflag:s23] =	ssyncset.done $0x0  }
0xa4: {  	s25 =	simm.s32 $0x1B8E;
	s24 =	sld [smem:$0x3FFE];
	[sflag:s23] =	ssyncadd.s32 $0xFFFFFFFF  }
0xa5: {  	s26 =	simm.s32 $execute0_lowered;
	[smem:$0x3FD2] =	sst s25  }
0xa6: {  	s4 =	sshll.u32 s26, $0x1;
	_ =	strace $0x80000046;
	[dreg:$0x1] =	wrdreg $0xFFFFFFFF  }
0xa7: {  	s28 =	simm.s32 $_size_execute0_lowered;
	s2 =	sadd.s32 s2, s4;
	[dreg:$0x0] =	wrdreg $0x0  }
0xa8: {  	s4 =	sshll.u32 s28, $0x1;
	[dreg:$0x2] =	wrdreg s2  }
0xa9: {  	[dreg:$0x3] =	wrdreg s4  }
0xaa: {  	[dreg:$0x4] =	wrdreg $0xC0  }
0xab: {  	_ =	task [dreg:s6], $0x5FFFF  }
0xac: {  	[dreg:$0x1] =	wrdreg $0xFFFFFFFF  }
0xad: {  	[dreg:$0x0] =	wrdreg $0x60  }
0xae: {  	[dreg:$0x2] =	wrdreg s24  }
0xaf: {  	[dreg:$0x3] =	wrdreg $0xA800  }
0xb0: {  	[dreg:$0x4] =	wrdreg $0x9  }
0xb1: {  	_ =	task.clear_ibuf [dreg:s6], $0x5FFFF;
	_ =	strace $0x90000046  }
0xb2: {  	s29 =	simm.s32 $0x9;
	_ =	strace $0x80000048  }
0xb3: {  	_ =	swait.ge [sflag:s29], $0x1  }
0xb4: {  	[sflag:s29] =	ssyncadd.s32 $0xFFFFFFFF  }
0xb5: {  	_ =	strace $0x90000048  }
0xb6: {  	_ =	sfence  }
0xb7: {  	s30 =	sld [smem:$0x0];
	_ =	sdelay $0x2  }
0xb8: {  	s31 =	sshll.u32 s1, $0xD;
	s1 =	sshrl.u32 s1, $0x2  }
0xb9: {  	s3 =	sand.u32 $0x4000, s31;
	s1 =	sadd.s32 s1, s30  }
0xba: {  	s0 =	sor.u32 s3, s0;
	s1 =	sshll.u32 s1, $0x11  }
0xbb: {  	s0 =	sor.u32 s1, s0  }
0xbc: {  	s0 =	sadd.s32 $0x8F2B, s0  }
0xbd: {  	[sflag:s0] =	ssyncadd.remote.s32 $0x1  }
0xbe: {  	_ =	sfence.sel $0xFFFF  }
0xbf: {  	[dreg:$0x0] =	wrdreg $0xFFFFFFFF;
	(pc) =	sbr.abs _section_cstart, $3  }
0xc0: {  	[dreg:$0x1] =	wrdreg $0xFFFFFFFF  }
0xc1: {  	_ =	task.clear_ibuf [dreg:s6], $0x2FFFF;
	_ =	strace $0x9FFFFFFF  }
0xc2: {  	(tm) =	ssettm $0x7FFFFFFF  }
0xc3: {  	_ =	shalt  }
tec
execute0_lowered:
.L_overlay_start_1:
0x0: {  	(tag) =	ssettag $0x1  }
0x1: {  	s1 =	srdreg.scid  }
0x2: {  	s4 =	rddreg [dreg:$0x0];
	s0 =	stileid.u32  }
0x3: {  	s2 =	rddreg [dreg:$0x1];
	s3 =	simm.s32 $0x0;
	s18 =	simm.s32 $0x1  }
0x4: {  	s19 =	simm.s32 $0x3E8;
	s20 =	simm.s32 $0x400;
	s22 =	simm.s32 $0x80  }
0x5: {  	s5 =	sand.u32 $0x1, s1;
	s7 =	sshrl.u32 s0, $0x3;
	s1 =	rddreg [dreg:$0x2]  }
0x6: {  	[smem:$0x7FF] =	sst s3;
	s8 =	sshll.u32 s0, $0x7;
	s25 =	smul.u32 $0xA00, s0  }
0x7: {  	s16 =	sadd.s32 $0xBC00, s4;
	s21 =	sshll.u32 s0, $0x6;
	s6 =	smul.u32 $0x2800, s5  }
0x8: {  	s7 =	smul.u32 $0x1400, s7;
	_ =	strace $0x80000047;
	s23 =	sand.u32 $0x380, s8  }
0x9: {  	s24 =	sshll.u32 s5, $0x4;
	s5 =	ssub.s32 $0x2, s5;
	s21 =	sor.u32 $0x1C01, s21  }
0xa: {  	s9 =	sshrl.u32 s5, $0x1;
	s28 =	sshrl.u32 s25, $0x2;
	s6 =	sadd.s32 s6, s7  }
0xb: {  	s7 =	sor.u32 s0, s24;
	s26 =	ssub.s32 s5, s9;
	s6 =	sor.u32 s23, s6  }
0xc: {  	s24 =	simm.s32 $0x0;
	s13 =	smul.u32 $0x2710, s7;
	s6 =	sshrl.u32 s6, $0x3  }
0xd: {  	s7 =	smax.u32 s26, $0x1;
	s23 =	simm.s32 $0x10;
	s6 =	sadd.s32 s6, s4  }
0xe: {  	s4 =	sadd.s32 s28, s2;
	s29 =	sshrl.u32 s13, $0x3;
	s30 =	sadd.s32 $0x3E8, s13  }
0xf: {  	s10 =	sadd.s32 $0xBB8, s13;
	s12 =	sadd.s32 $0x1388, s13;
	s14 =	sadd.s32 $0x1B58, s13  }
0x10: {  	s15 =	sadd.s32 $0x2328, s13;
	s5 =	sadd.s32 $0x15A00, s6;
	s6 =	sadd.s32 s16, s29  }
0x11: {  	s31 =	sshrl.u32 s30, $0x3;
	s10 =	sshrl.u32 s10, $0x3;
	s12 =	sshrl.u32 s12, $0x3  }
0x12: {  	s14 =	sshrl.u32 s14, $0x3;
	s17 =	sshrl.u32 s15, $0x3;
	s8 =	sadd.s32 s16, s31  }
0x13: {  	s9 =	sadd.s32 $0xFA, s6;
	s10 =	sadd.s32 s16, s10;
	s11 =	sadd.s32 $0x1F4, s6  }
0x14: {  	s12 =	sadd.s32 s16, s12;
	s13 =	sadd.s32 $0x2EE, s6;
	s14 =	sadd.s32 s16, s14  }
0x15: {  	v0 =	vimm.f32 $0.0e+00;
	v1 =	vimm.f32 $1.000000000e+00;
	s15 =	sadd.s32 $0x3E8, s6;
	s16 =	sadd.s32 s16, s17;
	s17 =	simm.s32 $0x800  }
.LBB2_1:
0x16: {  	[tilespmem:$0x800] =	vst v0  }
0x17: {  	[tilespmem:$0x810] =	vst v0  }
0x18: {  	[tilespmem:$0x820] =	vst v0  }
0x19: {  	[tilespmem:$0x830] =	vst v0  }
0x1a: {  	[tilespmem:$0x840] =	vst v0  }
0x1b: {  	[tilespmem:$0x850] =	vst v0  }
0x1c: {  	[tilespmem:$0x860] =	vst v0  }
0x1d: {  	[tilespmem:$0x870] =	vst v0  }
0x1e: {  	[tilespmem:$0x880] =	vst v0  }
0x1f: {  	[tilespmem:$0x890] =	vst v0  }
0x20: {  	[tilespmem:$0x8A0] =	vst v0  }
0x21: {  	[tilespmem:$0x8B0] =	vst v0  }
0x22: {  	[tilespmem:$0x8C0] =	vst v0  }
0x23: {  	[tilespmem:$0x8D0] =	vst v0  }
0x24: {  	[tilespmem:$0x8E0] =	vst v0  }
0x25: {  	[tilespmem:$0x8F0] =	vst v0  }
0x26: {  	[tilespmem:$0x900] =	vst v0  }
0x27: {  	[tilespmem:$0x910] =	vst v0  }
0x28: {  	[tilespmem:$0x920] =	vst v0  }
0x29: {  	[tilespmem:$0x930] =	vst v0  }
0x2a: {  	[tilespmem:$0x940] =	vst v0  }
0x2b: {  	[tilespmem:$0x950] =	vst v0  }
0x2c: {  	[tilespmem:$0x960] =	vst v0  }
0x2d: {  	[tilespmem:$0x970] =	vst v0  }
0x2e: {  	[tilespmem:$0x980] =	vst v0  }
0x2f: {  	[tilespmem:$0x990] =	vst v0  }
0x30: {  	[tilespmem:$0x9A0] =	vst v0  }
0x31: {  	[tilespmem:$0x9B0] =	vst v0  }
0x32: {  	[tilespmem:$0x9C0] =	vst v0  }
0x33: {  	[tilespmem:$0x9D0] =	vst v0  }
0x34: {  	[tilespmem:$0x9E0] =	vst v0  }
0x35: {  	[tilespmem:$0x9F0] =	vst v0  }
0x36: {  	[tilespmem:$0xA00] =	vst v0  }
0x37: {  	[tilespmem:$0xA10] =	vst v0  }
0x38: {  	[tilespmem:$0xA20] =	vst v0  }
0x39: {  	[tilespmem:$0xA30] =	vst v0  }
0x3a: {  	[tilespmem:$0xA40] =	vst v0  }
0x3b: {  	[tilespmem:$0xA50] =	vst v0  }
0x3c: {  	[tilespmem:$0xA60] =	vst v0  }
0x3d: {  	[tilespmem:$0xA70] =	vst v0;
	s25 =	simm.s32 $0x40;
	s26 =	simm.s32 $0x0  }
.LBB2_2:
0x3e: {  	p0 =	sne.s32 s25, $0xF40;
	[tilespmem:s26+$0x400] =	vst v1;
	s26 =	smov.u32 s25;
	s25 =	sadd.s32 $0x40, s25  }
.Ltmp0:
0x3f: {  	(pc) =	sbr.rel @p0 .LBB2_2-.Ltmp0, $2  }
0x40: {  	_ =	sdelay $0x2  }
0x41: {  	s26 =	sshra.s32 s26, $0x2  }
0x42: {  	[tilespmem:s26+$0x400] =	vst v1  }
0x43: {  	[spmem:s4] =	stream.linear.scatter [tilespmem:s17], [sflag:$0x1], $0x280, $0x38;
	[tilespmem:$0xD00] =	vst v63  }
0x44: {  	_ =	swait.ge [sflag:s18], $0x280  }
0x45: {  	[sflag:s18] =	ssyncset.done $0x0  }
0x46: {  	[sflag:s18] =	ssyncadd.s32 $0xFFFFFD80  }
0x47: {  	[bflag:$0x0] =	sbarrier.arrive $0xFFFF  }
0x48: {  	[tilespmem:s3], [sflag:$0x1] =	stream.linear.gather [hbm4b:s6+s3], $0x3E8, $0x38;
	[tilespmem:$0xD00] =	vst v63  }
0x49: {  	_ =	swait.ge [sflag:s18], $0x3E8  }
0x4a: {  	[sflag:s18] =	ssyncset.done $0x0  }
0x4b: {  	[sflag:s18] =	ssyncadd.s32 $0xFFFFFC18  }
0x4c: {  	[spmem:s2] =	stream.indirect.scatter.add.f32 [tilespmem:s20], [sflag:$0x1], $0x1, s3, s19, $0xb8;
	[tilespmem:$0xD00] =	vst v63  }
0x4d: {  	_ =	swait.ge [sflag:s18], $0x3E8  }
0x4e: {  	[sflag:s18] =	ssyncset.done $0x0  }
0x4f: {  	[sflag:s18] =	ssyncadd.s32 $0xFFFFFC18  }
0x50: {  	[tilespmem:s3], [sflag:$0x1] =	stream.linear.gather [hbm4b:s8+s3], $0x3E8, $0x38;
	[tilespmem:$0xD00] =	vst v63  }
0x51: {  	_ =	swait.ge [sflag:s18], $0x3E8  }
0x52: {  	[sflag:s18] =	ssyncset.done $0x0  }
0x53: {  	[sflag:s18] =	ssyncadd.s32 $0xFFFFFC18  }
0x54: {  	[spmem:s2] =	stream.indirect.scatter.add.f32 [tilespmem:s20], [sflag:$0x1], $0x1, s3, s19, $0xb8;
	[tilespmem:$0xD00] =	vst v63  }
0x55: {  	_ =	swait.ge [sflag:s18], $0x3E8  }
0x56: {  	[sflag:s18] =	ssyncset.done $0x0  }
0x57: {  	[sflag:s18] =	ssyncadd.s32 $0xFFFFFC18  }
0x58: {  	[tilespmem:s3], [sflag:$0x1] =	stream.linear.gather [hbm4b:s9+s3], $0x3E8, $0x38;
	[tilespmem:$0xD00] =	vst v63  }
0x59: {  	_ =	swait.ge [sflag:s18], $0x3E8  }
0x5a: {  	[sflag:s18] =	ssyncset.done $0x0  }
0x5b: {  	[sflag:s18] =	ssyncadd.s32 $0xFFFFFC18  }
0x5c: {  	[spmem:s2] =	stream.indirect.scatter.add.f32 [tilespmem:s20], [sflag:$0x1], $0x1, s3, s19, $0xb8;
	[tilespmem:$0xD00] =	vst v63  }
0x5d: {  	_ =	swait.ge [sflag:s18], $0x3E8  }
0x5e: {  	[sflag:s18] =	ssyncset.done $0x0  }
0x5f: {  	[sflag:s18] =	ssyncadd.s32 $0xFFFFFC18  }
0x60: {  	[tilespmem:s3], [sflag:$0x1] =	stream.linear.gather [hbm4b:s10+s3], $0x3E8, $0x38;
	[tilespmem:$0xD00] =	vst v63  }
0x61: {  	_ =	swait.ge [sflag:s18], $0x3E8  }
0x62: {  	[sflag:s18] =	ssyncset.done $0x0  }
0x63: {  	[sflag:s18] =	ssyncadd.s32 $0xFFFFFC18  }
0x64: {  	[spmem:s2] =	stream.indirect.scatter.add.f32 [tilespmem:s20], [sflag:$0x1], $0x1, s3, s19, $0xb8;
	[tilespmem:$0xD00] =	vst v63  }
0x65: {  	_ =	swait.ge [sflag:s18], $0x3E8  }
0x66: {  	[sflag:s18] =	ssyncset.done $0x0  }
0x67: {  	[sflag:s18] =	ssyncadd.s32 $0xFFFFFC18  }
0x68: {  	[tilespmem:s3], [sflag:$0x1] =	stream.linear.gather [hbm4b:s11+s3], $0x3E8, $0x38;
	[tilespmem:$0xD00] =	vst v63  }
0x69: {  	_ =	swait.ge [sflag:s18], $0x3E8  }
0x6a: {  	[sflag:s18] =	ssyncset.done $0x0  }
0x6b: {  	[sflag:s18] =	ssyncadd.s32 $0xFFFFFC18  }
0x6c: {  	[spmem:s2] =	stream.indirect.scatter.add.f32 [tilespmem:s20], [sflag:$0x1], $0x1, s3, s19, $0xb8;
	[tilespmem:$0xD00] =	vst v63  }
0x6d: {  	_ =	swait.ge [sflag:s18], $0x3E8  }
0x6e: {  	[sflag:s18] =	ssyncset.done $0x0  }
0x6f: {  	[sflag:s18] =	ssyncadd.s32 $0xFFFFFC18  }
0x70: {  	[tilespmem:s3], [sflag:$0x1] =	stream.linear.gather [hbm4b:s12+s3], $0x3E8, $0x38;
	[tilespmem:$0xD00] =	vst v63  }
0x71: {  	_ =	swait.ge [sflag:s18], $0x3E8  }
0x72: {  	[sflag:s18] =	ssyncset.done $0x0  }
0x73: {  	[sflag:s18] =	ssyncadd.s32 $0xFFFFFC18  }
0x74: {  	[spmem:s2] =	stream.indirect.scatter.add.f32 [tilespmem:s20], [sflag:$0x1], $0x1, s3, s19, $0xb8;
	[tilespmem:$0xD00] =	vst v63  }
0x75: {  	_ =	swait.ge [sflag:s18], $0x3E8  }
0x76: {  	[sflag:s18] =	ssyncset.done $0x0  }
0x77: {  	[sflag:s18] =	ssyncadd.s32 $0xFFFFFC18  }
0x78: {  	[tilespmem:s3], [sflag:$0x1] =	stream.linear.gather [hbm4b:s13+s3], $0x3E8, $0x38;
	[tilespmem:$0xD00] =	vst v63  }
0x79: {  	_ =	swait.ge [sflag:s18], $0x3E8  }
0x7a: {  	[sflag:s18] =	ssyncset.done $0x0  }
0x7b: {  	[sflag:s18] =	ssyncadd.s32 $0xFFFFFC18  }
0x7c: {  	[spmem:s2] =	stream.indirect.scatter.add.f32 [tilespmem:s20], [sflag:$0x1], $0x1, s3, s19, $0xb8;
	[tilespmem:$0xD00] =	vst v63  }
0x7d: {  	_ =	swait.ge [sflag:s18], $0x3E8  }
0x7e: {  	[sflag:s18] =	ssyncset.done $0x0  }
0x7f: {  	[sflag:s18] =	ssyncadd.s32 $0xFFFFFC18  }
0x80: {  	[tilespmem:s3], [sflag:$0x1] =	stream.linear.gather [hbm4b:s14+s3], $0x3E8, $0x38;
	[tilespmem:$0xD00] =	vst v63  }
0x81: {  	_ =	swait.ge [sflag:s18], $0x3E8  }
0x82: {  	[sflag:s18] =	ssyncset.done $0x0  }
0x83: {  	[sflag:s18] =	ssyncadd.s32 $0xFFFFFC18  }
0x84: {  	[spmem:s2] =	stream.indirect.scatter.add.f32 [tilespmem:s20], [sflag:$0x1], $0x1, s3, s19, $0xb8;
	[tilespmem:$0xD00] =	vst v63  }
0x85: {  	_ =	swait.ge [sflag:s18], $0x3E8  }
0x86: {  	[sflag:s18] =	ssyncset.done $0x0  }
0x87: {  	[sflag:s18] =	ssyncadd.s32 $0xFFFFFC18  }
0x88: {  	[tilespmem:s3], [sflag:$0x1] =	stream.linear.gather [hbm4b:s15+s3], $0x3E8, $0x38;
	[tilespmem:$0xD00] =	vst v63  }
0x89: {  	_ =	swait.ge [sflag:s18], $0x3E8  }
0x8a: {  	[sflag:s18] =	ssyncset.done $0x0  }
0x8b: {  	[sflag:s18] =	ssyncadd.s32 $0xFFFFFC18  }
0x8c: {  	[spmem:s2] =	stream.indirect.scatter.add.f32 [tilespmem:s20], [sflag:$0x1], $0x1, s3, s19, $0xb8;
	[tilespmem:$0xD00] =	vst v63  }
0x8d: {  	_ =	swait.ge [sflag:s18], $0x3E8  }
0x8e: {  	[sflag:s18] =	ssyncset.done $0x0  }
0x8f: {  	[sflag:s18] =	ssyncadd.s32 $0xFFFFFC18  }
0x90: {  	[tilespmem:s3], [sflag:$0x1] =	stream.linear.gather [hbm4b:s16+s3], $0x3E8, $0x38;
	[tilespmem:$0xD00] =	vst v63  }
0x91: {  	_ =	swait.ge [sflag:s18], $0x3E8  }
0x92: {  	[sflag:s18] =	ssyncset.done $0x0  }
0x93: {  	[sflag:s18] =	ssyncadd.s32 $0xFFFFFC18  }
0x94: {  	[spmem:s2] =	stream.indirect.scatter.add.f32 [tilespmem:s20], [sflag:$0x1], $0x1, s3, s19, $0xb8;
	[tilespmem:$0xD00] =	vst v63  }
0x95: {  	_ =	swait.ge [sflag:s18], $0x3E8  }
0x96: {  	s24 =	sadd.s32 $0x1, s24;
	[sflag:s18] =	ssyncset.done $0x0  }
0x97: {  	p0 =	sne.s32 s24, s7;
	[sflag:s18] =	ssyncadd.s32 $0xFFFFFC18  }
.Ltmp1:
0x98: {  	s25 =	sshrl.u32 s4, $0x3;
	[bflag:$0x0] =	sbarrier.arrive $0xFFFF;
	(pc) =	sbr.rel @p0 .LBB2_1-.Ltmp1, $4  }
0x99: {  	[hbm:s5@s22], [sflag:s21] =	dma.strided [spmem:s25@s23], $0x50, s18, $0x10   }
0x9a: {  	_ =	swait.ge [sflag:s18], $0x50  }
0x9b: {  	[sflag:s18] =	ssyncset.done $0x0  }
0x9c: {  	[sflag:s18] =	ssyncadd.s32 $0xFFFFFFB0  }
0x9d: {  	_ =	sfence.sel $0x180000  }
0x9e: {  	[bflag:$0x0] =	sbarrier.arrive $0xFFFF  }
0x9f: {  	p0 =	sne.s32 s0, $0x0;
	_ =	strace $0x90000047  }
0xa0: {  	s0 =	sadd.s32 @!p0 $0x100000, s1;
	[bflag:$0x2] =	sbarrier.arrive $0xFFFF  }
0xa1: {  	[sflag:s0] =	ssyncadd.tile.s32 @!p0 $0x1;
	_ =	shalt  }
.Lfunc_end2:
_tile_overlayer_lowered:
.L_overlay_start_2:
0xa2: {  	(tag) =	ssettag $0x2  }
0xa3: {  	s0 =	rddreg [dreg:$0x0];
	s2 =	stileid.u32  }
0xa4: {  	s1 =	rddreg [dreg:$0x1];
	p0 =	sne.s32 s2, $0x0  }
0xa5: {  	s3 =	rddreg [dreg:$0x2];
	[bflag:$0x3] =	sbarrier.arrive $0xFFFF;
	s2 =	simm.s32 @!p0 $0x1C01  }
0xa6: {  	[timem:s3], [sflag:s2] =	dma.local @!p0 [hbm:s0], s1  }
0xa7: {  	s0 =	simm.s32 @!p0 $0x1  }
0xa8: {  	_ =	swait.ge @!p0 [sflag:s0], s1  }
0xa9: {  	s1 =	ssub.s32 @!p0 $0x0, s1;
	[sflag:s0] =	ssyncset.done @!p0 $0x0  }
0xaa: {  	[sflag:s0] =	ssyncadd.s32 @!p0 s1  }
0xab: {  	[bflag:$0x3] =	sbarrier.arrive $0xFFFF  }
0xac: {  	_ =	shalt  }

</sc_bundles>
